<compile_context>
chip_gen: v7x
topology: tpu7x:2x2x1
jax: 0.10.2.dev20260603
libtpu: 0.0.44.dev20260713+nightly
codegen_flags: <defaults>
</compile_context>

<pallas_src>
import functools

import jax
import jax.numpy as jnp
from jax import lax
from jax.experimental import pallas as pl
from jax.experimental.pallas import tpu as pltpu
from jax.experimental.pallas import tpu_sc as plsc

N_NODES = 10000
D = 128
E = 320000
NC, NS = 2, 16
NW = NC * NS
CHUNK = 128
N_CHUNKS = E // CHUNK
BASE_CPW = N_CHUNKS // NW
EXTRA = N_CHUNKS % NW
N_ACC = 10240
ROWS_PER_TILE = N_ACC // NS
CW = 16


def _sc_aggregate_body(with_counts, table, src, dst, out, out_cnt,
                       ibuf_s, ibuf_d, rows_0, rows_1, acc, cnt, ones_buf,
                       sem_is0, sem_is1, sem_id0, sem_id1,
                       sem_g0a, sem_g0b, sem_g1a, sem_g1b,
                       sem_m0, sem_m1, sem_c0, sem_c1, sem_z):
    cid = lax.axis_index("c")
    sid = lax.axis_index("s")
    wid = sid * NC + cid
    nreal = BASE_CPW + jnp.where(wid < EXTRA, 1, 0)
    start = BASE_CPW * wid + jnp.minimum(wid, EXTRA)

    rows = (rows_0, rows_1)
    sem_is = (sem_is0, sem_is1)
    sem_id = (sem_id0, sem_id1)
    sem_g = ((sem_g0a, sem_g0b), (sem_g1a, sem_g1b))
    sem_m = (sem_m0, sem_m1)
    sem_c = (sem_c0, sem_c1)

    def _zero_rows(i, _):
        rows_0[lax.div(i, 8), pl.ds(lax.rem(i, 8) * 16, 16)] = jnp.zeros(
            (16,), jnp.float32)
        return 0
    lax.fori_loop(0, CHUNK * (D // 16), _zero_rows, 0)
    base = sid * ROWS_PER_TILE
    nz = ROWS_PER_TILE // CHUNK
    for z in range(nz):
        pltpu.async_copy(rows_0, acc.at[pl.ds(base + z * CHUNK, CHUNK)],
                         sem_z)
    if with_counts:
        for z in range(nz):
            pltpu.async_copy(rows_0.at[:, pl.ds(0, CW)],
                             cnt.at[pl.ds(base + z * CHUNK, CHUNK)], sem_z)

        def _fill_ones(i, _):
            ones_buf[i, pl.ds(0, CW)] = jnp.ones((CW,), jnp.float32)
            return 0
        lax.fori_loop(0, CHUNK, _fill_ones, 0)
    for z in range(nz):
        pltpu.make_async_copy(rows_0, acc.at[pl.ds(base + z * CHUNK, CHUNK)],
                              sem_z).wait()
    if with_counts:
        for z in range(nz):
            pltpu.make_async_copy(rows_0.at[:, pl.ds(0, CW)],
                                  cnt.at[pl.ds(base + z * CHUNK, CHUNK)],
                                  sem_z).wait()
    plsc.subcore_barrier()

    HC = CHUNK // 2
    ha_sl = pl.ds(0, HC)
    hb_sl = pl.ds(HC, HC)

    def _off(g):
        return (start + g) * CHUNK

    def _issue_idx(g, q, sync=False):
        if sync:
            pltpu.sync_copy(src.at[pl.ds(_off(g), CHUNK)], ibuf_s.at[q])
            pltpu.sync_copy(dst.at[pl.ds(_off(g), CHUNK)], ibuf_d.at[q])
        else:
            pltpu.async_copy(src.at[pl.ds(_off(g), CHUNK)], ibuf_s.at[q],
                             sem_is[q])
            pltpu.async_copy(dst.at[pl.ds(_off(g), CHUNK)], ibuf_d.at[q],
                             sem_id[q])

    def _wait_idx(g, q):
        pltpu.make_async_copy(src.at[pl.ds(_off(g), CHUNK)], ibuf_s.at[q],
                              sem_is[q]).wait()
        pltpu.make_async_copy(dst.at[pl.ds(_off(g), CHUNK)], ibuf_d.at[q],
                              sem_id[q]).wait()

    def _issue_gathers(p):
        pltpu.async_copy(table.at[ibuf_s.at[p, ha_sl]], rows[p].at[ha_sl],
                         sem_g[p][0])
        pltpu.async_copy(table.at[ibuf_s.at[p, hb_sl]], rows[p].at[hb_sl],
                         sem_g[p][1])

    def _wait_gathers(p):
        pltpu.make_async_copy(table.at[ibuf_s.at[p, ha_sl]],
                              rows[p].at[ha_sl], sem_g[p][0]).wait()
        pltpu.make_async_copy(table.at[ibuf_s.at[p, hb_sl]],
                              rows[p].at[hb_sl], sem_g[p][1]).wait()

    def _issue_scatters(p):
        pltpu.async_copy(rows[p], acc.at[ibuf_d.at[p]], sem_m[p], add=True)
        if with_counts:
            pltpu.async_copy(ones_buf, cnt.at[ibuf_d.at[p]], sem_c[p],
                             add=True)

    def _wait_scatters(p):
        pltpu.make_async_copy(rows[p], acc.at[ibuf_d.at[p]], sem_m[p]).wait()
        if with_counts:
            pltpu.make_async_copy(ones_buf, cnt.at[ibuf_d.at[p]],
                                  sem_c[p]).wait()

    _issue_idx(0, 0, sync=True)
    _issue_gathers(0)

    def _step(g, _):
        def do(p):
            q = 1 - p

            @pl.when(g >= 1)
            def _():
                _wait_scatters(q)

            @pl.when(g + 1 < nreal)
            def _():
                _issue_idx(g + 1, q)
            _wait_gathers(p)

            @pl.when(g + 1 < nreal)
            def _():
                _wait_idx(g + 1, q)
                _issue_gathers(q)
            _issue_scatters(p)

        par = lax.rem(g, 2)
        for br in range(2):
            @pl.when(par == br)
            def _(br=br):
                do(br)
        return 0

    lax.fori_loop(0, nreal, _step, 0)
    for br in range(2):
        @pl.when(lax.rem(nreal - 1, 2) == br)
        def _(br=br):
            _wait_scatters(br)
    plsc.subcore_barrier()

    pltpu.sync_copy(acc.at[pl.ds(base, ROWS_PER_TILE)],
                    out.at[cid, pl.ds(base, ROWS_PER_TILE)])
    if with_counts:
        pltpu.sync_copy(cnt.at[pl.ds(base, ROWS_PER_TILE)],
                        out_cnt.at[cid, pl.ds(base, ROWS_PER_TILE),
                                   pl.ds(0, CW)])


def _sc_aggregate(table, src, dst, with_counts):
    mesh = plsc.VectorSubcoreMesh(core_axis_name="c", subcore_axis_name="s")
    return pl.kernel(
        functools.partial(_sc_aggregate_body, with_counts),
        out_type=(jax.ShapeDtypeStruct((NC, N_ACC, D), jnp.float32),
                  jax.ShapeDtypeStruct((NC, N_ACC, D), jnp.float32)),
        mesh=mesh,
        compiler_params=pltpu.CompilerParams(use_tc_tiling_on_sc=False),
        scratch_types=[
            pltpu.VMEM((2, CHUNK), jnp.int32),
            pltpu.VMEM((2, CHUNK), jnp.int32),
            pltpu.VMEM((CHUNK, D), jnp.float32),
            pltpu.VMEM((CHUNK, D), jnp.float32),
            pltpu.VMEM_SHARED((N_ACC, D), jnp.float32),
            pltpu.VMEM_SHARED((N_ACC, CW), jnp.float32),
            pltpu.VMEM((CHUNK, CW), jnp.float32),
        ] + [pltpu.SemaphoreType.DMA] * 13,
    )(table, src, dst)


def _split_body(e_ref, s_ref, d_ref):
    s_ref[...] = e_ref[0]
    d_ref[...] = e_ref[1]


def _split_edges(edge_index):
    return pl.pallas_call(
        _split_body,
        out_shape=[jax.ShapeDtypeStruct((E,), jnp.int32),
                   jax.ShapeDtypeStruct((E,), jnp.int32)],
    )(edge_index)


def _dense_body(apply_relu, p_ref, c_ref, x_ref, wl_ref, wr_ref, b_ref,
                o_ref):
    s = p_ref[0] + p_ref[1]
    cnt = c_ref[0, :, 0:1] + c_ref[1, :, 0:1]
    mean = s / jnp.maximum(cnt, 1.0)
    y = (jnp.dot(mean, wl_ref[...], preferred_element_type=jnp.float32)
         + jnp.dot(x_ref[...], wr_ref[...], preferred_element_type=jnp.float32)
         + b_ref[...])
    if apply_relu:
        y = jnp.maximum(y, 0.0)
    o_ref[...] = y


def _dense(partials, counts, x, W_l, W_r, b, apply_relu):
    B = 2000
    return pl.pallas_call(
        functools.partial(_dense_body, apply_relu),
        grid=(N_NODES // B,),
        in_specs=[
            pl.BlockSpec((NC, B, D), lambda i: (0, i, 0)),
            pl.BlockSpec((NC, B, D), lambda i: (0, i, 0)),
            pl.BlockSpec((B, D), lambda i: (i, 0)),
            pl.BlockSpec((D, D), lambda i: (0, 0)),
            pl.BlockSpec((D, D), lambda i: (0, 0)),
            pl.BlockSpec((1, D), lambda i: (0, 0)),
        ],
        out_specs=pl.BlockSpec((B, D), lambda i: (i, 0)),
        out_shape=jax.ShapeDtypeStruct((N_NODES, D), jnp.float32),
    )(partials, counts, x, W_l, W_r, b)


def kernel(x, edge_index, W1_l, W1_r, b1, W2_l, W2_r, b2):
    src, dst = _split_edges(edge_index.astype(jnp.int32))

    p1, c1 = _sc_aggregate(x, src, dst, with_counts=True)
    h = _dense(p1, c1, x, W1_l, W1_r, b1.reshape(1, D), apply_relu=True)
    p2, _ = _sc_aggregate(h, src, dst, with_counts=False)
    out = _dense(p2, c1, h, W2_l, W2_r, b2.reshape(1, D), apply_relu=False)
    return out

# --- scband reference (transcript-rebuilt; emitter-appended) ---
"""Pipeline reference for scband-symbiose-gnn-82377472737678 (READ-ONLY COPY).

The authoritative reference and input builder live on the scoring server;
editing this copy changes nothing except your own understanding.
"""

import jax, jax.numpy as jnp
import numpy as np

N_NODES = 10000

def setup_inputs(seed: int = 0) -> dict:
    key = jax.random.key(seed)
    k_x, k_e, k1, k2, k3, k4 = jax.random.split(key, 6)
    d_in, d_hid, d_out = 128, 128, 128
    x = jax.random.normal(k_x, (N_NODES, d_in), dtype=jnp.float32)
    edge_index = jax.random.randint(k_e, (2, 320000), 0, N_NODES, dtype=jnp.int64)
    s1 = 1.0 / np.sqrt(d_in)
    s2 = 1.0 / np.sqrt(d_hid)
    W1_l = jax.random.uniform(k1, (d_in, d_hid), minval=-s1, maxval=s1, dtype=jnp.float32)
    W1_r = jax.random.uniform(k2, (d_in, d_hid), minval=-s1, maxval=s1, dtype=jnp.float32)
    b1 = jnp.zeros((d_hid,), dtype=jnp.float32)
    W2_l = jax.random.uniform(k3, (d_hid, d_out), minval=-s2, maxval=s2, dtype=jnp.float32)
    W2_r = jax.random.uniform(k4, (d_hid, d_out), minval=-s2, maxval=s2, dtype=jnp.float32)
    b2 = jnp.zeros((d_out,), dtype=jnp.float32)
    return {"x": x, "edge_index": edge_index, "W1_l": W1_l, "W1_r": W1_r, "b1": b1, "W2_l": W2_l, "W2_r": W2_r, "b2": b2}

def _sage_conv(x, src, dst, W_l, W_r, b):
    # PyG SAGEConv (aggr='mean'): out = lin_l(mean_j x_j) + lin_r(x_i)
    msgs = jnp.take(x, src, axis=0)
    agg = jax.ops.segment_sum(msgs, dst, num_segments=N_NODES)
    cnt = jax.ops.segment_sum(jnp.ones((src.shape[0],), dtype=x.dtype), dst, num_segments=N_NODES)
    mean = agg / jnp.clip(cnt, 1.0)[:, None]
    return mean @ W_l + b + x @ W_r

def reference(x, edge_index, W1_l, W1_r, b1, W2_l, W2_r, b2):
    src = edge_index[0]
    dst = edge_index[1]
    h = _sage_conv(x, src, dst, W1_l, W1_r, b1)
    h = jax.nn.relu(h)
    out = _sage_conv(h, src, dst, W2_l, W2_r, b2)
    return out

if __name__ == "__main__":
    import jax
    _d = setup_inputs()
    print(jax.jit(kernel)(*tuple(_d.values())))

</pallas_src>

<mosaic_0001>
#map = affine_map<(d0, d1) -> (0, 0)>
#map1 = affine_map<(d0, d1) -> (0)>
#map2 = affine_map<(d0, d1) -> (0, 0, 0)>
module attributes {stable_mosaic.version = 14 : i64} {
  func.func @_sc_aggregate_body(%arg0: i32, %arg1: i32, %arg2: memref<10000x128xf32, #tpu.memory_space<hbm>>, %arg3: memref<320000xi32, #tpu.memory_space<hbm>>, %arg4: memref<320000xi32, #tpu.memory_space<hbm>>, %arg5: memref<2x10240x128xf32, #tpu.memory_space<hbm>>, %arg6: memref<2x10240x128xf32, #tpu.memory_space<hbm>>, %arg7: memref<2x128xi32, #tpu.memory_space<vmem>>, %arg8: memref<2x128xi32, #tpu.memory_space<vmem>>, %arg9: memref<128x128xf32, #tpu.memory_space<vmem>>, %arg10: memref<128x128xf32, #tpu.memory_space<vmem>>, %arg11: memref<10240x128xf32, #tpu.memory_space<vmem_shared>>, %arg12: memref<10240x16xf32, #tpu.memory_space<vmem_shared>>, %arg13: memref<128x16xf32, #tpu.memory_space<vmem>>, %arg14: memref<!tpu.dma_semaphore, #tpu.memory_space<semaphore_mem>>, %arg15: memref<!tpu.dma_semaphore, #tpu.memory_space<semaphore_mem>>, %arg16: memref<!tpu.dma_semaphore, #tpu.memory_space<semaphore_mem>>, %arg17: memref<!tpu.dma_semaphore, #tpu.memory_space<semaphore_mem>>, %arg18: memref<!tpu.dma_semaphore, #tpu.memory_space<semaphore_mem>>, %arg19: memref<!tpu.dma_semaphore, #tpu.memory_space<semaphore_mem>>, %arg20: memref<!tpu.dma_semaphore, #tpu.memory_space<semaphore_mem>>, %arg21: memref<!tpu.dma_semaphore, #tpu.memory_space<semaphore_mem>>, %arg22: memref<!tpu.dma_semaphore, #tpu.memory_space<semaphore_mem>>, %arg23: memref<!tpu.dma_semaphore, #tpu.memory_space<semaphore_mem>>, %arg24: memref<!tpu.dma_semaphore, #tpu.memory_space<semaphore_mem>>, %arg25: memref<!tpu.dma_semaphore, #tpu.memory_space<semaphore_mem>>, %arg26: memref<!tpu.dma_semaphore, #tpu.memory_space<semaphore_mem>>) attributes {dimension_semantics = [#tpu.dimension_semantics<core_parallel>, #tpu.dimension_semantics<subcore_parallel>], iteration_bounds = array<i64: 2, 16>, scalar_prefetch = 0 : i64, scratch_operands = 20 : i64, tpu.core_type = #tpu.core_type<sc_vector_subcore>, window_params = [{transform_indices = #map}, {transform_indices = #map1}, {transform_indices = #map1}, {transform_indices = #map2}, {transform_indices = #map2}]} {
    %mul3A = arith.constant 2 : i32
    %mul3A_0 = arith.muli %arg1, %mul3A : i32
    %add3A = arith.addi %mul3A_0, %arg0 : i32
    %lt3A = arith.constant 4 : i32
    %lt3A_1 = arith.cmpi slt, %add3A, %lt3A : i32
    %jit3A = arith.constant 1 : i32
    %jit3A_2 = arith.constant 0 : i32
    %select_n3A = arith.select %lt3A_1, %jit3A, %jit3A_2 : i32
    %add3A_3 = arith.constant 78 : i32
    %add3A_4 = arith.addi %add3A_3, %select_n3A : i32
    %mul3A_5 = arith.constant 78 : i32
    %mul3A_6 = arith.muli %mul3A_5, %add3A : i32
    %min3A = arith.constant 4 : i32
    %min3A_7 = arith.minsi %add3A, %min3A : i32
    %add3A_8 = arith.addi %mul3A_6, %min3A_7 : i32
    %scan3A = arith.constant 0 : i32
    %scan3A_9 = arith.constant 0 : i32
    %scan3A_10 = arith.constant 1024 : i32
    %scan3A_11 = arith.addi %scan3A_9, %scan3A_10 : i32
    %scan3A_12 = arith.constant 1 : i32
    %scan3A_13 = scf.for %scan3A_256 = %scan3A_9 to %scan3A_11 step %scan3A_12 iter_args(%scan3A_257 = %scan3A) -> (i32)  : i32 {
      %broadcast_in_dim3A = arith.constant 0.000000e+00 : f32
      %broadcast_in_dim3A_258 = vector.broadcast %broadcast_in_dim3A : f32 to vector<16xf32>
      %div3A = arith.constant 8 : i32
      %div3A_259 = arith.divsi %scan3A_256, %div3A : i32
      %rem3A_260 = arith.constant 8 : i32
      %rem3A_261 = arith.remsi %scan3A_256, %rem3A_260 : i32
      %mul3A_262 = arith.constant 16 : i32
      %mul3A_263 = arith.muli %rem3A_261, %mul3A_262 : i32
      %swap3A = arith.index_cast %div3A_259 : i32 to index
      %swap3A_264 = arith.index_cast %mul3A_263 : i32 to index
      %swap3A_265 = tpu.vector_load %arg9[%swap3A, %swap3A_264] {strides = array<i32>} : memref<128x128xf32, #tpu.memory_space<vmem>>, vector<1x16xf32>,
      %swap3A_266 = vector.shape_cast %swap3A_265 : vector<1x16xf32> to vector<16xf32>
      %swap3A_267 = vector.shape_cast %broadcast_in_dim3A_258 : vector<16xf32> to vector<1x16xf32>
      tpu.vector_store %arg9[%swap3A, %swap3A_264], %swap3A_267 {strides = array<i32>} : memref<128x128xf32, #tpu.memory_space<vmem>>, vector<1x16xf32>,
      %scan3A_268 = arith.constant 0 : i32
      scf.yield %scan3A_268 : i32
    }
    %scan3A_14 = arith.constant 1024 : i32
    %mul3A_15 = arith.constant 640 : i32
    %mul3A_16 = arith.muli %arg1, %mul3A_15 : i32
    %add3A_17 = arith.constant 0 : i32
    %add3A_18 = arith.addi %mul3A_16, %add3A_17 : i32
    %dma_start3A = arith.constant 0 : i32
    %dma_start3A_19 = tpu.memref_slice %arg11[%add3A_18, %dma_start3A] : memref<10240x128xf32, #tpu.memory_space<vmem_shared>> -> memref<128x128xf32, #tpu.memory_space<vmem_shared>>
    %dma_start3A_20 = arith.constant 0 : i32
    %dma_start3A_21 = tpu.memref_slice %arg11[%add3A_18, %dma_start3A_20] : memref<10240x128xf32, #tpu.memory_space<vmem_shared>> -> memref<128x128xf32, #tpu.memory_space<vmem_shared>>
    tpu.enqueue_dma source(%arg9 : memref<128x128xf32, #tpu.memory_space<vmem>>) target(%dma_start3A_21 : memref<128x128xf32, #tpu.memory_space<vmem_shared>>) target_semaphore(%arg26 : memref<!tpu.dma_semaphore, #tpu.memory_space<semaphore_mem>>)
    %add3A_22 = arith.constant 128 : i32
    %add3A_23 = arith.addi %mul3A_16, %add3A_22 : i32
    %dma_start3A_24 = arith.constant 0 : i32
    %dma_start3A_25 = tpu.memref_slice %arg11[%add3A_23, %dma_start3A_24] : memref<10240x128xf32, #tpu.memory_space<vmem_shared>> -> memref<128x128xf32, #tpu.memory_space<vmem_shared>>
    %dma_start3A_26 = arith.constant 0 : i32
    %dma_start3A_27 = tpu.memref_slice %arg11[%add3A_23, %dma_start3A_26] : memref<10240x128xf32, #tpu.memory_space<vmem_shared>> -> memref<128x128xf32, #tpu.memory_space<vmem_shared>>
    tpu.enqueue_dma source(%arg9 : memref<128x128xf32, #tpu.memory_space<vmem>>) target(%dma_start3A_27 : memref<128x128xf32, #tpu.memory_space<vmem_shared>>) target_semaphore(%arg26 : memref<!tpu.dma_semaphore, #tpu.memory_space<semaphore_mem>>)
    %add3A_28 = arith.constant 256 : i32
    %add3A_29 = arith.addi %mul3A_16, %add3A_28 : i32
    %dma_start3A_30 = arith.constant 0 : i32
    %dma_start3A_31 = tpu.memref_slice %arg11[%add3A_29, %dma_start3A_30] : memref<10240x128xf32, #tpu.memory_space<vmem_shared>> -> memref<128x128xf32, #tpu.memory_space<vmem_shared>>
    %dma_start3A_32 = arith.constant 0 : i32
    %dma_start3A_33 = tpu.memref_slice %arg11[%add3A_29, %dma_start3A_32] : memref<10240x128xf32, #tpu.memory_space<vmem_shared>> -> memref<128x128xf32, #tpu.memory_space<vmem_shared>>
    tpu.enqueue_dma source(%arg9 : memref<128x128xf32, #tpu.memory_space<vmem>>) target(%dma_start3A_33 : memref<128x128xf32, #tpu.memory_space<vmem_shared>>) target_semaphore(%arg26 : memref<!tpu.dma_semaphore, #tpu.memory_space<semaphore_mem>>)
    %add3A_34 = arith.constant 384 : i32
    %add3A_35 = arith.addi %mul3A_16, %add3A_34 : i32
    %dma_start3A_36 = arith.constant 0 : i32
    %dma_start3A_37 = tpu.memref_slice %arg11[%add3A_35, %dma_start3A_36] : memref<10240x128xf32, #tpu.memory_space<vmem_shared>> -> memref<128x128xf32, #tpu.memory_space<vmem_shared>>
    %dma_start3A_38 = arith.constant 0 : i32
    %dma_start3A_39 = tpu.memref_slice %arg11[%add3A_35, %dma_start3A_38] : memref<10240x128xf32, #tpu.memory_space<vmem_shared>> -> memref<128x128xf32, #tpu.memory_space<vmem_shared>>
    tpu.enqueue_dma source(%arg9 : memref<128x128xf32, #tpu.memory_space<vmem>>) target(%dma_start3A_39 : memref<128x128xf32, #tpu.memory_space<vmem_shared>>) target_semaphore(%arg26 : memref<!tpu.dma_semaphore, #tpu.memory_space<semaphore_mem>>)
    %add3A_40 = arith.constant 512 : i32
    %add3A_41 = arith.addi %mul3A_16, %add3A_40 : i32
    %dma_start3A_42 = arith.constant 0 : i32
    %dma_start3A_43 = tpu.memref_slice %arg11[%add3A_41, %dma_start3A_42] : memref<10240x128xf32, #tpu.memory_space<vmem_shared>> -> memref<128x128xf32, #tpu.memory_space<vmem_shared>>
    %dma_start3A_44 = arith.constant 0 : i32
    %dma_start3A_45 = tpu.memref_slice %arg11[%add3A_41, %dma_start3A_44] : memref<10240x128xf32, #tpu.memory_space<vmem_shared>> -> memref<128x128xf32, #tpu.memory_space<vmem_shared>>
    tpu.enqueue_dma source(%arg9 : memref<128x128xf32, #tpu.memory_space<vmem>>) target(%dma_start3A_45 : memref<128x128xf32, #tpu.memory_space<vmem_shared>>) target_semaphore(%arg26 : memref<!tpu.dma_semaphore, #tpu.memory_space<semaphore_mem>>)
    %add3A_46 = arith.constant 0 : i32
    %add3A_47 = arith.addi %mul3A_16, %add3A_46 : i32
    %dma_start3A_48 = arith.constant 0 : i32
    %dma_start3A_49 = arith.constant 0 : i32
    %dma_start3A_50 = tpu.memref_slice %arg9[%dma_start3A_48, %dma_start3A_49] : memref<128x128xf32, #tpu.memory_space<vmem>> -> memref<128x16xf32, #tpu.memory_space<vmem>>
    %dma_start3A_51 = arith.constant 0 : i32
    %dma_start3A_52 = tpu.memref_slice %arg12[%add3A_47, %dma_start3A_51] : memref<10240x16xf32, #tpu.memory_space<vmem_shared>> -> memref<128x16xf32, #tpu.memory_space<vmem_shared>>
    %dma_start3A_53 = arith.constant 0 : i32
    %dma_start3A_54 = tpu.memref_slice %arg12[%add3A_47, %dma_start3A_53] : memref<10240x16xf32, #tpu.memory_space<vmem_shared>> -> memref<128x16xf32, #tpu.memory_space<vmem_shared>>
    %dma_start3A_55 = arith.constant 0 : i32
    %dma_start3A_56 = arith.constant 0 : i32
    %dma_start3A_57 = tpu.memref_slice %arg9[%dma_start3A_55, %dma_start3A_56] : memref<128x128xf32, #tpu.memory_space<vmem>> -> memref<128x16xf32, #tpu.memory_space<vmem>>
    tpu.enqueue_dma source(%dma_start3A_57 : memref<128x16xf32, #tpu.memory_space<vmem>>) target(%dma_start3A_54 : memref<128x16xf32, #tpu.memory_space<vmem_shared>>) target_semaphore(%arg26 : memref<!tpu.dma_semaphore, #tpu.memory_space<semaphore_mem>>)
    %add3A_58 = arith.constant 128 : i32
    %add3A_59 = arith.addi %mul3A_16, %add3A_58 : i32
    %dma_start3A_60 = arith.constant 0 : i32
    %dma_start3A_61 = arith.constant 0 : i32
    %dma_start3A_62 = tpu.memref_slice %arg9[%dma_start3A_60, %dma_start3A_61] : memref<128x128xf32, #tpu.memory_space<vmem>> -> memref<128x16xf32, #tpu.memory_space<vmem>>
    %dma_start3A_63 = arith.constant 0 : i32
    %dma_start3A_64 = tpu.memref_slice %arg12[%add3A_59, %dma_start3A_63] : memref<10240x16xf32, #tpu.memory_space<vmem_shared>> -> memref<128x16xf32, #tpu.memory_space<vmem_shared>>
    %dma_start3A_65 = arith.constant 0 : i32
    %dma_start3A_66 = tpu.memref_slice %arg12[%add3A_59, %dma_start3A_65] : memref<10240x16xf32, #tpu.memory_space<vmem_shared>> -> memref<128x16xf32, #tpu.memory_space<vmem_shared>>
    %dma_start3A_67 = arith.constant 0 : i32
    %dma_start3A_68 = arith.constant 0 : i32
    %dma_start3A_69 = tpu.memref_slice %arg9[%dma_start3A_67, %dma_start3A_68] : memref<128x128xf32, #tpu.memory_space<vmem>> -> memref<128x16xf32, #tpu.memory_space<vmem>>
    tpu.enqueue_dma source(%dma_start3A_69 : memref<128x16xf32, #tpu.memory_space<vmem>>) target(%dma_start3A_66 : memref<128x16xf32, #tpu.memory_space<vmem_shared>>) target_semaphore(%arg26 : memref<!tpu.dma_semaphore, #tpu.memory_space<semaphore_mem>>)
    %add3A_70 = arith.constant 256 : i32
    %add3A_71 = arith.addi %mul3A_16, %add3A_70 : i32
    %dma_start3A_72 = arith.constant 0 : i32
    %dma_start3A_73 = arith.constant 0 : i32
    %dma_start3A_74 = tpu.memref_slice %arg9[%dma_start3A_72, %dma_start3A_73] : memref<128x128xf32, #tpu.memory_space<vmem>> -> memref<128x16xf32, #tpu.memory_space<vmem>>
    %dma_start3A_75 = arith.constant 0 : i32
    %dma_start3A_76 = tpu.memref_slice %arg12[%add3A_71, %dma_start3A_75] : memref<10240x16xf32, #tpu.memory_space<vmem_shared>> -> memref<128x16xf32, #tpu.memory_space<vmem_shared>>
    %dma_start3A_77 = arith.constant 0 : i32
    %dma_start3A_78 = tpu.memref_slice %arg12[%add3A_71, %dma_start3A_77] : memref<10240x16xf32, #tpu.memory_space<vmem_shared>> -> memref<128x16xf32, #tpu.memory_space<vmem_shared>>
    %dma_start3A_79 = arith.constant 0 : i32
    %dma_start3A_80 = arith.constant 0 : i32
    %dma_start3A_81 = tpu.memref_slice %arg9[%dma_start3A_79, %dma_start3A_80] : memref<128x128xf32, #tpu.memory_space<vmem>> -> memref<128x16xf32, #tpu.memory_space<vmem>>
    tpu.enqueue_dma source(%dma_start3A_81 : memref<128x16xf32, #tpu.memory_space<vmem>>) target(%dma_start3A_78 : memref<128x16xf32, #tpu.memory_space<vmem_shared>>) target_semaphore(%arg26 : memref<!tpu.dma_semaphore, #tpu.memory_space<semaphore_mem>>)
    %add3A_82 = arith.constant 384 : i32
    %add3A_83 = arith.addi %mul3A_16, %add3A_82 : i32
    %dma_start3A_84 = arith.constant 0 : i32
    %dma_start3A_85 = arith.constant 0 : i32
    %dma_start3A_86 = tpu.memref_slice %arg9[%dma_start3A_84, %dma_start3A_85] : memref<128x128xf32, #tpu.memory_space<vmem>> -> memref<128x16xf32, #tpu.memory_space<vmem>>
    %dma_start3A_87 = arith.constant 0 : i32
    %dma_start3A_88 = tpu.memref_slice %arg12[%add3A_83, %dma_start3A_87] : memref<10240x16xf32, #tpu.memory_space<vmem_shared>> -> memref<128x16xf32, #tpu.memory_space<vmem_shared>>
    %dma_start3A_89 = arith.constant 0 : i32
    %dma_start3A_90 = tpu.memref_slice %arg12[%add3A_83, %dma_start3A_89] : memref<10240x16xf32, #tpu.memory_space<vmem_shared>> -> memref<128x16xf32, #tpu.memory_space<vmem_shared>>
    %dma_start3A_91 = arith.constant 0 : i32
    %dma_start3A_92 = arith.constant 0 : i32
    %dma_start3A_93 = tpu.memref_slice %arg9[%dma_start3A_91, %dma_start3A_92] : memref<128x128xf32, #tpu.memory_space<vmem>> -> memref<128x16xf32, #tpu.memory_space<vmem>>
    tpu.enqueue_dma source(%dma_start3A_93 : memref<128x16xf32, #tpu.memory_space<vmem>>) target(%dma_start3A_90 : memref<128x16xf32, #tpu.memory_space<vmem_shared>>) target_semaphore(%arg26 : memref<!tpu.dma_semaphore, #tpu.memory_space<semaphore_mem>>)
    %add3A_94 = arith.constant 512 : i32
    %add3A_95 = arith.addi %mul3A_16, %add3A_94 : i32
    %dma_start3A_96 = arith.constant 0 : i32
    %dma_start3A_97 = arith.constant 0 : i32
    %dma_start3A_98 = tpu.memref_slice %arg9[%dma_start3A_96, %dma_start3A_97] : memref<128x128xf32, #tpu.memory_space<vmem>> -> memref<128x16xf32, #tpu.memory_space<vmem>>
    %dma_start3A_99 = arith.constant 0 : i32
    %dma_start3A_100 = tpu.memref_slice %arg12[%add3A_95, %dma_start3A_99] : memref<10240x16xf32, #tpu.memory_space<vmem_shared>> -> memref<128x16xf32, #tpu.memory_space<vmem_shared>>
    %dma_start3A_101 = arith.constant 0 : i32
    %dma_start3A_102 = tpu.memref_slice %arg12[%add3A_95, %dma_start3A_101] : memref<10240x16xf32, #tpu.memory_space<vmem_shared>> -> memref<128x16xf32, #tpu.memory_space<vmem_shared>>
    %dma_start3A_103 = arith.constant 0 : i32
    %dma_start3A_104 = arith.constant 0 : i32
    %dma_start3A_105 = tpu.memref_slice %arg9[%dma_start3A_103, %dma_start3A_104] : memref<128x128xf32, #tpu.memory_space<vmem>> -> memref<128x16xf32, #tpu.memory_space<vmem>>
    tpu.enqueue_dma source(%dma_start3A_105 : memref<128x16xf32, #tpu.memory_space<vmem>>) target(%dma_start3A_102 : memref<128x16xf32, #tpu.memory_space<vmem_shared>>) target_semaphore(%arg26 : memref<!tpu.dma_semaphore, #tpu.memory_space<semaphore_mem>>)
    %scan3A_106 = arith.constant 0 : i32
    %scan3A_107 = arith.constant 0 : i32
    %scan3A_108 = arith.constant 128 : i32
    %scan3A_109 = arith.addi %scan3A_107, %scan3A_108 : i32
    %scan3A_110 = arith.constant 1 : i32
    %scan3A_111 = scf.for %scan3A_256 = %scan3A_107 to %scan3A_109 step %scan3A_110 iter_args(%scan3A_257 = %scan3A_106) -> (i32)  : i32 {
      %broadcast_in_dim3A = arith.constant 1.000000e+00 : f32
      %broadcast_in_dim3A_258 = vector.broadcast %broadcast_in_dim3A : f32 to vector<16xf32>
      %swap3A = arith.index_cast %scan3A_256 : i32 to index
      %swap3A_259 = arith.constant 0 : index
      %swap3A_260 = tpu.vector_load %arg13[%swap3A, %swap3A_259] {strides = array<i32>} : memref<128x16xf32, #tpu.memory_space<vmem>>, vector<1x16xf32>,
      %swap3A_261 = vector.shape_cast %swap3A_260 : vector<1x16xf32> to vector<16xf32>
      %swap3A_262 = vector.shape_cast %broadcast_in_dim3A_258 : vector<16xf32> to vector<1x16xf32>
      tpu.vector_store %arg13[%swap3A, %swap3A_259], %swap3A_262 {strides = array<i32>} : memref<128x16xf32, #tpu.memory_space<vmem>>, vector<1x16xf32>,
      %scan3A_263 = arith.constant 0 : i32
      scf.yield %scan3A_263 : i32
    }
    %scan3A_112 = arith.constant 128 : i32
    %add3A_113 = arith.constant 0 : i32
    %add3A_114 = arith.addi %mul3A_16, %add3A_113 : i32
    %dma_wait3A = arith.constant 0 : i32
    %dma_wait3A_115 = tpu.memref_slice %arg11[%add3A_114, %dma_wait3A] : memref<10240x128xf32, #tpu.memory_space<vmem_shared>> -> memref<128x128xf32, #tpu.memory_space<vmem_shared>>
    %dma_wait3A_116 = arith.constant 0 : i32
    %dma_wait3A_117 = tpu.memref_slice %arg11[%add3A_114, %dma_wait3A_116] : memref<10240x128xf32, #tpu.memory_space<vmem_shared>> -> memref<128x128xf32, #tpu.memory_space<vmem_shared>>
    tpu.wait_dma2 semaphore(%arg26 : memref<!tpu.dma_semaphore, #tpu.memory_space<semaphore_mem>>) src(%arg9 : memref<128x128xf32, #tpu.memory_space<vmem>>) dst(%dma_wait3A_117 : memref<128x128xf32, #tpu.memory_space<vmem_shared>>)
    %add3A_118 = arith.constant 128 : i32
    %add3A_119 = arith.addi %mul3A_16, %add3A_118 : i32
    %dma_wait3A_120 = arith.constant 0 : i32
    %dma_wait3A_121 = tpu.memref_slice %arg11[%add3A_119, %dma_wait3A_120] : memref<10240x128xf32, #tpu.memory_space<vmem_shared>> -> memref<128x128xf32, #tpu.memory_space<vmem_shared>>
    %dma_wait3A_122 = arith.constant 0 : i32
    %dma_wait3A_123 = tpu.memref_slice %arg11[%add3A_119, %dma_wait3A_122] : memref<10240x128xf32, #tpu.memory_space<vmem_shared>> -> memref<128x128xf32, #tpu.memory_space<vmem_shared>>
    tpu.wait_dma2 semaphore(%arg26 : memref<!tpu.dma_semaphore, #tpu.memory_space<semaphore_mem>>) src(%arg9 : memref<128x128xf32, #tpu.memory_space<vmem>>) dst(%dma_wait3A_123 : memref<128x128xf32, #tpu.memory_space<vmem_shared>>)
    %add3A_124 = arith.constant 256 : i32
    %add3A_125 = arith.addi %mul3A_16, %add3A_124 : i32
    %dma_wait3A_126 = arith.constant 0 : i32
    %dma_wait3A_127 = tpu.memref_slice %arg11[%add3A_125, %dma_wait3A_126] : memref<10240x128xf32, #tpu.memory_space<vmem_shared>> -> memref<128x128xf32, #tpu.memory_space<vmem_shared>>
    %dma_wait3A_128 = arith.constant 0 : i32
    %dma_wait3A_129 = tpu.memref_slice %arg11[%add3A_125, %dma_wait3A_128] : memref<10240x128xf32, #tpu.memory_space<vmem_shared>> -> memref<128x128xf32, #tpu.memory_space<vmem_shared>>
    tpu.wait_dma2 semaphore(%arg26 : memref<!tpu.dma_semaphore, #tpu.memory_space<semaphore_mem>>) src(%arg9 : memref<128x128xf32, #tpu.memory_space<vmem>>) dst(%dma_wait3A_129 : memref<128x128xf32, #tpu.memory_space<vmem_shared>>)
    %add3A_130 = arith.constant 384 : i32
    %add3A_131 = arith.addi %mul3A_16, %add3A_130 : i32
    %dma_wait3A_132 = arith.constant 0 : i32
    %dma_wait3A_133 = tpu.memref_slice %arg11[%add3A_131, %dma_wait3A_132] : memref<10240x128xf32, #tpu.memory_space<vmem_shared>> -> memref<128x128xf32, #tpu.memory_space<vmem_shared>>
    %dma_wait3A_134 = arith.constant 0 : i32
    %dma_wait3A_135 = tpu.memref_slice %arg11[%add3A_131, %dma_wait3A_134] : memref<10240x128xf32, #tpu.memory_space<vmem_shared>> -> memref<128x128xf32, #tpu.memory_space<vmem_shared>>
    tpu.wait_dma2 semaphore(%arg26 : memref<!tpu.dma_semaphore, #tpu.memory_space<semaphore_mem>>) src(%arg9 : memref<128x128xf32, #tpu.memory_space<vmem>>) dst(%dma_wait3A_135 : memref<128x128xf32, #tpu.memory_space<vmem_shared>>)
    %add3A_136 = arith.constant 512 : i32
    %add3A_137 = arith.addi %mul3A_16, %add3A_136 : i32
    %dma_wait3A_138 = arith.constant 0 : i32
    %dma_wait3A_139 = tpu.memref_slice %arg11[%add3A_137, %dma_wait3A_138] : memref<10240x128xf32, #tpu.memory_space<vmem_shared>> -> memref<128x128xf32, #tpu.memory_space<vmem_shared>>
    %dma_wait3A_140 = arith.constant 0 : i32
    %dma_wait3A_141 = tpu.memref_slice %arg11[%add3A_137, %dma_wait3A_140] : memref<10240x128xf32, #tpu.memory_space<vmem_shared>> -> memref<128x128xf32, #tpu.memory_space<vmem_shared>>
    tpu.wait_dma2 semaphore(%arg26 : memref<!tpu.dma_semaphore, #tpu.memory_space<semaphore_mem>>) src(%arg9 : memref<128x128xf32, #tpu.memory_space<vmem>>) dst(%dma_wait3A_141 : memref<128x128xf32, #tpu.memory_space<vmem_shared>>)
    %add3A_142 = arith.constant 0 : i32
    %add3A_143 = arith.addi %mul3A_16, %add3A_142 : i32
    %dma_wait3A_144 = arith.constant 0 : i32
    %dma_wait3A_145 = arith.constant 0 : i32
    %dma_wait3A_146 = tpu.memref_slice %arg9[%dma_wait3A_144, %dma_wait3A_145] : memref<128x128xf32, #tpu.memory_space<vmem>> -> memref<128x16xf32, #tpu.memory_space<vmem>>
    %dma_wait3A_147 = arith.constant 0 : i32
    %dma_wait3A_148 = tpu.memref_slice %arg12[%add3A_143, %dma_wait3A_147] : memref<10240x16xf32, #tpu.memory_space<vmem_shared>> -> memref<128x16xf32, #tpu.memory_space<vmem_shared>>
    %dma_wait3A_149 = arith.constant 0 : i32
    %dma_wait3A_150 = tpu.memref_slice %arg12[%add3A_143, %dma_wait3A_149] : memref<10240x16xf32, #tpu.memory_space<vmem_shared>> -> memref<128x16xf32, #tpu.memory_space<vmem_shared>>
    %dma_wait3A_151 = arith.constant 0 : i32
    %dma_wait3A_152 = arith.constant 0 : i32
    %dma_wait3A_153 = tpu.memref_slice %arg9[%dma_wait3A_151, %dma_wait3A_152] : memref<128x128xf32, #tpu.memory_space<vmem>> -> memref<128x16xf32, #tpu.memory_space<vmem>>
    tpu.wait_dma2 semaphore(%arg26 : memref<!tpu.dma_semaphore, #tpu.memory_space<semaphore_mem>>) src(%dma_wait3A_153 : memref<128x16xf32, #tpu.memory_space<vmem>>) dst(%dma_wait3A_150 : memref<128x16xf32, #tpu.memory_space<vmem_shared>>)
    %add3A_154 = arith.constant 128 : i32
    %add3A_155 = arith.addi %mul3A_16, %add3A_154 : i32
    %dma_wait3A_156 = arith.constant 0 : i32
    %dma_wait3A_157 = arith.constant 0 : i32
    %dma_wait3A_158 = tpu.memref_slice %arg9[%dma_wait3A_156, %dma_wait3A_157] : memref<128x128xf32, #tpu.memory_space<vmem>> -> memref<128x16xf32, #tpu.memory_space<vmem>>
    %dma_wait3A_159 = arith.constant 0 : i32
    %dma_wait3A_160 = tpu.memref_slice %arg12[%add3A_155, %dma_wait3A_159] : memref<10240x16xf32, #tpu.memory_space<vmem_shared>> -> memref<128x16xf32, #tpu.memory_space<vmem_shared>>
    %dma_wait3A_161 = arith.constant 0 : i32
    %dma_wait3A_162 = tpu.memref_slice %arg12[%add3A_155, %dma_wait3A_161] : memref<10240x16xf32, #tpu.memory_space<vmem_shared>> -> memref<128x16xf32, #tpu.memory_space<vmem_shared>>
    %dma_wait3A_163 = arith.constant 0 : i32
    %dma_wait3A_164 = arith.constant 0 : i32
    %dma_wait3A_165 = tpu.memref_slice %arg9[%dma_wait3A_163, %dma_wait3A_164] : memref<128x128xf32, #tpu.memory_space<vmem>> -> memref<128x16xf32, #tpu.memory_space<vmem>>
    tpu.wait_dma2 semaphore(%arg26 : memref<!tpu.dma_semaphore, #tpu.memory_space<semaphore_mem>>) src(%dma_wait3A_165 : memref<128x16xf32, #tpu.memory_space<vmem>>) dst(%dma_wait3A_162 : memref<128x16xf32, #tpu.memory_space<vmem_shared>>)
    %add3A_166 = arith.constant 256 : i32
    %add3A_167 = arith.addi %mul3A_16, %add3A_166 : i32
    %dma_wait3A_168 = arith.constant 0 : i32
    %dma_wait3A_169 = arith.constant 0 : i32
    %dma_wait3A_170 = tpu.memref_slice %arg9[%dma_wait3A_168, %dma_wait3A_169] : memref<128x128xf32, #tpu.memory_space<vmem>> -> memref<128x16xf32, #tpu.memory_space<vmem>>
    %dma_wait3A_171 = arith.constant 0 : i32
    %dma_wait3A_172 = tpu.memref_slice %arg12[%add3A_167, %dma_wait3A_171] : memref<10240x16xf32, #tpu.memory_space<vmem_shared>> -> memref<128x16xf32, #tpu.memory_space<vmem_shared>>
    %dma_wait3A_173 = arith.constant 0 : i32
    %dma_wait3A_174 = tpu.memref_slice %arg12[%add3A_167, %dma_wait3A_173] : memref<10240x16xf32, #tpu.memory_space<vmem_shared>> -> memref<128x16xf32, #tpu.memory_space<vmem_shared>>
    %dma_wait3A_175 = arith.constant 0 : i32
    %dma_wait3A_176 = arith.constant 0 : i32
    %dma_wait3A_177 = tpu.memref_slice %arg9[%dma_wait3A_175, %dma_wait3A_176] : memref<128x128xf32, #tpu.memory_space<vmem>> -> memref<128x16xf32, #tpu.memory_space<vmem>>
    tpu.wait_dma2 semaphore(%arg26 : memref<!tpu.dma_semaphore, #tpu.memory_space<semaphore_mem>>) src(%dma_wait3A_177 : memref<128x16xf32, #tpu.memory_space<vmem>>) dst(%dma_wait3A_174 : memref<128x16xf32, #tpu.memory_space<vmem_shared>>)
    %add3A_178 = arith.constant 384 : i32
    %add3A_179 = arith.addi %mul3A_16, %add3A_178 : i32
    %dma_wait3A_180 = arith.constant 0 : i32
    %dma_wait3A_181 = arith.constant 0 : i32
    %dma_wait3A_182 = tpu.memref_slice %arg9[%dma_wait3A_180, %dma_wait3A_181] : memref<128x128xf32, #tpu.memory_space<vmem>> -> memref<128x16xf32, #tpu.memory_space<vmem>>
    %dma_wait3A_183 = arith.constant 0 : i32
    %dma_wait3A_184 = tpu.memref_slice %arg12[%add3A_179, %dma_wait3A_183] : memref<10240x16xf32, #tpu.memory_space<vmem_shared>> -> memref<128x16xf32, #tpu.memory_space<vmem_shared>>
    %dma_wait3A_185 = arith.constant 0 : i32
    %dma_wait3A_186 = tpu.memref_slice %arg12[%add3A_179, %dma_wait3A_185] : memref<10240x16xf32, #tpu.memory_space<vmem_shared>> -> memref<128x16xf32, #tpu.memory_space<vmem_shared>>
    %dma_wait3A_187 = arith.constant 0 : i32
    %dma_wait3A_188 = arith.constant 0 : i32
    %dma_wait3A_189 = tpu.memref_slice %arg9[%dma_wait3A_187, %dma_wait3A_188] : memref<128x128xf32, #tpu.memory_space<vmem>> -> memref<128x16xf32, #tpu.memory_space<vmem>>
    tpu.wait_dma2 semaphore(%arg26 : memref<!tpu.dma_semaphore, #tpu.memory_space<semaphore_mem>>) src(%dma_wait3A_189 : memref<128x16xf32, #tpu.memory_space<vmem>>) dst(%dma_wait3A_186 : memref<128x16xf32, #tpu.memory_space<vmem_shared>>)
    %add3A_190 = arith.constant 512 : i32
    %add3A_191 = arith.addi %mul3A_16, %add3A_190 : i32
    %dma_wait3A_192 = arith.constant 0 : i32
    %dma_wait3A_193 = arith.constant 0 : i32
    %dma_wait3A_194 = tpu.memref_slice %arg9[%dma_wait3A_192, %dma_wait3A_193] : memref<128x128xf32, #tpu.memory_space<vmem>> -> memref<128x16xf32, #tpu.memory_space<vmem>>
    %dma_wait3A_195 = arith.constant 0 : i32
    %dma_wait3A_196 = tpu.memref_slice %arg12[%add3A_191, %dma_wait3A_195] : memref<10240x16xf32, #tpu.memory_space<vmem_shared>> -> memref<128x16xf32, #tpu.memory_space<vmem_shared>>
    %dma_wait3A_197 = arith.constant 0 : i32
    %dma_wait3A_198 = tpu.memref_slice %arg12[%add3A_191, %dma_wait3A_197] : memref<10240x16xf32, #tpu.memory_space<vmem_shared>> -> memref<128x16xf32, #tpu.memory_space<vmem_shared>>
    %dma_wait3A_199 = arith.constant 0 : i32
    %dma_wait3A_200 = arith.constant 0 : i32
    %dma_wait3A_201 = tpu.memref_slice %arg9[%dma_wait3A_199, %dma_wait3A_200] : memref<128x128xf32, #tpu.memory_space<vmem>> -> memref<128x16xf32, #tpu.memory_space<vmem>>
    tpu.wait_dma2 semaphore(%arg26 : memref<!tpu.dma_semaphore, #tpu.memory_space<semaphore_mem>>) src(%dma_wait3A_201 : memref<128x16xf32, #tpu.memory_space<vmem>>) dst(%dma_wait3A_198 : memref<128x16xf32, #tpu.memory_space<vmem_shared>>)
    %barrier3A = arith.constant 0 : index
    tpu.barrier barrier_id(%barrier3A)
    %add3A_202 = arith.constant 0 : i32
    %add3A_203 = arith.addi %add3A_8, %add3A_202 : i32
    %mul3A_204 = arith.constant 128 : i32
    %mul3A_205 = arith.muli %add3A_203, %mul3A_204 : i32
    %run_scoped3A = arith.constant 0 : i32
    "tpu.region"() ({
      %run_scoped3A_256 = tpu.sem_alloc : memref<!tpu.dma_semaphore, #tpu.memory_space<semaphore_mem>>
      %dma_start3A_257 = arith.constant 0 : i32
      %dma_start3A_258 = tpu.memref_slice %arg7[%run_scoped3A, %dma_start3A_257] : memref<2x128xi32, #tpu.memory_space<vmem>> -> memref<1x128xi32, #tpu.memory_space<vmem>>
      %dma_start3A_259 = tpu.memref_squeeze %dma_start3A_258 : memref<1x128xi32, #tpu.memory_space<vmem>> -> memref<128xi32, #tpu.memory_space<vmem>>
      %dma_start3A_260 = tpu.memref_slice %arg3[%mul3A_205] : memref<320000xi32, #tpu.memory_space<hbm>> -> memref<128xi32, #tpu.memory_space<hbm>>
      %dma_start3A_261 = arith.constant 0 : i32
      %dma_start3A_262 = tpu.memref_slice %arg7[%run_scoped3A, %dma_start3A_261] : memref<2x128xi32, #tpu.memory_space<vmem>> -> memref<1x128xi32, #tpu.memory_space<vmem>>
      %dma_start3A_263 = tpu.memref_squeeze %dma_start3A_262 : memref<1x128xi32, #tpu.memory_space<vmem>> -> memref<128xi32, #tpu.memory_space<vmem>>
      %dma_start3A_264 = tpu.memref_slice %arg3[%mul3A_205] : memref<320000xi32, #tpu.memory_space<hbm>> -> memref<128xi32, #tpu.memory_space<hbm>>
      tpu.enqueue_dma source(%dma_start3A_264 : memref<128xi32, #tpu.memory_space<hbm>>) target(%dma_start3A_263 : memref<128xi32, #tpu.memory_space<vmem>>) target_semaphore(%run_scoped3A_256 : memref<!tpu.dma_semaphore, #tpu.memory_space<semaphore_mem>>)
      %dma_wait3A_265 = arith.constant 0 : i32
      %dma_wait3A_266 = tpu.memref_slice %arg7[%run_scoped3A, %dma_wait3A_265] : memref<2x128xi32, #tpu.memory_space<vmem>> -> memref<1x128xi32, #tpu.memory_space<vmem>>
      %dma_wait3A_267 = tpu.memref_squeeze %dma_wait3A_266 : memref<1x128xi32, #tpu.memory_space<vmem>> -> memref<128xi32, #tpu.memory_space<vmem>>
      %dma_wait3A_268 = tpu.memref_slice %arg3[%mul3A_205] : memref<320000xi32, #tpu.memory_space<hbm>> -> memref<128xi32, #tpu.memory_space<hbm>>
      %dma_wait3A_269 = arith.constant 0 : i32
      %dma_wait3A_270 = tpu.memref_slice %arg7[%run_scoped3A, %dma_wait3A_269] : memref<2x128xi32, #tpu.memory_space<vmem>> -> memref<1x128xi32, #tpu.memory_space<vmem>>
      %dma_wait3A_271 = tpu.memref_squeeze %dma_wait3A_270 : memref<1x128xi32, #tpu.memory_space<vmem>> -> memref<128xi32, #tpu.memory_space<vmem>>
      %dma_wait3A_272 = tpu.memref_slice %arg3[%mul3A_205] : memref<320000xi32, #tpu.memory_space<hbm>> -> memref<128xi32, #tpu.memory_space<hbm>>
      tpu.wait_dma2 semaphore(%run_scoped3A_256 : memref<!tpu.dma_semaphore, #tpu.memory_space<semaphore_mem>>) src(%dma_wait3A_272 : memref<128xi32, #tpu.memory_space<hbm>>) dst(%dma_wait3A_271 : memref<128xi32, #tpu.memory_space<vmem>>)
      tpu.yield
    }) : () -> ()
    %add3A_206 = arith.constant 0 : i32
    %add3A_207 = arith.addi %add3A_8, %add3A_206 : i32
    %mul3A_208 = arith.constant 128 : i32
    %mul3A_209 = arith.muli %add3A_207, %mul3A_208 : i32
    %run_scoped3A_210 = arith.constant 0 : i32
    "tpu.region"() ({
      %run_scoped3A_256 = tpu.sem_alloc : memref<!tpu.dma_semaphore, #tpu.memory_space<semaphore_mem>>
      %dma_start3A_257 = arith.constant 0 : i32
      %dma_start3A_258 = tpu.memref_slice %arg8[%run_scoped3A_210, %dma_start3A_257] : memref<2x128xi32, #tpu.memory_space<vmem>> -> memref<1x128xi32, #tpu.memory_space<vmem>>
      %dma_start3A_259 = tpu.memref_squeeze %dma_start3A_258 : memref<1x128xi32, #tpu.memory_space<vmem>> -> memref<128xi32, #tpu.memory_space<vmem>>
      %dma_start3A_260 = tpu.memref_slice %arg4[%mul3A_209] : memref<320000xi32, #tpu.memory_space<hbm>> -> memref<128xi32, #tpu.memory_space<hbm>>
      %dma_start3A_261 = arith.constant 0 : i32
      %dma_start3A_262 = tpu.memref_slice %arg8[%run_scoped3A_210, %dma_start3A_261] : memref<2x128xi32, #tpu.memory_space<vmem>> -> memref<1x128xi32, #tpu.memory_space<vmem>>
      %dma_start3A_263 = tpu.memref_squeeze %dma_start3A_262 : memref<1x128xi32, #tpu.memory_space<vmem>> -> memref<128xi32, #tpu.memory_space<vmem>>
      %dma_start3A_264 = tpu.memref_slice %arg4[%mul3A_209] : memref<320000xi32, #tpu.memory_space<hbm>> -> memref<128xi32, #tpu.memory_space<hbm>>
      tpu.enqueue_dma source(%dma_start3A_264 : memref<128xi32, #tpu.memory_space<hbm>>) target(%dma_start3A_263 : memref<128xi32, #tpu.memory_space<vmem>>) target_semaphore(%run_scoped3A_256 : memref<!tpu.dma_semaphore, #tpu.memory_space<semaphore_mem>>)
      %dma_wait3A_265 = arith.constant 0 : i32
      %dma_wait3A_266 = tpu.memref_slice %arg8[%run_scoped3A_210, %dma_wait3A_265] : memref<2x128xi32, #tpu.memory_space<vmem>> -> memref<1x128xi32, #tpu.memory_space<vmem>>
      %dma_wait3A_267 = tpu.memref_squeeze %dma_wait3A_266 : memref<1x128xi32, #tpu.memory_space<vmem>> -> memref<128xi32, #tpu.memory_space<vmem>>
      %dma_wait3A_268 = tpu.memref_slice %arg4[%mul3A_209] : memref<320000xi32, #tpu.memory_space<hbm>> -> memref<128xi32, #tpu.memory_space<hbm>>
      %dma_wait3A_269 = arith.constant 0 : i32
      %dma_wait3A_270 = tpu.memref_slice %arg8[%run_scoped3A_210, %dma_wait3A_269] : memref<2x128xi32, #tpu.memory_space<vmem>> -> memref<1x128xi32, #tpu.memory_space<vmem>>
      %dma_wait3A_271 = tpu.memref_squeeze %dma_wait3A_270 : memref<1x128xi32, #tpu.memory_space<vmem>> -> memref<128xi32, #tpu.memory_space<vmem>>
      %dma_wait3A_272 = tpu.memref_slice %arg4[%mul3A_209] : memref<320000xi32, #tpu.memory_space<hbm>> -> memref<128xi32, #tpu.memory_space<hbm>>
      tpu.wait_dma2 semaphore(%run_scoped3A_256 : memref<!tpu.dma_semaphore, #tpu.memory_space<semaphore_mem>>) src(%dma_wait3A_272 : memref<128xi32, #tpu.memory_space<hbm>>) dst(%dma_wait3A_271 : memref<128xi32, #tpu.memory_space<vmem>>)
      tpu.yield
    }) : () -> ()
    %dma_start3A_211 = arith.constant 0 : i32
    %dma_start3A_212 = arith.constant 0 : i32
    %dma_start3A_213 = arith.constant 0 : i32
    %dma_start3A_214 = tpu.memref_slice %arg9[%dma_start3A_212, %dma_start3A_213] : memref<128x128xf32, #tpu.memory_space<vmem>> -> memref<64x128xf32, #tpu.memory_space<vmem>>
    %dma_start3A_215 = arith.constant 0 : i32
    %dma_start3A_216 = tpu.memref_slice %arg7[%dma_start3A_211, %dma_start3A_215] : memref<2x128xi32, #tpu.memory_space<vmem>> -> memref<1x64xi32, #tpu.memory_space<vmem>>
    %dma_start3A_217 = tpu.memref_squeeze %dma_start3A_216 : memref<1x64xi32, #tpu.memory_space<vmem>> -> memref<64xi32, #tpu.memory_space<vmem>>
    %dma_start3A_218 = arith.constant 0 : i32
    %dma_start3A_219 = arith.constant 0 : i32
    %dma_start3A_220 = tpu.memref_slice %arg2[%dma_start3A_218, %dma_start3A_219] : memref<10000x128xf32, #tpu.memory_space<hbm>> -> memref<10000x128xf32, #tpu.memory_space<hbm>>
    tpu.enqueue_indirect_dma source(%dma_start3A_220 : memref<10000x128xf32, #tpu.memory_space<hbm>>) target(%dma_start3A_214 : memref<64x128xf32, #tpu.memory_space<vmem>>) offsets(%dma_start3A_217 : memref<64xi32, #tpu.memory_space<vmem>>) semaphore(%arg18 : memref<!tpu.dma_semaphore, #tpu.memory_space<semaphore_mem>>)
    %dma_start3A_221 = arith.constant 0 : i32
    %dma_start3A_222 = arith.constant 64 : i32
    %dma_start3A_223 = arith.constant 0 : i32
    %dma_start3A_224 = tpu.memref_slice %arg9[%dma_start3A_222, %dma_start3A_223] : memref<128x128xf32, #tpu.memory_space<vmem>> -> memref<64x128xf32, #tpu.memory_space<vmem>>
    %dma_start3A_225 = arith.constant 64 : i32
    %dma_start3A_226 = tpu.memref_slice %arg7[%dma_start3A_221, %dma_start3A_225] : memref<2x128xi32, #tpu.memory_space<vmem>> -> memref<1x64xi32, #tpu.memory_space<vmem>>
    %dma_start3A_227 = tpu.memref_squeeze %dma_start3A_226 : memref<1x64xi32, #tpu.memory_space<vmem>> -> memref<64xi32, #tpu.memory_space<vmem>>
    %dma_start3A_228 = arith.constant 0 : i32
    %dma_start3A_229 = arith.constant 0 : i32
    %dma_start3A_230 = tpu.memref_slice %arg2[%dma_start3A_228, %dma_start3A_229] : memref<10000x128xf32, #tpu.memory_space<hbm>> -> memref<10000x128xf32, #tpu.memory_space<hbm>>
    tpu.enqueue_indirect_dma source(%dma_start3A_230 : memref<10000x128xf32, #tpu.memory_space<hbm>>) target(%dma_start3A_224 : memref<64x128xf32, #tpu.memory_space<vmem>>) offsets(%dma_start3A_227 : memref<64xi32, #tpu.memory_space<vmem>>) semaphore(%arg19 : memref<!tpu.dma_semaphore, #tpu.memory_space<semaphore_mem>>)
    %while3A = arith.constant 0 : i32
    %while3A_231 = arith.constant 0 : i32
    %while3A_232 = arith.subi %add3A_4, %while3A : i32
    %while3A_233 = arith.addi %while3A, %while3A_232 : i32
    %while3A_234 = arith.constant 1 : i32
    %while3A_235 = arith.divsi %while3A_232, %while3A_234 : i32
    %while3A_236 = arith.muli %while3A_235, %while3A_234 : i32
    %while3A_237 = arith.addi %while3A, %while3A_236 : i32
    %while3A_238 = arith.constant 1 : i32
    %while3A_239 = scf.for %while3A_256 = %while3A to %while3A_237 step %while3A_238 iter_args(%while3A_257 = %while3A_231) -> (i32)  : i32 {
      %rem3A_258 = arith.constant 2 : i32
      %rem3A_259 = arith.remsi %while3A_256, %rem3A_258 : i32
      %eq3A_260 = arith.constant 0 : i32
      %eq3A_261 = arith.cmpi eq, %rem3A_259, %eq3A_260 : i32
      %convert_element_type3A_262 = arith.extui %eq3A_261 : i1 to i32
      %cond3A_263 = arith.constant 0 : i32
      %cond3A_264 = arith.cmpi ne, %convert_element_type3A_262, %cond3A_263 : i32
      scf.if %cond3A_264 {
        %ge3A = arith.constant 1 : i32
        %ge3A_271 = arith.cmpi sge, %while3A_256, %ge3A : i32
        %convert_element_type3A_272 = arith.extui %ge3A_271 : i1 to i32
        %cond3A_273 = arith.constant 0 : i32
        %cond3A_274 = arith.cmpi ne, %convert_element_type3A_272, %cond3A_273 : i32
        scf.if %cond3A_274 {
          %dma_wait3A_321 = arith.constant 1 : i32
          %dma_wait3A_322 = arith.constant 0 : i32
          %dma_wait3A_323 = tpu.memref_slice %arg8[%dma_wait3A_321, %dma_wait3A_322] : memref<2x128xi32, #tpu.memory_space<vmem>> -> memref<1x128xi32, #tpu.memory_space<vmem>>
          %dma_wait3A_324 = tpu.memref_squeeze %dma_wait3A_323 : memref<1x128xi32, #tpu.memory_space<vmem>> -> memref<128xi32, #tpu.memory_space<vmem>>
          %dma_wait3A_325 = arith.constant 0 : i32
          %dma_wait3A_326 = arith.constant 0 : i32
          %dma_wait3A_327 = tpu.memref_slice %arg11[%dma_wait3A_325, %dma_wait3A_326] : memref<10240x128xf32, #tpu.memory_space<vmem_shared>> -> memref<10240x128xf32, #tpu.memory_space<vmem_shared>>
          tpu.wait_indirect_dma semaphore(%arg23 : memref<!tpu.dma_semaphore, #tpu.memory_space<semaphore_mem>>) src(%arg10 : memref<128x128xf32, #tpu.memory_space<vmem>>) dst(%dma_wait3A_327 : memref<10240x128xf32, #tpu.memory_space<vmem_shared>>)
          %dma_wait3A_328 = arith.constant 1 : i32
          %dma_wait3A_329 = arith.constant 0 : i32
          %dma_wait3A_330 = tpu.memref_slice %arg8[%dma_wait3A_328, %dma_wait3A_329] : memref<2x128xi32, #tpu.memory_space<vmem>> -> memref<1x128xi32, #tpu.memory_space<vmem>>
          %dma_wait3A_331 = tpu.memref_squeeze %dma_wait3A_330 : memref<1x128xi32, #tpu.memory_space<vmem>> -> memref<128xi32, #tpu.memory_space<vmem>>
          %dma_wait3A_332 = arith.constant 0 : i32
          %dma_wait3A_333 = arith.constant 0 : i32
          %dma_wait3A_334 = tpu.memref_slice %arg12[%dma_wait3A_332, %dma_wait3A_333] : memref<10240x16xf32, #tpu.memory_space<vmem_shared>> -> memref<10240x16xf32, #tpu.memory_space<vmem_shared>>
          tpu.wait_indirect_dma semaphore(%arg25 : memref<!tpu.dma_semaphore, #tpu.memory_space<semaphore_mem>>) src(%arg13 : memref<128x16xf32, #tpu.memory_space<vmem>>) dst(%dma_wait3A_334 : memref<10240x16xf32, #tpu.memory_space<vmem_shared>>)
        } else {
        }
        %add3A_275 = arith.constant 1 : i32
        %add3A_276 = arith.addi %while3A_256, %add3A_275 : i32
        %lt3A_277 = arith.cmpi slt, %add3A_276, %add3A_4 : i32
        %convert_element_type3A_278 = arith.extui %lt3A_277 : i1 to i32
        %cond3A_279 = arith.constant 0 : i32
        %cond3A_280 = arith.cmpi ne, %convert_element_type3A_278, %cond3A_279 : i32
        scf.if %cond3A_280 {
          %add3A_321 = arith.constant 1 : i32
          %add3A_322 = arith.addi %while3A_256, %add3A_321 : i32
          %add3A_323 = arith.addi %add3A_8, %add3A_322 : i32
          %mul3A_324 = arith.constant 128 : i32
          %mul3A_325 = arith.muli %add3A_323, %mul3A_324 : i32
          %dma_start3A_326 = arith.constant 1 : i32
          %dma_start3A_327 = arith.constant 0 : i32
          %dma_start3A_328 = tpu.memref_slice %arg7[%dma_start3A_326, %dma_start3A_327] : memref<2x128xi32, #tpu.memory_space<vmem>> -> memref<1x128xi32, #tpu.memory_space<vmem>>
          %dma_start3A_329 = tpu.memref_squeeze %dma_start3A_328 : memref<1x128xi32, #tpu.memory_space<vmem>> -> memref<128xi32, #tpu.memory_space<vmem>>
          %dma_start3A_330 = tpu.memref_slice %arg3[%mul3A_325] : memref<320000xi32, #tpu.memory_space<hbm>> -> memref<128xi32, #tpu.memory_space<hbm>>
          %dma_start3A_331 = arith.constant 0 : i32
          %dma_start3A_332 = tpu.memref_slice %arg7[%dma_start3A_326, %dma_start3A_331] : memref<2x128xi32, #tpu.memory_space<vmem>> -> memref<1x128xi32, #tpu.memory_space<vmem>>
          %dma_start3A_333 = tpu.memref_squeeze %dma_start3A_332 : memref<1x128xi32, #tpu.memory_space<vmem>> -> memref<128xi32, #tpu.memory_space<vmem>>
          %dma_start3A_334 = tpu.memref_slice %arg3[%mul3A_325] : memref<320000xi32, #tpu.memory_space<hbm>> -> memref<128xi32, #tpu.memory_space<hbm>>
          tpu.enqueue_dma source(%dma_start3A_334 : memref<128xi32, #tpu.memory_space<hbm>>) target(%dma_start3A_333 : memref<128xi32, #tpu.memory_space<vmem>>) target_semaphore(%arg15 : memref<!tpu.dma_semaphore, #tpu.memory_space<semaphore_mem>>)
          %add3A_335 = arith.addi %add3A_8, %add3A_322 : i32
          %mul3A_336 = arith.constant 128 : i32
          %mul3A_337 = arith.muli %add3A_335, %mul3A_336 : i32
          %dma_start3A_338 = arith.constant 1 : i32
          %dma_start3A_339 = arith.constant 0 : i32
          %dma_start3A_340 = tpu.memref_slice %arg8[%dma_start3A_338, %dma_start3A_339] : memref<2x128xi32, #tpu.memory_space<vmem>> -> memref<1x128xi32, #tpu.memory_space<vmem>>
          %dma_start3A_341 = tpu.memref_squeeze %dma_start3A_340 : memref<1x128xi32, #tpu.memory_space<vmem>> -> memref<128xi32, #tpu.memory_space<vmem>>
          %dma_start3A_342 = tpu.memref_slice %arg4[%mul3A_337] : memref<320000xi32, #tpu.memory_space<hbm>> -> memref<128xi32, #tpu.memory_space<hbm>>
          %dma_start3A_343 = arith.constant 0 : i32
          %dma_start3A_344 = tpu.memref_slice %arg8[%dma_start3A_338, %dma_start3A_343] : memref<2x128xi32, #tpu.memory_space<vmem>> -> memref<1x128xi32, #tpu.memory_space<vmem>>
          %dma_start3A_345 = tpu.memref_squeeze %dma_start3A_344 : memref<1x128xi32, #tpu.memory_space<vmem>> -> memref<128xi32, #tpu.memory_space<vmem>>
          %dma_start3A_346 = tpu.memref_slice %arg4[%mul3A_337] : memref<320000xi32, #tpu.memory_space<hbm>> -> memref<128xi32, #tpu.memory_space<hbm>>
          tpu.enqueue_dma source(%dma_start3A_346 : memref<128xi32, #tpu.memory_space<hbm>>) target(%dma_start3A_345 : memref<128xi32, #tpu.memory_space<vmem>>) target_semaphore(%arg17 : memref<!tpu.dma_semaphore, #tpu.memory_space<semaphore_mem>>)
        } else {
        }
        %dma_wait3A_281 = arith.constant 0 : i32
        %dma_wait3A_282 = arith.constant 0 : i32
        %dma_wait3A_283 = arith.constant 0 : i32
        %dma_wait3A_284 = tpu.memref_slice %arg9[%dma_wait3A_282, %dma_wait3A_283] : memref<128x128xf32, #tpu.memory_space<vmem>> -> memref<64x128xf32, #tpu.memory_space<vmem>>
        %dma_wait3A_285 = arith.constant 0 : i32
        %dma_wait3A_286 = tpu.memref_slice %arg7[%dma_wait3A_281, %dma_wait3A_285] : memref<2x128xi32, #tpu.memory_space<vmem>> -> memref<1x64xi32, #tpu.memory_space<vmem>>
        %dma_wait3A_287 = tpu.memref_squeeze %dma_wait3A_286 : memref<1x64xi32, #tpu.memory_space<vmem>> -> memref<64xi32, #tpu.memory_space<vmem>>
        %dma_wait3A_288 = arith.constant 0 : i32
        %dma_wait3A_289 = arith.constant 0 : i32
        %dma_wait3A_290 = tpu.memref_slice %arg2[%dma_wait3A_288, %dma_wait3A_289] : memref<10000x128xf32, #tpu.memory_space<hbm>> -> memref<10000x128xf32, #tpu.memory_space<hbm>>
        tpu.wait_indirect_dma semaphore(%arg18 : memref<!tpu.dma_semaphore, #tpu.memory_space<semaphore_mem>>) src(%dma_wait3A_290 : memref<10000x128xf32, #tpu.memory_space<hbm>>) dst(%dma_wait3A_284 : memref<64x128xf32, #tpu.memory_space<vmem>>)
        %dma_wait3A_291 = arith.constant 0 : i32
        %dma_wait3A_292 = arith.constant 64 : i32
        %dma_wait3A_293 = arith.constant 0 : i32
        %dma_wait3A_294 = tpu.memref_slice %arg9[%dma_wait3A_292, %dma_wait3A_293] : memref<128x128xf32, #tpu.memory_space<vmem>> -> memref<64x128xf32, #tpu.memory_space<vmem>>
        %dma_wait3A_295 = arith.constant 64 : i32
        %dma_wait3A_296 = tpu.memref_slice %arg7[%dma_wait3A_291, %dma_wait3A_295] : memref<2x128xi32, #tpu.memory_space<vmem>> -> memref<1x64xi32, #tpu.memory_space<vmem>>
        %dma_wait3A_297 = tpu.memref_squeeze %dma_wait3A_296 : memref<1x64xi32, #tpu.memory_space<vmem>> -> memref<64xi32, #tpu.memory_space<vmem>>
        %dma_wait3A_298 = arith.constant 0 : i32
        %dma_wait3A_299 = arith.constant 0 : i32
        %dma_wait3A_300 = tpu.memref_slice %arg2[%dma_wait3A_298, %dma_wait3A_299] : memref<10000x128xf32, #tpu.memory_space<hbm>> -> memref<10000x128xf32, #tpu.memory_space<hbm>>
        tpu.wait_indirect_dma semaphore(%arg19 : memref<!tpu.dma_semaphore, #tpu.memory_space<semaphore_mem>>) src(%dma_wait3A_300 : memref<10000x128xf32, #tpu.memory_space<hbm>>) dst(%dma_wait3A_294 : memref<64x128xf32, #tpu.memory_space<vmem>>)
        %add3A_301 = arith.constant 1 : i32
        %add3A_302 = arith.addi %while3A_256, %add3A_301 : i32
        %lt3A_303 = arith.cmpi slt, %add3A_302, %add3A_4 : i32
        %convert_element_type3A_304 = arith.extui %lt3A_303 : i1 to i32
        %cond3A_305 = arith.constant 0 : i32
        %cond3A_306 = arith.cmpi ne, %convert_element_type3A_304, %cond3A_305 : i32
        scf.if %cond3A_306 {
          %add3A_321 = arith.constant 1 : i32
          %add3A_322 = arith.addi %while3A_256, %add3A_321 : i32
          %add3A_323 = arith.addi %add3A_8, %add3A_322 : i32
          %mul3A_324 = arith.constant 128 : i32
          %mul3A_325 = arith.muli %add3A_323, %mul3A_324 : i32
          %dma_wait3A_326 = arith.constant 1 : i32
          %dma_wait3A_327 = arith.constant 0 : i32
          %dma_wait3A_328 = tpu.memref_slice %arg7[%dma_wait3A_326, %dma_wait3A_327] : memref<2x128xi32, #tpu.memory_space<vmem>> -> memref<1x128xi32, #tpu.memory_space<vmem>>
          %dma_wait3A_329 = tpu.memref_squeeze %dma_wait3A_328 : memref<1x128xi32, #tpu.memory_space<vmem>> -> memref<128xi32, #tpu.memory_space<vmem>>
          %dma_wait3A_330 = tpu.memref_slice %arg3[%mul3A_325] : memref<320000xi32, #tpu.memory_space<hbm>> -> memref<128xi32, #tpu.memory_space<hbm>>
          %dma_wait3A_331 = arith.constant 0 : i32
          %dma_wait3A_332 = tpu.memref_slice %arg7[%dma_wait3A_326, %dma_wait3A_331] : memref<2x128xi32, #tpu.memory_space<vmem>> -> memref<1x128xi32, #tpu.memory_space<vmem>>
          %dma_wait3A_333 = tpu.memref_squeeze %dma_wait3A_332 : memref<1x128xi32, #tpu.memory_space<vmem>> -> memref<128xi32, #tpu.memory_space<vmem>>
          %dma_wait3A_334 = tpu.memref_slice %arg3[%mul3A_325] : memref<320000xi32, #tpu.memory_space<hbm>> -> memref<128xi32, #tpu.memory_space<hbm>>
          tpu.wait_dma2 semaphore(%arg15 : memref<!tpu.dma_semaphore, #tpu.memory_space<semaphore_mem>>) src(%dma_wait3A_334 : memref<128xi32, #tpu.memory_space<hbm>>) dst(%dma_wait3A_333 : memref<128xi32, #tpu.memory_space<vmem>>)
          %add3A_335 = arith.addi %add3A_8, %add3A_322 : i32
          %mul3A_336 = arith.constant 128 : i32
          %mul3A_337 = arith.muli %add3A_335, %mul3A_336 : i32
          %dma_wait3A_338 = arith.constant 1 : i32
          %dma_wait3A_339 = arith.constant 0 : i32
          %dma_wait3A_340 = tpu.memref_slice %arg8[%dma_wait3A_338, %dma_wait3A_339] : memref<2x128xi32, #tpu.memory_space<vmem>> -> memref<1x128xi32, #tpu.memory_space<vmem>>
          %dma_wait3A_341 = tpu.memref_squeeze %dma_wait3A_340 : memref<1x128xi32, #tpu.memory_space<vmem>> -> memref<128xi32, #tpu.memory_space<vmem>>
          %dma_wait3A_342 = tpu.memref_slice %arg4[%mul3A_337] : memref<320000xi32, #tpu.memory_space<hbm>> -> memref<128xi32, #tpu.memory_space<hbm>>
          %dma_wait3A_343 = arith.constant 0 : i32
          %dma_wait3A_344 = tpu.memref_slice %arg8[%dma_wait3A_338, %dma_wait3A_343] : memref<2x128xi32, #tpu.memory_space<vmem>> -> memref<1x128xi32, #tpu.memory_space<vmem>>
          %dma_wait3A_345 = tpu.memref_squeeze %dma_wait3A_344 : memref<1x128xi32, #tpu.memory_space<vmem>> -> memref<128xi32, #tpu.memory_space<vmem>>
          %dma_wait3A_346 = tpu.memref_slice %arg4[%mul3A_337] : memref<320000xi32, #tpu.memory_space<hbm>> -> memref<128xi32, #tpu.memory_space<hbm>>
          tpu.wait_dma2 semaphore(%arg17 : memref<!tpu.dma_semaphore, #tpu.memory_space<semaphore_mem>>) src(%dma_wait3A_346 : memref<128xi32, #tpu.memory_space<hbm>>) dst(%dma_wait3A_345 : memref<128xi32, #tpu.memory_space<vmem>>)
          %dma_start3A_347 = arith.constant 1 : i32
          %dma_start3A_348 = arith.constant 0 : i32
          %dma_start3A_349 = arith.constant 0 : i32
          %dma_start3A_350 = tpu.memref_slice %arg10[%dma_start3A_348, %dma_start3A_349] : memref<128x128xf32, #tpu.memory_space<vmem>> -> memref<64x128xf32, #tpu.memory_space<vmem>>
          %dma_start3A_351 = arith.constant 0 : i32
          %dma_start3A_352 = tpu.memref_slice %arg7[%dma_start3A_347, %dma_start3A_351] : memref<2x128xi32, #tpu.memory_space<vmem>> -> memref<1x64xi32, #tpu.memory_space<vmem>>
          %dma_start3A_353 = tpu.memref_squeeze %dma_start3A_352 : memref<1x64xi32, #tpu.memory_space<vmem>> -> memref<64xi32, #tpu.memory_space<vmem>>
          %dma_start3A_354 = arith.constant 0 : i32
          %dma_start3A_355 = arith.constant 0 : i32
          %dma_start3A_356 = tpu.memref_slice %arg2[%dma_start3A_354, %dma_start3A_355] : memref<10000x128xf32, #tpu.memory_space<hbm>> -> memref<10000x128xf32, #tpu.memory_space<hbm>>
          tpu.enqueue_indirect_dma source(%dma_start3A_356 : memref<10000x128xf32, #tpu.memory_space<hbm>>) target(%dma_start3A_350 : memref<64x128xf32, #tpu.memory_space<vmem>>) offsets(%dma_start3A_353 : memref<64xi32, #tpu.memory_space<vmem>>) semaphore(%arg20 : memref<!tpu.dma_semaphore, #tpu.memory_space<semaphore_mem>>)
          %dma_start3A_357 = arith.constant 1 : i32
          %dma_start3A_358 = arith.constant 64 : i32
          %dma_start3A_359 = arith.constant 0 : i32
          %dma_start3A_360 = tpu.memref_slice %arg10[%dma_start3A_358, %dma_start3A_359] : memref<128x128xf32, #tpu.memory_space<vmem>> -> memref<64x128xf32, #tpu.memory_space<vmem>>
          %dma_start3A_361 = arith.constant 64 : i32
          %dma_start3A_362 = tpu.memref_slice %arg7[%dma_start3A_357, %dma_start3A_361] : memref<2x128xi32, #tpu.memory_space<vmem>> -> memref<1x64xi32, #tpu.memory_space<vmem>>
          %dma_start3A_363 = tpu.memref_squeeze %dma_start3A_362 : memref<1x64xi32, #tpu.memory_space<vmem>> -> memref<64xi32, #tpu.memory_space<vmem>>
          %dma_start3A_364 = arith.constant 0 : i32
          %dma_start3A_365 = arith.constant 0 : i32
          %dma_start3A_366 = tpu.memref_slice %arg2[%dma_start3A_364, %dma_start3A_365] : memref<10000x128xf32, #tpu.memory_space<hbm>> -> memref<10000x128xf32, #tpu.memory_space<hbm>>
          tpu.enqueue_indirect_dma source(%dma_start3A_366 : memref<10000x128xf32, #tpu.memory_space<hbm>>) target(%dma_start3A_360 : memref<64x128xf32, #tpu.memory_space<vmem>>) offsets(%dma_start3A_363 : memref<64xi32, #tpu.memory_space<vmem>>) semaphore(%arg21 : memref<!tpu.dma_semaphore, #tpu.memory_space<semaphore_mem>>)
        } else {
        }
        %dma_start3A_307 = arith.constant 0 : i32
        %dma_start3A_308 = arith.constant 0 : i32
        %dma_start3A_309 = tpu.memref_slice %arg8[%dma_start3A_307, %dma_start3A_308] : memref<2x128xi32, #tpu.memory_space<vmem>> -> memref<1x128xi32, #tpu.memory_space<vmem>>
        %dma_start3A_310 = tpu.memref_squeeze %dma_start3A_309 : memref<1x128xi32, #tpu.memory_space<vmem>> -> memref<128xi32, #tpu.memory_space<vmem>>
        %dma_start3A_311 = arith.constant 0 : i32
        %dma_start3A_312 = arith.constant 0 : i32
        %dma_start3A_313 = tpu.memref_slice %arg11[%dma_start3A_311, %dma_start3A_312] : memref<10240x128xf32, #tpu.memory_space<vmem_shared>> -> memref<10240x128xf32, #tpu.memory_space<vmem_shared>>
        tpu.enqueue_indirect_dma source(%arg9 : memref<128x128xf32, #tpu.memory_space<vmem>>) target(%dma_start3A_313 : memref<10240x128xf32, #tpu.memory_space<vmem_shared>>) offsets(%dma_start3A_310 : memref<128xi32, #tpu.memory_space<vmem>>) semaphore(%arg22 : memref<!tpu.dma_semaphore, #tpu.memory_space<semaphore_mem>>) {add = true}
        %dma_start3A_314 = arith.constant 0 : i32
        %dma_start3A_315 = arith.constant 0 : i32
        %dma_start3A_316 = tpu.memref_slice %arg8[%dma_start3A_314, %dma_start3A_315] : memref<2x128xi32, #tpu.memory_space<vmem>> -> memref<1x128xi32, #tpu.memory_space<vmem>>
        %dma_start3A_317 = tpu.memref_squeeze %dma_start3A_316 : memref<1x128xi32, #tpu.memory_space<vmem>> -> memref<128xi32, #tpu.memory_space<vmem>>
        %dma_start3A_318 = arith.constant 0 : i32
        %dma_start3A_319 = arith.constant 0 : i32
        %dma_start3A_320 = tpu.memref_slice %arg12[%dma_start3A_318, %dma_start3A_319] : memref<10240x16xf32, #tpu.memory_space<vmem_shared>> -> memref<10240x16xf32, #tpu.memory_space<vmem_shared>>
        tpu.enqueue_indirect_dma source(%arg13 : memref<128x16xf32, #tpu.memory_space<vmem>>) target(%dma_start3A_320 : memref<10240x16xf32, #tpu.memory_space<vmem_shared>>) offsets(%dma_start3A_317 : memref<128xi32, #tpu.memory_space<vmem>>) semaphore(%arg24 : memref<!tpu.dma_semaphore, #tpu.memory_space<semaphore_mem>>) {add = true}
      } else {
      }
      %eq3A_265 = arith.constant 1 : i32
      %eq3A_266 = arith.cmpi eq, %rem3A_259, %eq3A_265 : i32
      %convert_element_type3A_267 = arith.extui %eq3A_266 : i1 to i32
      %cond3A_268 = arith.constant 0 : i32
      %cond3A_269 = arith.cmpi ne, %convert_element_type3A_267, %cond3A_268 : i32
      scf.if %cond3A_269 {
        %ge3A = arith.constant 1 : i32
        %ge3A_271 = arith.cmpi sge, %while3A_256, %ge3A : i32
        %convert_element_type3A_272 = arith.extui %ge3A_271 : i1 to i32
        %cond3A_273 = arith.constant 0 : i32
        %cond3A_274 = arith.cmpi ne, %convert_element_type3A_272, %cond3A_273 : i32
        scf.if %cond3A_274 {
          %dma_wait3A_321 = arith.constant 0 : i32
          %dma_wait3A_322 = arith.constant 0 : i32
          %dma_wait3A_323 = tpu.memref_slice %arg8[%dma_wait3A_321, %dma_wait3A_322] : memref<2x128xi32, #tpu.memory_space<vmem>> -> memref<1x128xi32, #tpu.memory_space<vmem>>
          %dma_wait3A_324 = tpu.memref_squeeze %dma_wait3A_323 : memref<1x128xi32, #tpu.memory_space<vmem>> -> memref<128xi32, #tpu.memory_space<vmem>>
          %dma_wait3A_325 = arith.constant 0 : i32
          %dma_wait3A_326 = arith.constant 0 : i32
          %dma_wait3A_327 = tpu.memref_slice %arg11[%dma_wait3A_325, %dma_wait3A_326] : memref<10240x128xf32, #tpu.memory_space<vmem_shared>> -> memref<10240x128xf32, #tpu.memory_space<vmem_shared>>
          tpu.wait_indirect_dma semaphore(%arg22 : memref<!tpu.dma_semaphore, #tpu.memory_space<semaphore_mem>>) src(%arg9 : memref<128x128xf32, #tpu.memory_space<vmem>>) dst(%dma_wait3A_327 : memref<10240x128xf32, #tpu.memory_space<vmem_shared>>)
          %dma_wait3A_328 = arith.constant 0 : i32
          %dma_wait3A_329 = arith.constant 0 : i32
          %dma_wait3A_330 = tpu.memref_slice %arg8[%dma_wait3A_328, %dma_wait3A_329] : memref<2x128xi32, #tpu.memory_space<vmem>> -> memref<1x128xi32, #tpu.memory_space<vmem>>
          %dma_wait3A_331 = tpu.memref_squeeze %dma_wait3A_330 : memref<1x128xi32, #tpu.memory_space<vmem>> -> memref<128xi32, #tpu.memory_space<vmem>>
          %dma_wait3A_332 = arith.constant 0 : i32
          %dma_wait3A_333 = arith.constant 0 : i32
          %dma_wait3A_334 = tpu.memref_slice %arg12[%dma_wait3A_332, %dma_wait3A_333] : memref<10240x16xf32, #tpu.memory_space<vmem_shared>> -> memref<10240x16xf32, #tpu.memory_space<vmem_shared>>
          tpu.wait_indirect_dma semaphore(%arg24 : memref<!tpu.dma_semaphore, #tpu.memory_space<semaphore_mem>>) src(%arg13 : memref<128x16xf32, #tpu.memory_space<vmem>>) dst(%dma_wait3A_334 : memref<10240x16xf32, #tpu.memory_space<vmem_shared>>)
        } else {
        }
        %add3A_275 = arith.constant 1 : i32
        %add3A_276 = arith.addi %while3A_256, %add3A_275 : i32
        %lt3A_277 = arith.cmpi slt, %add3A_276, %add3A_4 : i32
        %convert_element_type3A_278 = arith.extui %lt3A_277 : i1 to i32
        %cond3A_279 = arith.constant 0 : i32
        %cond3A_280 = arith.cmpi ne, %convert_element_type3A_278, %cond3A_279 : i32
        scf.if %cond3A_280 {
          %add3A_321 = arith.constant 1 : i32
          %add3A_322 = arith.addi %while3A_256, %add3A_321 : i32
          %add3A_323 = arith.addi %add3A_8, %add3A_322 : i32
          %mul3A_324 = arith.constant 128 : i32
          %mul3A_325 = arith.muli %add3A_323, %mul3A_324 : i32
          %dma_start3A_326 = arith.constant 0 : i32
          %dma_start3A_327 = arith.constant 0 : i32
          %dma_start3A_328 = tpu.memref_slice %arg7[%dma_start3A_326, %dma_start3A_327] : memref<2x128xi32, #tpu.memory_space<vmem>> -> memref<1x128xi32, #tpu.memory_space<vmem>>
          %dma_start3A_329 = tpu.memref_squeeze %dma_start3A_328 : memref<1x128xi32, #tpu.memory_space<vmem>> -> memref<128xi32, #tpu.memory_space<vmem>>
          %dma_start3A_330 = tpu.memref_slice %arg3[%mul3A_325] : memref<320000xi32, #tpu.memory_space<hbm>> -> memref<128xi32, #tpu.memory_space<hbm>>
          %dma_start3A_331 = arith.constant 0 : i32
          %dma_start3A_332 = tpu.memref_slice %arg7[%dma_start3A_326, %dma_start3A_331] : memref<2x128xi32, #tpu.memory_space<vmem>> -> memref<1x128xi32, #tpu.memory_space<vmem>>
          %dma_start3A_333 = tpu.memref_squeeze %dma_start3A_332 : memref<1x128xi32, #tpu.memory_space<vmem>> -> memref<128xi32, #tpu.memory_space<vmem>>
          %dma_start3A_334 = tpu.memref_slice %arg3[%mul3A_325] : memref<320000xi32, #tpu.memory_space<hbm>> -> memref<128xi32, #tpu.memory_space<hbm>>
          tpu.enqueue_dma source(%dma_start3A_334 : memref<128xi32, #tpu.memory_space<hbm>>) target(%dma_start3A_333 : memref<128xi32, #tpu.memory_space<vmem>>) target_semaphore(%arg14 : memref<!tpu.dma_semaphore, #tpu.memory_space<semaphore_mem>>)
          %add3A_335 = arith.addi %add3A_8, %add3A_322 : i32
          %mul3A_336 = arith.constant 128 : i32
          %mul3A_337 = arith.muli %add3A_335, %mul3A_336 : i32
          %dma_start3A_338 = arith.constant 0 : i32
          %dma_start3A_339 = arith.constant 0 : i32
          %dma_start3A_340 = tpu.memref_slice %arg8[%dma_start3A_338, %dma_start3A_339] : memref<2x128xi32, #tpu.memory_space<vmem>> -> memref<1x128xi32, #tpu.memory_space<vmem>>
          %dma_start3A_341 = tpu.memref_squeeze %dma_start3A_340 : memref<1x128xi32, #tpu.memory_space<vmem>> -> memref<128xi32, #tpu.memory_space<vmem>>
          %dma_start3A_342 = tpu.memref_slice %arg4[%mul3A_337] : memref<320000xi32, #tpu.memory_space<hbm>> -> memref<128xi32, #tpu.memory_space<hbm>>
          %dma_start3A_343 = arith.constant 0 : i32
          %dma_start3A_344 = tpu.memref_slice %arg8[%dma_start3A_338, %dma_start3A_343] : memref<2x128xi32, #tpu.memory_space<vmem>> -> memref<1x128xi32, #tpu.memory_space<vmem>>
          %dma_start3A_345 = tpu.memref_squeeze %dma_start3A_344 : memref<1x128xi32, #tpu.memory_space<vmem>> -> memref<128xi32, #tpu.memory_space<vmem>>
          %dma_start3A_346 = tpu.memref_slice %arg4[%mul3A_337] : memref<320000xi32, #tpu.memory_space<hbm>> -> memref<128xi32, #tpu.memory_space<hbm>>
          tpu.enqueue_dma source(%dma_start3A_346 : memref<128xi32, #tpu.memory_space<hbm>>) target(%dma_start3A_345 : memref<128xi32, #tpu.memory_space<vmem>>) target_semaphore(%arg16 : memref<!tpu.dma_semaphore, #tpu.memory_space<semaphore_mem>>)
        } else {
        }
        %dma_wait3A_281 = arith.constant 1 : i32
        %dma_wait3A_282 = arith.constant 0 : i32
        %dma_wait3A_283 = arith.constant 0 : i32
        %dma_wait3A_284 = tpu.memref_slice %arg10[%dma_wait3A_282, %dma_wait3A_283] : memref<128x128xf32, #tpu.memory_space<vmem>> -> memref<64x128xf32, #tpu.memory_space<vmem>>
        %dma_wait3A_285 = arith.constant 0 : i32
        %dma_wait3A_286 = tpu.memref_slice %arg7[%dma_wait3A_281, %dma_wait3A_285] : memref<2x128xi32, #tpu.memory_space<vmem>> -> memref<1x64xi32, #tpu.memory_space<vmem>>
        %dma_wait3A_287 = tpu.memref_squeeze %dma_wait3A_286 : memref<1x64xi32, #tpu.memory_space<vmem>> -> memref<64xi32, #tpu.memory_space<vmem>>
        %dma_wait3A_288 = arith.constant 0 : i32
        %dma_wait3A_289 = arith.constant 0 : i32
        %dma_wait3A_290 = tpu.memref_slice %arg2[%dma_wait3A_288, %dma_wait3A_289] : memref<10000x128xf32, #tpu.memory_space<hbm>> -> memref<10000x128xf32, #tpu.memory_space<hbm>>
        tpu.wait_indirect_dma semaphore(%arg20 : memref<!tpu.dma_semaphore, #tpu.memory_space<semaphore_mem>>) src(%dma_wait3A_290 : memref<10000x128xf32, #tpu.memory_space<hbm>>) dst(%dma_wait3A_284 : memref<64x128xf32, #tpu.memory_space<vmem>>)
        %dma_wait3A_291 = arith.constant 1 : i32
        %dma_wait3A_292 = arith.constant 64 : i32
        %dma_wait3A_293 = arith.constant 0 : i32
        %dma_wait3A_294 = tpu.memref_slice %arg10[%dma_wait3A_292, %dma_wait3A_293] : memref<128x128xf32, #tpu.memory_space<vmem>> -> memref<64x128xf32, #tpu.memory_space<vmem>>
        %dma_wait3A_295 = arith.constant 64 : i32
        %dma_wait3A_296 = tpu.memref_slice %arg7[%dma_wait3A_291, %dma_wait3A_295] : memref<2x128xi32, #tpu.memory_space<vmem>> -> memref<1x64xi32, #tpu.memory_space<vmem>>
        %dma_wait3A_297 = tpu.memref_squeeze %dma_wait3A_296 : memref<1x64xi32, #tpu.memory_space<vmem>> -> memref<64xi32, #tpu.memory_space<vmem>>
        %dma_wait3A_298 = arith.constant 0 : i32
        %dma_wait3A_299 = arith.constant 0 : i32
        %dma_wait3A_300 = tpu.memref_slice %arg2[%dma_wait3A_298, %dma_wait3A_299] : memref<10000x128xf32, #tpu.memory_space<hbm>> -> memref<10000x128xf32, #tpu.memory_space<hbm>>
        tpu.wait_indirect_dma semaphore(%arg21 : memref<!tpu.dma_semaphore, #tpu.memory_space<semaphore_mem>>) src(%dma_wait3A_300 : memref<10000x128xf32, #tpu.memory_space<hbm>>) dst(%dma_wait3A_294 : memref<64x128xf32, #tpu.memory_space<vmem>>)
        %add3A_301 = arith.constant 1 : i32
        %add3A_302 = arith.addi %while3A_256, %add3A_301 : i32
        %lt3A_303 = arith.cmpi slt, %add3A_302, %add3A_4 : i32
        %convert_element_type3A_304 = arith.extui %lt3A_303 : i1 to i32
        %cond3A_305 = arith.constant 0 : i32
        %cond3A_306 = arith.cmpi ne, %convert_element_type3A_304, %cond3A_305 : i32
        scf.if %cond3A_306 {
          %add3A_321 = arith.constant 1 : i32
          %add3A_322 = arith.addi %while3A_256, %add3A_321 : i32
          %add3A_323 = arith.addi %add3A_8, %add3A_322 : i32
          %mul3A_324 = arith.constant 128 : i32
          %mul3A_325 = arith.muli %add3A_323, %mul3A_324 : i32
          %dma_wait3A_326 = arith.constant 0 : i32
          %dma_wait3A_327 = arith.constant 0 : i32
          %dma_wait3A_328 = tpu.memref_slice %arg7[%dma_wait3A_326, %dma_wait3A_327] : memref<2x128xi32, #tpu.memory_space<vmem>> -> memref<1x128xi32, #tpu.memory_space<vmem>>
          %dma_wait3A_329 = tpu.memref_squeeze %dma_wait3A_328 : memref<1x128xi32, #tpu.memory_space<vmem>> -> memref<128xi32, #tpu.memory_space<vmem>>
          %dma_wait3A_330 = tpu.memref_slice %arg3[%mul3A_325] : memref<320000xi32, #tpu.memory_space<hbm>> -> memref<128xi32, #tpu.memory_space<hbm>>
          %dma_wait3A_331 = arith.constant 0 : i32
          %dma_wait3A_332 = tpu.memref_slice %arg7[%dma_wait3A_326, %dma_wait3A_331] : memref<2x128xi32, #tpu.memory_space<vmem>> -> memref<1x128xi32, #tpu.memory_space<vmem>>
          %dma_wait3A_333 = tpu.memref_squeeze %dma_wait3A_332 : memref<1x128xi32, #tpu.memory_space<vmem>> -> memref<128xi32, #tpu.memory_space<vmem>>
          %dma_wait3A_334 = tpu.memref_slice %arg3[%mul3A_325] : memref<320000xi32, #tpu.memory_space<hbm>> -> memref<128xi32, #tpu.memory_space<hbm>>
          tpu.wait_dma2 semaphore(%arg14 : memref<!tpu.dma_semaphore, #tpu.memory_space<semaphore_mem>>) src(%dma_wait3A_334 : memref<128xi32, #tpu.memory_space<hbm>>) dst(%dma_wait3A_333 : memref<128xi32, #tpu.memory_space<vmem>>)
          %add3A_335 = arith.addi %add3A_8, %add3A_322 : i32
          %mul3A_336 = arith.constant 128 : i32
          %mul3A_337 = arith.muli %add3A_335, %mul3A_336 : i32
          %dma_wait3A_338 = arith.constant 0 : i32
          %dma_wait3A_339 = arith.constant 0 : i32
          %dma_wait3A_340 = tpu.memref_slice %arg8[%dma_wait3A_338, %dma_wait3A_339] : memref<2x128xi32, #tpu.memory_space<vmem>> -> memref<1x128xi32, #tpu.memory_space<vmem>>
          %dma_wait3A_341 = tpu.memref_squeeze %dma_wait3A_340 : memref<1x128xi32, #tpu.memory_space<vmem>> -> memref<128xi32, #tpu.memory_space<vmem>>
          %dma_wait3A_342 = tpu.memref_slice %arg4[%mul3A_337] : memref<320000xi32, #tpu.memory_space<hbm>> -> memref<128xi32, #tpu.memory_space<hbm>>
          %dma_wait3A_343 = arith.constant 0 : i32
          %dma_wait3A_344 = tpu.memref_slice %arg8[%dma_wait3A_338, %dma_wait3A_343] : memref<2x128xi32, #tpu.memory_space<vmem>> -> memref<1x128xi32, #tpu.memory_space<vmem>>
          %dma_wait3A_345 = tpu.memref_squeeze %dma_wait3A_344 : memref<1x128xi32, #tpu.memory_space<vmem>> -> memref<128xi32, #tpu.memory_space<vmem>>
          %dma_wait3A_346 = tpu.memref_slice %arg4[%mul3A_337] : memref<320000xi32, #tpu.memory_space<hbm>> -> memref<128xi32, #tpu.memory_space<hbm>>
          tpu.wait_dma2 semaphore(%arg16 : memref<!tpu.dma_semaphore, #tpu.memory_space<semaphore_mem>>) src(%dma_wait3A_346 : memref<128xi32, #tpu.memory_space<hbm>>) dst(%dma_wait3A_345 : memref<128xi32, #tpu.memory_space<vmem>>)
          %dma_start3A_347 = arith.constant 0 : i32
          %dma_start3A_348 = arith.constant 0 : i32
          %dma_start3A_349 = arith.constant 0 : i32
          %dma_start3A_350 = tpu.memref_slice %arg9[%dma_start3A_348, %dma_start3A_349] : memref<128x128xf32, #tpu.memory_space<vmem>> -> memref<64x128xf32, #tpu.memory_space<vmem>>
          %dma_start3A_351 = arith.constant 0 : i32
          %dma_start3A_352 = tpu.memref_slice %arg7[%dma_start3A_347, %dma_start3A_351] : memref<2x128xi32, #tpu.memory_space<vmem>> -> memref<1x64xi32, #tpu.memory_space<vmem>>
          %dma_start3A_353 = tpu.memref_squeeze %dma_start3A_352 : memref<1x64xi32, #tpu.memory_space<vmem>> -> memref<64xi32, #tpu.memory_space<vmem>>
          %dma_start3A_354 = arith.constant 0 : i32
          %dma_start3A_355 = arith.constant 0 : i32
          %dma_start3A_356 = tpu.memref_slice %arg2[%dma_start3A_354, %dma_start3A_355] : memref<10000x128xf32, #tpu.memory_space<hbm>> -> memref<10000x128xf32, #tpu.memory_space<hbm>>
          tpu.enqueue_indirect_dma source(%dma_start3A_356 : memref<10000x128xf32, #tpu.memory_space<hbm>>) target(%dma_start3A_350 : memref<64x128xf32, #tpu.memory_space<vmem>>) offsets(%dma_start3A_353 : memref<64xi32, #tpu.memory_space<vmem>>) semaphore(%arg18 : memref<!tpu.dma_semaphore, #tpu.memory_space<semaphore_mem>>)
          %dma_start3A_357 = arith.constant 0 : i32
          %dma_start3A_358 = arith.constant 64 : i32
          %dma_start3A_359 = arith.constant 0 : i32
          %dma_start3A_360 = tpu.memref_slice %arg9[%dma_start3A_358, %dma_start3A_359] : memref<128x128xf32, #tpu.memory_space<vmem>> -> memref<64x128xf32, #tpu.memory_space<vmem>>
          %dma_start3A_361 = arith.constant 64 : i32
          %dma_start3A_362 = tpu.memref_slice %arg7[%dma_start3A_357, %dma_start3A_361] : memref<2x128xi32, #tpu.memory_space<vmem>> -> memref<1x64xi32, #tpu.memory_space<vmem>>
          %dma_start3A_363 = tpu.memref_squeeze %dma_start3A_362 : memref<1x64xi32, #tpu.memory_space<vmem>> -> memref<64xi32, #tpu.memory_space<vmem>>
          %dma_start3A_364 = arith.constant 0 : i32
          %dma_start3A_365 = arith.constant 0 : i32
          %dma_start3A_366 = tpu.memref_slice %arg2[%dma_start3A_364, %dma_start3A_365] : memref<10000x128xf32, #tpu.memory_space<hbm>> -> memref<10000x128xf32, #tpu.memory_space<hbm>>
          tpu.enqueue_indirect_dma source(%dma_start3A_366 : memref<10000x128xf32, #tpu.memory_space<hbm>>) target(%dma_start3A_360 : memref<64x128xf32, #tpu.memory_space<vmem>>) offsets(%dma_start3A_363 : memref<64xi32, #tpu.memory_space<vmem>>) semaphore(%arg19 : memref<!tpu.dma_semaphore, #tpu.memory_space<semaphore_mem>>)
        } else {
        }
        %dma_start3A_307 = arith.constant 1 : i32
        %dma_start3A_308 = arith.constant 0 : i32
        %dma_start3A_309 = tpu.memref_slice %arg8[%dma_start3A_307, %dma_start3A_308] : memref<2x128xi32, #tpu.memory_space<vmem>> -> memref<1x128xi32, #tpu.memory_space<vmem>>
        %dma_start3A_310 = tpu.memref_squeeze %dma_start3A_309 : memref<1x128xi32, #tpu.memory_space<vmem>> -> memref<128xi32, #tpu.memory_space<vmem>>
        %dma_start3A_311 = arith.constant 0 : i32
        %dma_start3A_312 = arith.constant 0 : i32
        %dma_start3A_313 = tpu.memref_slice %arg11[%dma_start3A_311, %dma_start3A_312] : memref<10240x128xf32, #tpu.memory_space<vmem_shared>> -> memref<10240x128xf32, #tpu.memory_space<vmem_shared>>
        tpu.enqueue_indirect_dma source(%arg10 : memref<128x128xf32, #tpu.memory_space<vmem>>) target(%dma_start3A_313 : memref<10240x128xf32, #tpu.memory_space<vmem_shared>>) offsets(%dma_start3A_310 : memref<128xi32, #tpu.memory_space<vmem>>) semaphore(%arg23 : memref<!tpu.dma_semaphore, #tpu.memory_space<semaphore_mem>>) {add = true}
        %dma_start3A_314 = arith.constant 1 : i32
        %dma_start3A_315 = arith.constant 0 : i32
        %dma_start3A_316 = tpu.memref_slice %arg8[%dma_start3A_314, %dma_start3A_315] : memref<2x128xi32, #tpu.memory_space<vmem>> -> memref<1x128xi32, #tpu.memory_space<vmem>>
        %dma_start3A_317 = tpu.memref_squeeze %dma_start3A_316 : memref<1x128xi32, #tpu.memory_space<vmem>> -> memref<128xi32, #tpu.memory_space<vmem>>
        %dma_start3A_318 = arith.constant 0 : i32
        %dma_start3A_319 = arith.constant 0 : i32
        %dma_start3A_320 = tpu.memref_slice %arg12[%dma_start3A_318, %dma_start3A_319] : memref<10240x16xf32, #tpu.memory_space<vmem_shared>> -> memref<10240x16xf32, #tpu.memory_space<vmem_shared>>
        tpu.enqueue_indirect_dma source(%arg13 : memref<128x16xf32, #tpu.memory_space<vmem>>) target(%dma_start3A_320 : memref<10240x16xf32, #tpu.memory_space<vmem_shared>>) offsets(%dma_start3A_317 : memref<128xi32, #tpu.memory_space<vmem>>) semaphore(%arg25 : memref<!tpu.dma_semaphore, #tpu.memory_space<semaphore_mem>>) {add = true}
      } else {
      }
      %while3A_270 = arith.constant 0 : i32
      scf.yield %while3A_270 : i32
    }
    %while3A_240 = arith.constant 1 : i32
    %while3A_241 = scf.for %while3A_256 = %while3A_237 to %while3A_233 step %while3A_240 iter_args(%while3A_257 = %while3A_239) -> (i32)  : i32 {
      %rem3A_258 = arith.constant 2 : i32
      %rem3A_259 = arith.remsi %while3A_256, %rem3A_258 : i32
      %eq3A_260 = arith.constant 0 : i32
      %eq3A_261 = arith.cmpi eq, %rem3A_259, %eq3A_260 : i32
      %convert_element_type3A_262 = arith.extui %eq3A_261 : i1 to i32
      %cond3A_263 = arith.constant 0 : i32
      %cond3A_264 = arith.cmpi ne, %convert_element_type3A_262, %cond3A_263 : i32
      scf.if %cond3A_264 {
        %ge3A = arith.constant 1 : i32
        %ge3A_271 = arith.cmpi sge, %while3A_256, %ge3A : i32
        %convert_element_type3A_272 = arith.extui %ge3A_271 : i1 to i32
        %cond3A_273 = arith.constant 0 : i32
        %cond3A_274 = arith.cmpi ne, %convert_element_type3A_272, %cond3A_273 : i32
        scf.if %cond3A_274 {
          %dma_wait3A_321 = arith.constant 1 : i32
          %dma_wait3A_322 = arith.constant 0 : i32
          %dma_wait3A_323 = tpu.memref_slice %arg8[%dma_wait3A_321, %dma_wait3A_322] : memref<2x128xi32, #tpu.memory_space<vmem>> -> memref<1x128xi32, #tpu.memory_space<vmem>>
          %dma_wait3A_324 = tpu.memref_squeeze %dma_wait3A_323 : memref<1x128xi32, #tpu.memory_space<vmem>> -> memref<128xi32, #tpu.memory_space<vmem>>
          %dma_wait3A_325 = arith.constant 0 : i32
          %dma_wait3A_326 = arith.constant 0 : i32
          %dma_wait3A_327 = tpu.memref_slice %arg11[%dma_wait3A_325, %dma_wait3A_326] : memref<10240x128xf32, #tpu.memory_space<vmem_shared>> -> memref<10240x128xf32, #tpu.memory_space<vmem_shared>>
          tpu.wait_indirect_dma semaphore(%arg23 : memref<!tpu.dma_semaphore, #tpu.memory_space<semaphore_mem>>) src(%arg10 : memref<128x128xf32, #tpu.memory_space<vmem>>) dst(%dma_wait3A_327 : memref<10240x128xf32, #tpu.memory_space<vmem_shared>>)
          %dma_wait3A_328 = arith.constant 1 : i32
          %dma_wait3A_329 = arith.constant 0 : i32
          %dma_wait3A_330 = tpu.memref_slice %arg8[%dma_wait3A_328, %dma_wait3A_329] : memref<2x128xi32, #tpu.memory_space<vmem>> -> memref<1x128xi32, #tpu.memory_space<vmem>>
          %dma_wait3A_331 = tpu.memref_squeeze %dma_wait3A_330 : memref<1x128xi32, #tpu.memory_space<vmem>> -> memref<128xi32, #tpu.memory_space<vmem>>
          %dma_wait3A_332 = arith.constant 0 : i32
          %dma_wait3A_333 = arith.constant 0 : i32
          %dma_wait3A_334 = tpu.memref_slice %arg12[%dma_wait3A_332, %dma_wait3A_333] : memref<10240x16xf32, #tpu.memory_space<vmem_shared>> -> memref<10240x16xf32, #tpu.memory_space<vmem_shared>>
          tpu.wait_indirect_dma semaphore(%arg25 : memref<!tpu.dma_semaphore, #tpu.memory_space<semaphore_mem>>) src(%arg13 : memref<128x16xf32, #tpu.memory_space<vmem>>) dst(%dma_wait3A_334 : memref<10240x16xf32, #tpu.memory_space<vmem_shared>>)
        } else {
        }
        %add3A_275 = arith.constant 1 : i32
        %add3A_276 = arith.addi %while3A_256, %add3A_275 : i32
        %lt3A_277 = arith.cmpi slt, %add3A_276, %add3A_4 : i32
        %convert_element_type3A_278 = arith.extui %lt3A_277 : i1 to i32
        %cond3A_279 = arith.constant 0 : i32
        %cond3A_280 = arith.cmpi ne, %convert_element_type3A_278, %cond3A_279 : i32
        scf.if %cond3A_280 {
          %add3A_321 = arith.constant 1 : i32
          %add3A_322 = arith.addi %while3A_256, %add3A_321 : i32
          %add3A_323 = arith.addi %add3A_8, %add3A_322 : i32
          %mul3A_324 = arith.constant 128 : i32
          %mul3A_325 = arith.muli %add3A_323, %mul3A_324 : i32
          %dma_start3A_326 = arith.constant 1 : i32
          %dma_start3A_327 = arith.constant 0 : i32
          %dma_start3A_328 = tpu.memref_slice %arg7[%dma_start3A_326, %dma_start3A_327] : memref<2x128xi32, #tpu.memory_space<vmem>> -> memref<1x128xi32, #tpu.memory_space<vmem>>
          %dma_start3A_329 = tpu.memref_squeeze %dma_start3A_328 : memref<1x128xi32, #tpu.memory_space<vmem>> -> memref<128xi32, #tpu.memory_space<vmem>>
          %dma_start3A_330 = tpu.memref_slice %arg3[%mul3A_325] : memref<320000xi32, #tpu.memory_space<hbm>> -> memref<128xi32, #tpu.memory_space<hbm>>
          %dma_start3A_331 = arith.constant 0 : i32
          %dma_start3A_332 = tpu.memref_slice %arg7[%dma_start3A_326, %dma_start3A_331] : memref<2x128xi32, #tpu.memory_space<vmem>> -> memref<1x128xi32, #tpu.memory_space<vmem>>
          %dma_start3A_333 = tpu.memref_squeeze %dma_start3A_332 : memref<1x128xi32, #tpu.memory_space<vmem>> -> memref<128xi32, #tpu.memory_space<vmem>>
          %dma_start3A_334 = tpu.memref_slice %arg3[%mul3A_325] : memref<320000xi32, #tpu.memory_space<hbm>> -> memref<128xi32, #tpu.memory_space<hbm>>
          tpu.enqueue_dma source(%dma_start3A_334 : memref<128xi32, #tpu.memory_space<hbm>>) target(%dma_start3A_333 : memref<128xi32, #tpu.memory_space<vmem>>) target_semaphore(%arg15 : memref<!tpu.dma_semaphore, #tpu.memory_space<semaphore_mem>>)
          %add3A_335 = arith.addi %add3A_8, %add3A_322 : i32
          %mul3A_336 = arith.constant 128 : i32
          %mul3A_337 = arith.muli %add3A_335, %mul3A_336 : i32
          %dma_start3A_338 = arith.constant 1 : i32
          %dma_start3A_339 = arith.constant 0 : i32
          %dma_start3A_340 = tpu.memref_slice %arg8[%dma_start3A_338, %dma_start3A_339] : memref<2x128xi32, #tpu.memory_space<vmem>> -> memref<1x128xi32, #tpu.memory_space<vmem>>
          %dma_start3A_341 = tpu.memref_squeeze %dma_start3A_340 : memref<1x128xi32, #tpu.memory_space<vmem>> -> memref<128xi32, #tpu.memory_space<vmem>>
          %dma_start3A_342 = tpu.memref_slice %arg4[%mul3A_337] : memref<320000xi32, #tpu.memory_space<hbm>> -> memref<128xi32, #tpu.memory_space<hbm>>
          %dma_start3A_343 = arith.constant 0 : i32
          %dma_start3A_344 = tpu.memref_slice %arg8[%dma_start3A_338, %dma_start3A_343] : memref<2x128xi32, #tpu.memory_space<vmem>> -> memref<1x128xi32, #tpu.memory_space<vmem>>
          %dma_start3A_345 = tpu.memref_squeeze %dma_start3A_344 : memref<1x128xi32, #tpu.memory_space<vmem>> -> memref<128xi32, #tpu.memory_space<vmem>>
          %dma_start3A_346 = tpu.memref_slice %arg4[%mul3A_337] : memref<320000xi32, #tpu.memory_space<hbm>> -> memref<128xi32, #tpu.memory_space<hbm>>
          tpu.enqueue_dma source(%dma_start3A_346 : memref<128xi32, #tpu.memory_space<hbm>>) target(%dma_start3A_345 : memref<128xi32, #tpu.memory_space<vmem>>) target_semaphore(%arg17 : memref<!tpu.dma_semaphore, #tpu.memory_space<semaphore_mem>>)
        } else {
        }
        %dma_wait3A_281 = arith.constant 0 : i32
        %dma_wait3A_282 = arith.constant 0 : i32
        %dma_wait3A_283 = arith.constant 0 : i32
        %dma_wait3A_284 = tpu.memref_slice %arg9[%dma_wait3A_282, %dma_wait3A_283] : memref<128x128xf32, #tpu.memory_space<vmem>> -> memref<64x128xf32, #tpu.memory_space<vmem>>
        %dma_wait3A_285 = arith.constant 0 : i32
        %dma_wait3A_286 = tpu.memref_slice %arg7[%dma_wait3A_281, %dma_wait3A_285] : memref<2x128xi32, #tpu.memory_space<vmem>> -> memref<1x64xi32, #tpu.memory_space<vmem>>
        %dma_wait3A_287 = tpu.memref_squeeze %dma_wait3A_286 : memref<1x64xi32, #tpu.memory_space<vmem>> -> memref<64xi32, #tpu.memory_space<vmem>>
        %dma_wait3A_288 = arith.constant 0 : i32
        %dma_wait3A_289 = arith.constant 0 : i32
        %dma_wait3A_290 = tpu.memref_slice %arg2[%dma_wait3A_288, %dma_wait3A_289] : memref<10000x128xf32, #tpu.memory_space<hbm>> -> memref<10000x128xf32, #tpu.memory_space<hbm>>
        tpu.wait_indirect_dma semaphore(%arg18 : memref<!tpu.dma_semaphore, #tpu.memory_space<semaphore_mem>>) src(%dma_wait3A_290 : memref<10000x128xf32, #tpu.memory_space<hbm>>) dst(%dma_wait3A_284 : memref<64x128xf32, #tpu.memory_space<vmem>>)
        %dma_wait3A_291 = arith.constant 0 : i32
        %dma_wait3A_292 = arith.constant 64 : i32
        %dma_wait3A_293 = arith.constant 0 : i32
        %dma_wait3A_294 = tpu.memref_slice %arg9[%dma_wait3A_292, %dma_wait3A_293] : memref<128x128xf32, #tpu.memory_space<vmem>> -> memref<64x128xf32, #tpu.memory_space<vmem>>
        %dma_wait3A_295 = arith.constant 64 : i32
        %dma_wait3A_296 = tpu.memref_slice %arg7[%dma_wait3A_291, %dma_wait3A_295] : memref<2x128xi32, #tpu.memory_space<vmem>> -> memref<1x64xi32, #tpu.memory_space<vmem>>
        %dma_wait3A_297 = tpu.memref_squeeze %dma_wait3A_296 : memref<1x64xi32, #tpu.memory_space<vmem>> -> memref<64xi32, #tpu.memory_space<vmem>>
        %dma_wait3A_298 = arith.constant 0 : i32
        %dma_wait3A_299 = arith.constant 0 : i32
        %dma_wait3A_300 = tpu.memref_slice %arg2[%dma_wait3A_298, %dma_wait3A_299] : memref<10000x128xf32, #tpu.memory_space<hbm>> -> memref<10000x128xf32, #tpu.memory_space<hbm>>
        tpu.wait_indirect_dma semaphore(%arg19 : memref<!tpu.dma_semaphore, #tpu.memory_space<semaphore_mem>>) src(%dma_wait3A_300 : memref<10000x128xf32, #tpu.memory_space<hbm>>) dst(%dma_wait3A_294 : memref<64x128xf32, #tpu.memory_space<vmem>>)
        %add3A_301 = arith.constant 1 : i32
        %add3A_302 = arith.addi %while3A_256, %add3A_301 : i32
        %lt3A_303 = arith.cmpi slt, %add3A_302, %add3A_4 : i32
        %convert_element_type3A_304 = arith.extui %lt3A_303 : i1 to i32
        %cond3A_305 = arith.constant 0 : i32
        %cond3A_306 = arith.cmpi ne, %convert_element_type3A_304, %cond3A_305 : i32
        scf.if %cond3A_306 {
          %add3A_321 = arith.constant 1 : i32
          %add3A_322 = arith.addi %while3A_256, %add3A_321 : i32
          %add3A_323 = arith.addi %add3A_8, %add3A_322 : i32
          %mul3A_324 = arith.constant 128 : i32
          %mul3A_325 = arith.muli %add3A_323, %mul3A_324 : i32
          %dma_wait3A_326 = arith.constant 1 : i32
          %dma_wait3A_327 = arith.constant 0 : i32
          %dma_wait3A_328 = tpu.memref_slice %arg7[%dma_wait3A_326, %dma_wait3A_327] : memref<2x128xi32, #tpu.memory_space<vmem>> -> memref<1x128xi32, #tpu.memory_space<vmem>>
          %dma_wait3A_329 = tpu.memref_squeeze %dma_wait3A_328 : memref<1x128xi32, #tpu.memory_space<vmem>> -> memref<128xi32, #tpu.memory_space<vmem>>
          %dma_wait3A_330 = tpu.memref_slice %arg3[%mul3A_325] : memref<320000xi32, #tpu.memory_space<hbm>> -> memref<128xi32, #tpu.memory_space<hbm>>
          %dma_wait3A_331 = arith.constant 0 : i32
          %dma_wait3A_332 = tpu.memref_slice %arg7[%dma_wait3A_326, %dma_wait3A_331] : memref<2x128xi32, #tpu.memory_space<vmem>> -> memref<1x128xi32, #tpu.memory_space<vmem>>
          %dma_wait3A_333 = tpu.memref_squeeze %dma_wait3A_332 : memref<1x128xi32, #tpu.memory_space<vmem>> -> memref<128xi32, #tpu.memory_space<vmem>>
          %dma_wait3A_334 = tpu.memref_slice %arg3[%mul3A_325] : memref<320000xi32, #tpu.memory_space<hbm>> -> memref<128xi32, #tpu.memory_space<hbm>>
          tpu.wait_dma2 semaphore(%arg15 : memref<!tpu.dma_semaphore, #tpu.memory_space<semaphore_mem>>) src(%dma_wait3A_334 : memref<128xi32, #tpu.memory_space<hbm>>) dst(%dma_wait3A_333 : memref<128xi32, #tpu.memory_space<vmem>>)
          %add3A_335 = arith.addi %add3A_8, %add3A_322 : i32
          %mul3A_336 = arith.constant 128 : i32
          %mul3A_337 = arith.muli %add3A_335, %mul3A_336 : i32
          %dma_wait3A_338 = arith.constant 1 : i32
          %dma_wait3A_339 = arith.constant 0 : i32
          %dma_wait3A_340 = tpu.memref_slice %arg8[%dma_wait3A_338, %dma_wait3A_339] : memref<2x128xi32, #tpu.memory_space<vmem>> -> memref<1x128xi32, #tpu.memory_space<vmem>>
          %dma_wait3A_341 = tpu.memref_squeeze %dma_wait3A_340 : memref<1x128xi32, #tpu.memory_space<vmem>> -> memref<128xi32, #tpu.memory_space<vmem>>
          %dma_wait3A_342 = tpu.memref_slice %arg4[%mul3A_337] : memref<320000xi32, #tpu.memory_space<hbm>> -> memref<128xi32, #tpu.memory_space<hbm>>
          %dma_wait3A_343 = arith.constant 0 : i32
          %dma_wait3A_344 = tpu.memref_slice %arg8[%dma_wait3A_338, %dma_wait3A_343] : memref<2x128xi32, #tpu.memory_space<vmem>> -> memref<1x128xi32, #tpu.memory_space<vmem>>
          %dma_wait3A_345 = tpu.memref_squeeze %dma_wait3A_344 : memref<1x128xi32, #tpu.memory_space<vmem>> -> memref<128xi32, #tpu.memory_space<vmem>>
          %dma_wait3A_346 = tpu.memref_slice %arg4[%mul3A_337] : memref<320000xi32, #tpu.memory_space<hbm>> -> memref<128xi32, #tpu.memory_space<hbm>>
          tpu.wait_dma2 semaphore(%arg17 : memref<!tpu.dma_semaphore, #tpu.memory_space<semaphore_mem>>) src(%dma_wait3A_346 : memref<128xi32, #tpu.memory_space<hbm>>) dst(%dma_wait3A_345 : memref<128xi32, #tpu.memory_space<vmem>>)
          %dma_start3A_347 = arith.constant 1 : i32
          %dma_start3A_348 = arith.constant 0 : i32
          %dma_start3A_349 = arith.constant 0 : i32
          %dma_start3A_350 = tpu.memref_slice %arg10[%dma_start3A_348, %dma_start3A_349] : memref<128x128xf32, #tpu.memory_space<vmem>> -> memref<64x128xf32, #tpu.memory_space<vmem>>
          %dma_start3A_351 = arith.constant 0 : i32
          %dma_start3A_352 = tpu.memref_slice %arg7[%dma_start3A_347, %dma_start3A_351] : memref<2x128xi32, #tpu.memory_space<vmem>> -> memref<1x64xi32, #tpu.memory_space<vmem>>
          %dma_start3A_353 = tpu.memref_squeeze %dma_start3A_352 : memref<1x64xi32, #tpu.memory_space<vmem>> -> memref<64xi32, #tpu.memory_space<vmem>>
          %dma_start3A_354 = arith.constant 0 : i32
          %dma_start3A_355 = arith.constant 0 : i32
          %dma_start3A_356 = tpu.memref_slice %arg2[%dma_start3A_354, %dma_start3A_355] : memref<10000x128xf32, #tpu.memory_space<hbm>> -> memref<10000x128xf32, #tpu.memory_space<hbm>>
          tpu.enqueue_indirect_dma source(%dma_start3A_356 : memref<10000x128xf32, #tpu.memory_space<hbm>>) target(%dma_start3A_350 : memref<64x128xf32, #tpu.memory_space<vmem>>) offsets(%dma_start3A_353 : memref<64xi32, #tpu.memory_space<vmem>>) semaphore(%arg20 : memref<!tpu.dma_semaphore, #tpu.memory_space<semaphore_mem>>)
          %dma_start3A_357 = arith.constant 1 : i32
          %dma_start3A_358 = arith.constant 64 : i32
          %dma_start3A_359 = arith.constant 0 : i32
          %dma_start3A_360 = tpu.memref_slice %arg10[%dma_start3A_358, %dma_start3A_359] : memref<128x128xf32, #tpu.memory_space<vmem>> -> memref<64x128xf32, #tpu.memory_space<vmem>>
          %dma_start3A_361 = arith.constant 64 : i32
          %dma_start3A_362 = tpu.memref_slice %arg7[%dma_start3A_357, %dma_start3A_361] : memref<2x128xi32, #tpu.memory_space<vmem>> -> memref<1x64xi32, #tpu.memory_space<vmem>>
          %dma_start3A_363 = tpu.memref_squeeze %dma_start3A_362 : memref<1x64xi32, #tpu.memory_space<vmem>> -> memref<64xi32, #tpu.memory_space<vmem>>
          %dma_start3A_364 = arith.constant 0 : i32
          %dma_start3A_365 = arith.constant 0 : i32
          %dma_start3A_366 = tpu.memref_slice %arg2[%dma_start3A_364, %dma_start3A_365] : memref<10000x128xf32, #tpu.memory_space<hbm>> -> memref<10000x128xf32, #tpu.memory_space<hbm>>
          tpu.enqueue_indirect_dma source(%dma_start3A_366 : memref<10000x128xf32, #tpu.memory_space<hbm>>) target(%dma_start3A_360 : memref<64x128xf32, #tpu.memory_space<vmem>>) offsets(%dma_start3A_363 : memref<64xi32, #tpu.memory_space<vmem>>) semaphore(%arg21 : memref<!tpu.dma_semaphore, #tpu.memory_space<semaphore_mem>>)
        } else {
        }
        %dma_start3A_307 = arith.constant 0 : i32
        %dma_start3A_308 = arith.constant 0 : i32
        %dma_start3A_309 = tpu.memref_slice %arg8[%dma_start3A_307, %dma_start3A_308] : memref<2x128xi32, #tpu.memory_space<vmem>> -> memref<1x128xi32, #tpu.memory_space<vmem>>
        %dma_start3A_310 = tpu.memref_squeeze %dma_start3A_309 : memref<1x128xi32, #tpu.memory_space<vmem>> -> memref<128xi32, #tpu.memory_space<vmem>>
        %dma_start3A_311 = arith.constant 0 : i32
        %dma_start3A_312 = arith.constant 0 : i32
        %dma_start3A_313 = tpu.memref_slice %arg11[%dma_start3A_311, %dma_start3A_312] : memref<10240x128xf32, #tpu.memory_space<vmem_shared>> -> memref<10240x128xf32, #tpu.memory_space<vmem_shared>>
        tpu.enqueue_indirect_dma source(%arg9 : memref<128x128xf32, #tpu.memory_space<vmem>>) target(%dma_start3A_313 : memref<10240x128xf32, #tpu.memory_space<vmem_shared>>) offsets(%dma_start3A_310 : memref<128xi32, #tpu.memory_space<vmem>>) semaphore(%arg22 : memref<!tpu.dma_semaphore, #tpu.memory_space<semaphore_mem>>) {add = true}
        %dma_start3A_314 = arith.constant 0 : i32
        %dma_start3A_315 = arith.constant 0 : i32
        %dma_start3A_316 = tpu.memref_slice %arg8[%dma_start3A_314, %dma_start3A_315] : memref<2x128xi32, #tpu.memory_space<vmem>> -> memref<1x128xi32, #tpu.memory_space<vmem>>
        %dma_start3A_317 = tpu.memref_squeeze %dma_start3A_316 : memref<1x128xi32, #tpu.memory_space<vmem>> -> memref<128xi32, #tpu.memory_space<vmem>>
        %dma_start3A_318 = arith.constant 0 : i32
        %dma_start3A_319 = arith.constant 0 : i32
        %dma_start3A_320 = tpu.memref_slice %arg12[%dma_start3A_318, %dma_start3A_319] : memref<10240x16xf32, #tpu.memory_space<vmem_shared>> -> memref<10240x16xf32, #tpu.memory_space<vmem_shared>>
        tpu.enqueue_indirect_dma source(%arg13 : memref<128x16xf32, #tpu.memory_space<vmem>>) target(%dma_start3A_320 : memref<10240x16xf32, #tpu.memory_space<vmem_shared>>) offsets(%dma_start3A_317 : memref<128xi32, #tpu.memory_space<vmem>>) semaphore(%arg24 : memref<!tpu.dma_semaphore, #tpu.memory_space<semaphore_mem>>) {add = true}
      } else {
      }
      %eq3A_265 = arith.constant 1 : i32
      %eq3A_266 = arith.cmpi eq, %rem3A_259, %eq3A_265 : i32
      %convert_element_type3A_267 = arith.extui %eq3A_266 : i1 to i32
      %cond3A_268 = arith.constant 0 : i32
      %cond3A_269 = arith.cmpi ne, %convert_element_type3A_267, %cond3A_268 : i32
      scf.if %cond3A_269 {
        %ge3A = arith.constant 1 : i32
        %ge3A_271 = arith.cmpi sge, %while3A_256, %ge3A : i32
        %convert_element_type3A_272 = arith.extui %ge3A_271 : i1 to i32
        %cond3A_273 = arith.constant 0 : i32
        %cond3A_274 = arith.cmpi ne, %convert_element_type3A_272, %cond3A_273 : i32
        scf.if %cond3A_274 {
          %dma_wait3A_321 = arith.constant 0 : i32
          %dma_wait3A_322 = arith.constant 0 : i32
          %dma_wait3A_323 = tpu.memref_slice %arg8[%dma_wait3A_321, %dma_wait3A_322] : memref<2x128xi32, #tpu.memory_space<vmem>> -> memref<1x128xi32, #tpu.memory_space<vmem>>
          %dma_wait3A_324 = tpu.memref_squeeze %dma_wait3A_323 : memref<1x128xi32, #tpu.memory_space<vmem>> -> memref<128xi32, #tpu.memory_space<vmem>>
          %dma_wait3A_325 = arith.constant 0 : i32
          %dma_wait3A_326 = arith.constant 0 : i32
          %dma_wait3A_327 = tpu.memref_slice %arg11[%dma_wait3A_325, %dma_wait3A_326] : memref<10240x128xf32, #tpu.memory_space<vmem_shared>> -> memref<10240x128xf32, #tpu.memory_space<vmem_shared>>
          tpu.wait_indirect_dma semaphore(%arg22 : memref<!tpu.dma_semaphore, #tpu.memory_space<semaphore_mem>>) src(%arg9 : memref<128x128xf32, #tpu.memory_space<vmem>>) dst(%dma_wait3A_327 : memref<10240x128xf32, #tpu.memory_space<vmem_shared>>)
          %dma_wait3A_328 = arith.constant 0 : i32
          %dma_wait3A_329 = arith.constant 0 : i32
          %dma_wait3A_330 = tpu.memref_slice %arg8[%dma_wait3A_328, %dma_wait3A_329] : memref<2x128xi32, #tpu.memory_space<vmem>> -> memref<1x128xi32, #tpu.memory_space<vmem>>
          %dma_wait3A_331 = tpu.memref_squeeze %dma_wait3A_330 : memref<1x128xi32, #tpu.memory_space<vmem>> -> memref<128xi32, #tpu.memory_space<vmem>>
          %dma_wait3A_332 = arith.constant 0 : i32
          %dma_wait3A_333 = arith.constant 0 : i32
          %dma_wait3A_334 = tpu.memref_slice %arg12[%dma_wait3A_332, %dma_wait3A_333] : memref<10240x16xf32, #tpu.memory_space<vmem_shared>> -> memref<10240x16xf32, #tpu.memory_space<vmem_shared>>
          tpu.wait_indirect_dma semaphore(%arg24 : memref<!tpu.dma_semaphore, #tpu.memory_space<semaphore_mem>>) src(%arg13 : memref<128x16xf32, #tpu.memory_space<vmem>>) dst(%dma_wait3A_334 : memref<10240x16xf32, #tpu.memory_space<vmem_shared>>)
        } else {
        }
        %add3A_275 = arith.constant 1 : i32
        %add3A_276 = arith.addi %while3A_256, %add3A_275 : i32
        %lt3A_277 = arith.cmpi slt, %add3A_276, %add3A_4 : i32
        %convert_element_type3A_278 = arith.extui %lt3A_277 : i1 to i32
        %cond3A_279 = arith.constant 0 : i32
        %cond3A_280 = arith.cmpi ne, %convert_element_type3A_278, %cond3A_279 : i32
        scf.if %cond3A_280 {
          %add3A_321 = arith.constant 1 : i32
          %add3A_322 = arith.addi %while3A_256, %add3A_321 : i32
          %add3A_323 = arith.addi %add3A_8, %add3A_322 : i32
          %mul3A_324 = arith.constant 128 : i32
          %mul3A_325 = arith.muli %add3A_323, %mul3A_324 : i32
          %dma_start3A_326 = arith.constant 0 : i32
          %dma_start3A_327 = arith.constant 0 : i32
          %dma_start3A_328 = tpu.memref_slice %arg7[%dma_start3A_326, %dma_start3A_327] : memref<2x128xi32, #tpu.memory_space<vmem>> -> memref<1x128xi32, #tpu.memory_space<vmem>>
          %dma_start3A_329 = tpu.memref_squeeze %dma_start3A_328 : memref<1x128xi32, #tpu.memory_space<vmem>> -> memref<128xi32, #tpu.memory_space<vmem>>
          %dma_start3A_330 = tpu.memref_slice %arg3[%mul3A_325] : memref<320000xi32, #tpu.memory_space<hbm>> -> memref<128xi32, #tpu.memory_space<hbm>>
          %dma_start3A_331 = arith.constant 0 : i32
          %dma_start3A_332 = tpu.memref_slice %arg7[%dma_start3A_326, %dma_start3A_331] : memref<2x128xi32, #tpu.memory_space<vmem>> -> memref<1x128xi32, #tpu.memory_space<vmem>>
          %dma_start3A_333 = tpu.memref_squeeze %dma_start3A_332 : memref<1x128xi32, #tpu.memory_space<vmem>> -> memref<128xi32, #tpu.memory_space<vmem>>
          %dma_start3A_334 = tpu.memref_slice %arg3[%mul3A_325] : memref<320000xi32, #tpu.memory_space<hbm>> -> memref<128xi32, #tpu.memory_space<hbm>>
          tpu.enqueue_dma source(%dma_start3A_334 : memref<128xi32, #tpu.memory_space<hbm>>) target(%dma_start3A_333 : memref<128xi32, #tpu.memory_space<vmem>>) target_semaphore(%arg14 : memref<!tpu.dma_semaphore, #tpu.memory_space<semaphore_mem>>)
          %add3A_335 = arith.addi %add3A_8, %add3A_322 : i32
          %mul3A_336 = arith.constant 128 : i32
          %mul3A_337 = arith.muli %add3A_335, %mul3A_336 : i32
          %dma_start3A_338 = arith.constant 0 : i32
          %dma_start3A_339 = arith.constant 0 : i32
          %dma_start3A_340 = tpu.memref_slice %arg8[%dma_start3A_338, %dma_start3A_339] : memref<2x128xi32, #tpu.memory_space<vmem>> -> memref<1x128xi32, #tpu.memory_space<vmem>>
          %dma_start3A_341 = tpu.memref_squeeze %dma_start3A_340 : memref<1x128xi32, #tpu.memory_space<vmem>> -> memref<128xi32, #tpu.memory_space<vmem>>
          %dma_start3A_342 = tpu.memref_slice %arg4[%mul3A_337] : memref<320000xi32, #tpu.memory_space<hbm>> -> memref<128xi32, #tpu.memory_space<hbm>>
          %dma_start3A_343 = arith.constant 0 : i32
          %dma_start3A_344 = tpu.memref_slice %arg8[%dma_start3A_338, %dma_start3A_343] : memref<2x128xi32, #tpu.memory_space<vmem>> -> memref<1x128xi32, #tpu.memory_space<vmem>>
          %dma_start3A_345 = tpu.memref_squeeze %dma_start3A_344 : memref<1x128xi32, #tpu.memory_space<vmem>> -> memref<128xi32, #tpu.memory_space<vmem>>
          %dma_start3A_346 = tpu.memref_slice %arg4[%mul3A_337] : memref<320000xi32, #tpu.memory_space<hbm>> -> memref<128xi32, #tpu.memory_space<hbm>>
          tpu.enqueue_dma source(%dma_start3A_346 : memref<128xi32, #tpu.memory_space<hbm>>) target(%dma_start3A_345 : memref<128xi32, #tpu.memory_space<vmem>>) target_semaphore(%arg16 : memref<!tpu.dma_semaphore, #tpu.memory_space<semaphore_mem>>)
        } else {
        }
        %dma_wait3A_281 = arith.constant 1 : i32
        %dma_wait3A_282 = arith.constant 0 : i32
        %dma_wait3A_283 = arith.constant 0 : i32
        %dma_wait3A_284 = tpu.memref_slice %arg10[%dma_wait3A_282, %dma_wait3A_283] : memref<128x128xf32, #tpu.memory_space<vmem>> -> memref<64x128xf32, #tpu.memory_space<vmem>>
        %dma_wait3A_285 = arith.constant 0 : i32
        %dma_wait3A_286 = tpu.memref_slice %arg7[%dma_wait3A_281, %dma_wait3A_285] : memref<2x128xi32, #tpu.memory_space<vmem>> -> memref<1x64xi32, #tpu.memory_space<vmem>>
        %dma_wait3A_287 = tpu.memref_squeeze %dma_wait3A_286 : memref<1x64xi32, #tpu.memory_space<vmem>> -> memref<64xi32, #tpu.memory_space<vmem>>
        %dma_wait3A_288 = arith.constant 0 : i32
        %dma_wait3A_289 = arith.constant 0 : i32
        %dma_wait3A_290 = tpu.memref_slice %arg2[%dma_wait3A_288, %dma_wait3A_289] : memref<10000x128xf32, #tpu.memory_space<hbm>> -> memref<10000x128xf32, #tpu.memory_space<hbm>>
        tpu.wait_indirect_dma semaphore(%arg20 : memref<!tpu.dma_semaphore, #tpu.memory_space<semaphore_mem>>) src(%dma_wait3A_290 : memref<10000x128xf32, #tpu.memory_space<hbm>>) dst(%dma_wait3A_284 : memref<64x128xf32, #tpu.memory_space<vmem>>)
        %dma_wait3A_291 = arith.constant 1 : i32
        %dma_wait3A_292 = arith.constant 64 : i32
        %dma_wait3A_293 = arith.constant 0 : i32
        %dma_wait3A_294 = tpu.memref_slice %arg10[%dma_wait3A_292, %dma_wait3A_293] : memref<128x128xf32, #tpu.memory_space<vmem>> -> memref<64x128xf32, #tpu.memory_space<vmem>>
        %dma_wait3A_295 = arith.constant 64 : i32
        %dma_wait3A_296 = tpu.memref_slice %arg7[%dma_wait3A_291, %dma_wait3A_295] : memref<2x128xi32, #tpu.memory_space<vmem>> -> memref<1x64xi32, #tpu.memory_space<vmem>>
        %dma_wait3A_297 = tpu.memref_squeeze %dma_wait3A_296 : memref<1x64xi32, #tpu.memory_space<vmem>> -> memref<64xi32, #tpu.memory_space<vmem>>
        %dma_wait3A_298 = arith.constant 0 : i32
        %dma_wait3A_299 = arith.constant 0 : i32
        %dma_wait3A_300 = tpu.memref_slice %arg2[%dma_wait3A_298, %dma_wait3A_299] : memref<10000x128xf32, #tpu.memory_space<hbm>> -> memref<10000x128xf32, #tpu.memory_space<hbm>>
        tpu.wait_indirect_dma semaphore(%arg21 : memref<!tpu.dma_semaphore, #tpu.memory_space<semaphore_mem>>) src(%dma_wait3A_300 : memref<10000x128xf32, #tpu.memory_space<hbm>>) dst(%dma_wait3A_294 : memref<64x128xf32, #tpu.memory_space<vmem>>)
        %add3A_301 = arith.constant 1 : i32
        %add3A_302 = arith.addi %while3A_256, %add3A_301 : i32
        %lt3A_303 = arith.cmpi slt, %add3A_302, %add3A_4 : i32
        %convert_element_type3A_304 = arith.extui %lt3A_303 : i1 to i32
        %cond3A_305 = arith.constant 0 : i32
        %cond3A_306 = arith.cmpi ne, %convert_element_type3A_304, %cond3A_305 : i32
        scf.if %cond3A_306 {
          %add3A_321 = arith.constant 1 : i32
          %add3A_322 = arith.addi %while3A_256, %add3A_321 : i32
          %add3A_323 = arith.addi %add3A_8, %add3A_322 : i32
          %mul3A_324 = arith.constant 128 : i32
          %mul3A_325 = arith.muli %add3A_323, %mul3A_324 : i32
          %dma_wait3A_326 = arith.constant 0 : i32
          %dma_wait3A_327 = arith.constant 0 : i32
          %dma_wait3A_328 = tpu.memref_slice %arg7[%dma_wait3A_326, %dma_wait3A_327] : memref<2x128xi32, #tpu.memory_space<vmem>> -> memref<1x128xi32, #tpu.memory_space<vmem>>
          %dma_wait3A_329 = tpu.memref_squeeze %dma_wait3A_328 : memref<1x128xi32, #tpu.memory_space<vmem>> -> memref<128xi32, #tpu.memory_space<vmem>>
          %dma_wait3A_330 = tpu.memref_slice %arg3[%mul3A_325] : memref<320000xi32, #tpu.memory_space<hbm>> -> memref<128xi32, #tpu.memory_space<hbm>>
          %dma_wait3A_331 = arith.constant 0 : i32
          %dma_wait3A_332 = tpu.memref_slice %arg7[%dma_wait3A_326, %dma_wait3A_331] : memref<2x128xi32, #tpu.memory_space<vmem>> -> memref<1x128xi32, #tpu.memory_space<vmem>>
          %dma_wait3A_333 = tpu.memref_squeeze %dma_wait3A_332 : memref<1x128xi32, #tpu.memory_space<vmem>> -> memref<128xi32, #tpu.memory_space<vmem>>
          %dma_wait3A_334 = tpu.memref_slice %arg3[%mul3A_325] : memref<320000xi32, #tpu.memory_space<hbm>> -> memref<128xi32, #tpu.memory_space<hbm>>
          tpu.wait_dma2 semaphore(%arg14 : memref<!tpu.dma_semaphore, #tpu.memory_space<semaphore_mem>>) src(%dma_wait3A_334 : memref<128xi32, #tpu.memory_space<hbm>>) dst(%dma_wait3A_333 : memref<128xi32, #tpu.memory_space<vmem>>)
          %add3A_335 = arith.addi %add3A_8, %add3A_322 : i32
          %mul3A_336 = arith.constant 128 : i32
          %mul3A_337 = arith.muli %add3A_335, %mul3A_336 : i32
          %dma_wait3A_338 = arith.constant 0 : i32
          %dma_wait3A_339 = arith.constant 0 : i32
          %dma_wait3A_340 = tpu.memref_slice %arg8[%dma_wait3A_338, %dma_wait3A_339] : memref<2x128xi32, #tpu.memory_space<vmem>> -> memref<1x128xi32, #tpu.memory_space<vmem>>
          %dma_wait3A_341 = tpu.memref_squeeze %dma_wait3A_340 : memref<1x128xi32, #tpu.memory_space<vmem>> -> memref<128xi32, #tpu.memory_space<vmem>>
          %dma_wait3A_342 = tpu.memref_slice %arg4[%mul3A_337] : memref<320000xi32, #tpu.memory_space<hbm>> -> memref<128xi32, #tpu.memory_space<hbm>>
          %dma_wait3A_343 = arith.constant 0 : i32
          %dma_wait3A_344 = tpu.memref_slice %arg8[%dma_wait3A_338, %dma_wait3A_343] : memref<2x128xi32, #tpu.memory_space<vmem>> -> memref<1x128xi32, #tpu.memory_space<vmem>>
          %dma_wait3A_345 = tpu.memref_squeeze %dma_wait3A_344 : memref<1x128xi32, #tpu.memory_space<vmem>> -> memref<128xi32, #tpu.memory_space<vmem>>
          %dma_wait3A_346 = tpu.memref_slice %arg4[%mul3A_337] : memref<320000xi32, #tpu.memory_space<hbm>> -> memref<128xi32, #tpu.memory_space<hbm>>
          tpu.wait_dma2 semaphore(%arg16 : memref<!tpu.dma_semaphore, #tpu.memory_space<semaphore_mem>>) src(%dma_wait3A_346 : memref<128xi32, #tpu.memory_space<hbm>>) dst(%dma_wait3A_345 : memref<128xi32, #tpu.memory_space<vmem>>)
          %dma_start3A_347 = arith.constant 0 : i32
          %dma_start3A_348 = arith.constant 0 : i32
          %dma_start3A_349 = arith.constant 0 : i32
          %dma_start3A_350 = tpu.memref_slice %arg9[%dma_start3A_348, %dma_start3A_349] : memref<128x128xf32, #tpu.memory_space<vmem>> -> memref<64x128xf32, #tpu.memory_space<vmem>>
          %dma_start3A_351 = arith.constant 0 : i32
          %dma_start3A_352 = tpu.memref_slice %arg7[%dma_start3A_347, %dma_start3A_351] : memref<2x128xi32, #tpu.memory_space<vmem>> -> memref<1x64xi32, #tpu.memory_space<vmem>>
          %dma_start3A_353 = tpu.memref_squeeze %dma_start3A_352 : memref<1x64xi32, #tpu.memory_space<vmem>> -> memref<64xi32, #tpu.memory_space<vmem>>
          %dma_start3A_354 = arith.constant 0 : i32
          %dma_start3A_355 = arith.constant 0 : i32
          %dma_start3A_356 = tpu.memref_slice %arg2[%dma_start3A_354, %dma_start3A_355] : memref<10000x128xf32, #tpu.memory_space<hbm>> -> memref<10000x128xf32, #tpu.memory_space<hbm>>
          tpu.enqueue_indirect_dma source(%dma_start3A_356 : memref<10000x128xf32, #tpu.memory_space<hbm>>) target(%dma_start3A_350 : memref<64x128xf32, #tpu.memory_space<vmem>>) offsets(%dma_start3A_353 : memref<64xi32, #tpu.memory_space<vmem>>) semaphore(%arg18 : memref<!tpu.dma_semaphore, #tpu.memory_space<semaphore_mem>>)
          %dma_start3A_357 = arith.constant 0 : i32
          %dma_start3A_358 = arith.constant 64 : i32
          %dma_start3A_359 = arith.constant 0 : i32
          %dma_start3A_360 = tpu.memref_slice %arg9[%dma_start3A_358, %dma_start3A_359] : memref<128x128xf32, #tpu.memory_space<vmem>> -> memref<64x128xf32, #tpu.memory_space<vmem>>
          %dma_start3A_361 = arith.constant 64 : i32
          %dma_start3A_362 = tpu.memref_slice %arg7[%dma_start3A_357, %dma_start3A_361] : memref<2x128xi32, #tpu.memory_space<vmem>> -> memref<1x64xi32, #tpu.memory_space<vmem>>
          %dma_start3A_363 = tpu.memref_squeeze %dma_start3A_362 : memref<1x64xi32, #tpu.memory_space<vmem>> -> memref<64xi32, #tpu.memory_space<vmem>>
          %dma_start3A_364 = arith.constant 0 : i32
          %dma_start3A_365 = arith.constant 0 : i32
          %dma_start3A_366 = tpu.memref_slice %arg2[%dma_start3A_364, %dma_start3A_365] : memref<10000x128xf32, #tpu.memory_space<hbm>> -> memref<10000x128xf32, #tpu.memory_space<hbm>>
          tpu.enqueue_indirect_dma source(%dma_start3A_366 : memref<10000x128xf32, #tpu.memory_space<hbm>>) target(%dma_start3A_360 : memref<64x128xf32, #tpu.memory_space<vmem>>) offsets(%dma_start3A_363 : memref<64xi32, #tpu.memory_space<vmem>>) semaphore(%arg19 : memref<!tpu.dma_semaphore, #tpu.memory_space<semaphore_mem>>)
        } else {
        }
        %dma_start3A_307 = arith.constant 1 : i32
        %dma_start3A_308 = arith.constant 0 : i32
        %dma_start3A_309 = tpu.memref_slice %arg8[%dma_start3A_307, %dma_start3A_308] : memref<2x128xi32, #tpu.memory_space<vmem>> -> memref<1x128xi32, #tpu.memory_space<vmem>>
        %dma_start3A_310 = tpu.memref_squeeze %dma_start3A_309 : memref<1x128xi32, #tpu.memory_space<vmem>> -> memref<128xi32, #tpu.memory_space<vmem>>
        %dma_start3A_311 = arith.constant 0 : i32
        %dma_start3A_312 = arith.constant 0 : i32
        %dma_start3A_313 = tpu.memref_slice %arg11[%dma_start3A_311, %dma_start3A_312] : memref<10240x128xf32, #tpu.memory_space<vmem_shared>> -> memref<10240x128xf32, #tpu.memory_space<vmem_shared>>
        tpu.enqueue_indirect_dma source(%arg10 : memref<128x128xf32, #tpu.memory_space<vmem>>) target(%dma_start3A_313 : memref<10240x128xf32, #tpu.memory_space<vmem_shared>>) offsets(%dma_start3A_310 : memref<128xi32, #tpu.memory_space<vmem>>) semaphore(%arg23 : memref<!tpu.dma_semaphore, #tpu.memory_space<semaphore_mem>>) {add = true}
        %dma_start3A_314 = arith.constant 1 : i32
        %dma_start3A_315 = arith.constant 0 : i32
        %dma_start3A_316 = tpu.memref_slice %arg8[%dma_start3A_314, %dma_start3A_315] : memref<2x128xi32, #tpu.memory_space<vmem>> -> memref<1x128xi32, #tpu.memory_space<vmem>>
        %dma_start3A_317 = tpu.memref_squeeze %dma_start3A_316 : memref<1x128xi32, #tpu.memory_space<vmem>> -> memref<128xi32, #tpu.memory_space<vmem>>
        %dma_start3A_318 = arith.constant 0 : i32
        %dma_start3A_319 = arith.constant 0 : i32
        %dma_start3A_320 = tpu.memref_slice %arg12[%dma_start3A_318, %dma_start3A_319] : memref<10240x16xf32, #tpu.memory_space<vmem_shared>> -> memref<10240x16xf32, #tpu.memory_space<vmem_shared>>
        tpu.enqueue_indirect_dma source(%arg13 : memref<128x16xf32, #tpu.memory_space<vmem>>) target(%dma_start3A_320 : memref<10240x16xf32, #tpu.memory_space<vmem_shared>>) offsets(%dma_start3A_317 : memref<128xi32, #tpu.memory_space<vmem>>) semaphore(%arg25 : memref<!tpu.dma_semaphore, #tpu.memory_space<semaphore_mem>>) {add = true}
      } else {
      }
      %while3A_270 = arith.constant 0 : i32
      scf.yield %while3A_270 : i32
    }
    %sub3A = arith.constant 1 : i32
    %sub3A_242 = arith.subi %add3A_4, %sub3A : i32
    %rem3A = arith.constant 2 : i32
    %rem3A_243 = arith.remsi %sub3A_242, %rem3A : i32
    %eq3A = arith.constant 0 : i32
    %eq3A_244 = arith.cmpi eq, %rem3A_243, %eq3A : i32
    %convert_element_type3A = arith.extui %eq3A_244 : i1 to i32
    %cond3A = arith.constant 0 : i32
    %cond3A_245 = arith.cmpi ne, %convert_element_type3A, %cond3A : i32
    scf.if %cond3A_245 {
      %dma_wait3A_256 = arith.constant 0 : i32
      %dma_wait3A_257 = arith.constant 0 : i32
      %dma_wait3A_258 = tpu.memref_slice %arg8[%dma_wait3A_256, %dma_wait3A_257] : memref<2x128xi32, #tpu.memory_space<vmem>> -> memref<1x128xi32, #tpu.memory_space<vmem>>
      %dma_wait3A_259 = tpu.memref_squeeze %dma_wait3A_258 : memref<1x128xi32, #tpu.memory_space<vmem>> -> memref<128xi32, #tpu.memory_space<vmem>>
      %dma_wait3A_260 = arith.constant 0 : i32
      %dma_wait3A_261 = arith.constant 0 : i32
      %dma_wait3A_262 = tpu.memref_slice %arg11[%dma_wait3A_260, %dma_wait3A_261] : memref<10240x128xf32, #tpu.memory_space<vmem_shared>> -> memref<10240x128xf32, #tpu.memory_space<vmem_shared>>
      tpu.wait_indirect_dma semaphore(%arg22 : memref<!tpu.dma_semaphore, #tpu.memory_space<semaphore_mem>>) src(%arg9 : memref<128x128xf32, #tpu.memory_space<vmem>>) dst(%dma_wait3A_262 : memref<10240x128xf32, #tpu.memory_space<vmem_shared>>)
      %dma_wait3A_263 = arith.constant 0 : i32
      %dma_wait3A_264 = arith.constant 0 : i32
      %dma_wait3A_265 = tpu.memref_slice %arg8[%dma_wait3A_263, %dma_wait3A_264] : memref<2x128xi32, #tpu.memory_space<vmem>> -> memref<1x128xi32, #tpu.memory_space<vmem>>
      %dma_wait3A_266 = tpu.memref_squeeze %dma_wait3A_265 : memref<1x128xi32, #tpu.memory_space<vmem>> -> memref<128xi32, #tpu.memory_space<vmem>>
      %dma_wait3A_267 = arith.constant 0 : i32
      %dma_wait3A_268 = arith.constant 0 : i32
      %dma_wait3A_269 = tpu.memref_slice %arg12[%dma_wait3A_267, %dma_wait3A_268] : memref<10240x16xf32, #tpu.memory_space<vmem_shared>> -> memref<10240x16xf32, #tpu.memory_space<vmem_shared>>
      tpu.wait_indirect_dma semaphore(%arg24 : memref<!tpu.dma_semaphore, #tpu.memory_space<semaphore_mem>>) src(%arg13 : memref<128x16xf32, #tpu.memory_space<vmem>>) dst(%dma_wait3A_269 : memref<10240x16xf32, #tpu.memory_space<vmem_shared>>)
    } else {
    }
    %sub3A_246 = arith.constant 1 : i32
    %sub3A_247 = arith.subi %add3A_4, %sub3A_246 : i32
    %rem3A_248 = arith.constant 2 : i32
    %rem3A_249 = arith.remsi %sub3A_247, %rem3A_248 : i32
    %eq3A_250 = arith.constant 1 : i32
    %eq3A_251 = arith.cmpi eq, %rem3A_249, %eq3A_250 : i32
    %convert_element_type3A_252 = arith.extui %eq3A_251 : i1 to i32
    %cond3A_253 = arith.constant 0 : i32
    %cond3A_254 = arith.cmpi ne, %convert_element_type3A_252, %cond3A_253 : i32
    scf.if %cond3A_254 {
      %dma_wait3A_256 = arith.constant 1 : i32
      %dma_wait3A_257 = arith.constant 0 : i32
      %dma_wait3A_258 = tpu.memref_slice %arg8[%dma_wait3A_256, %dma_wait3A_257] : memref<2x128xi32, #tpu.memory_space<vmem>> -> memref<1x128xi32, #tpu.memory_space<vmem>>
      %dma_wait3A_259 = tpu.memref_squeeze %dma_wait3A_258 : memref<1x128xi32, #tpu.memory_space<vmem>> -> memref<128xi32, #tpu.memory_space<vmem>>
      %dma_wait3A_260 = arith.constant 0 : i32
      %dma_wait3A_261 = arith.constant 0 : i32
      %dma_wait3A_262 = tpu.memref_slice %arg11[%dma_wait3A_260, %dma_wait3A_261] : memref<10240x128xf32, #tpu.memory_space<vmem_shared>> -> memref<10240x128xf32, #tpu.memory_space<vmem_shared>>
      tpu.wait_indirect_dma semaphore(%arg23 : memref<!tpu.dma_semaphore, #tpu.memory_space<semaphore_mem>>) src(%arg10 : memref<128x128xf32, #tpu.memory_space<vmem>>) dst(%dma_wait3A_262 : memref<10240x128xf32, #tpu.memory_space<vmem_shared>>)
      %dma_wait3A_263 = arith.constant 1 : i32
      %dma_wait3A_264 = arith.constant 0 : i32
      %dma_wait3A_265 = tpu.memref_slice %arg8[%dma_wait3A_263, %dma_wait3A_264] : memref<2x128xi32, #tpu.memory_space<vmem>> -> memref<1x128xi32, #tpu.memory_space<vmem>>
      %dma_wait3A_266 = tpu.memref_squeeze %dma_wait3A_265 : memref<1x128xi32, #tpu.memory_space<vmem>> -> memref<128xi32, #tpu.memory_space<vmem>>
      %dma_wait3A_267 = arith.constant 0 : i32
      %dma_wait3A_268 = arith.constant 0 : i32
      %dma_wait3A_269 = tpu.memref_slice %arg12[%dma_wait3A_267, %dma_wait3A_268] : memref<10240x16xf32, #tpu.memory_space<vmem_shared>> -> memref<10240x16xf32, #tpu.memory_space<vmem_shared>>
      tpu.wait_indirect_dma semaphore(%arg25 : memref<!tpu.dma_semaphore, #tpu.memory_space<semaphore_mem>>) src(%arg13 : memref<128x16xf32, #tpu.memory_space<vmem>>) dst(%dma_wait3A_269 : memref<10240x16xf32, #tpu.memory_space<vmem_shared>>)
    } else {
    }
    %barrier3A_255 = arith.constant 0 : index
    tpu.barrier barrier_id(%barrier3A_255)
    "tpu.region"() ({
      %run_scoped3A_256 = tpu.sem_alloc : memref<!tpu.dma_semaphore, #tpu.memory_space<semaphore_mem>>
      %dma_start3A_257 = arith.constant 0 : i32
      %dma_start3A_258 = tpu.memref_slice %arg5[%arg0, %mul3A_16, %dma_start3A_257] : memref<2x10240x128xf32, #tpu.memory_space<hbm>> -> memref<1x640x128xf32, #tpu.memory_space<hbm>>
      %dma_start3A_259 = tpu.memref_squeeze %dma_start3A_258 : memref<1x640x128xf32, #tpu.memory_space<hbm>> -> memref<640x128xf32, #tpu.memory_space<hbm>>
      %dma_start3A_260 = arith.constant 0 : i32
      %dma_start3A_261 = tpu.memref_slice %arg11[%mul3A_16, %dma_start3A_260] : memref<10240x128xf32, #tpu.memory_space<vmem_shared>> -> memref<640x128xf32, #tpu.memory_space<vmem_shared>>
      tpu.enqueue_dma source(%dma_start3A_261 : memref<640x128xf32, #tpu.memory_space<vmem_shared>>) target(%dma_start3A_259 : memref<640x128xf32, #tpu.memory_space<hbm>>) target_semaphore(%run_scoped3A_256 : memref<!tpu.dma_semaphore, #tpu.memory_space<semaphore_mem>>)
      %dma_wait3A_262 = arith.constant 0 : i32
      %dma_wait3A_263 = tpu.memref_slice %arg5[%arg0, %mul3A_16, %dma_wait3A_262] : memref<2x10240x128xf32, #tpu.memory_space<hbm>> -> memref<1x640x128xf32, #tpu.memory_space<hbm>>
      %dma_wait3A_264 = tpu.memref_squeeze %dma_wait3A_263 : memref<1x640x128xf32, #tpu.memory_space<hbm>> -> memref<640x128xf32, #tpu.memory_space<hbm>>
      %dma_wait3A_265 = arith.constant 0 : i32
      %dma_wait3A_266 = tpu.memref_slice %arg11[%mul3A_16, %dma_wait3A_265] : memref<10240x128xf32, #tpu.memory_space<vmem_shared>> -> memref<640x128xf32, #tpu.memory_space<vmem_shared>>
      tpu.wait_dma2 semaphore(%run_scoped3A_256 : memref<!tpu.dma_semaphore, #tpu.memory_space<semaphore_mem>>) src(%dma_wait3A_266 : memref<640x128xf32, #tpu.memory_space<vmem_shared>>) dst(%dma_wait3A_264 : memref<640x128xf32, #tpu.memory_space<hbm>>)
      tpu.yield
    }) : () -> ()
    "tpu.region"() ({
      %run_scoped3A_256 = tpu.sem_alloc : memref<!tpu.dma_semaphore, #tpu.memory_space<semaphore_mem>>
      %dma_start3A_257 = arith.constant 0 : i32
      %dma_start3A_258 = tpu.memref_slice %arg6[%arg0, %mul3A_16, %dma_start3A_257] : memref<2x10240x128xf32, #tpu.memory_space<hbm>> -> memref<1x640x16xf32, #tpu.memory_space<hbm>>
      %dma_start3A_259 = tpu.memref_squeeze %dma_start3A_258 : memref<1x640x16xf32, #tpu.memory_space<hbm>> -> memref<640x16xf32, #tpu.memory_space<hbm>>
      %dma_start3A_260 = arith.constant 0 : i32
      %dma_start3A_261 = tpu.memref_slice %arg12[%mul3A_16, %dma_start3A_260] : memref<10240x16xf32, #tpu.memory_space<vmem_shared>> -> memref<640x16xf32, #tpu.memory_space<vmem_shared>>
      tpu.enqueue_dma source(%dma_start3A_261 : memref<640x16xf32, #tpu.memory_space<vmem_shared>>) target(%dma_start3A_259 : memref<640x16xf32, #tpu.memory_space<hbm>>) target_semaphore(%run_scoped3A_256 : memref<!tpu.dma_semaphore, #tpu.memory_space<semaphore_mem>>)
      %dma_wait3A_262 = arith.constant 0 : i32
      %dma_wait3A_263 = tpu.memref_slice %arg6[%arg0, %mul3A_16, %dma_wait3A_262] : memref<2x10240x128xf32, #tpu.memory_space<hbm>> -> memref<1x640x16xf32, #tpu.memory_space<hbm>>
      %dma_wait3A_264 = tpu.memref_squeeze %dma_wait3A_263 : memref<1x640x16xf32, #tpu.memory_space<hbm>> -> memref<640x16xf32, #tpu.memory_space<hbm>>
      %dma_wait3A_265 = arith.constant 0 : i32
      %dma_wait3A_266 = tpu.memref_slice %arg12[%mul3A_16, %dma_wait3A_265] : memref<10240x16xf32, #tpu.memory_space<vmem_shared>> -> memref<640x16xf32, #tpu.memory_space<vmem_shared>>
      tpu.wait_dma2 semaphore(%run_scoped3A_256 : memref<!tpu.dma_semaphore, #tpu.memory_space<semaphore_mem>>) src(%dma_wait3A_266 : memref<640x16xf32, #tpu.memory_space<vmem_shared>>) dst(%dma_wait3A_264 : memref<640x16xf32, #tpu.memory_space<hbm>>)
      tpu.yield
    }) : () -> ()
    return
  }
}

#map = affine_map<(d0, d1) -> (0, 0)>
#map1 = affine_map<(d0, d1) -> (0)>
#map2 = affine_map<(d0, d1) -> (0, 0, 0)>
module attributes {stable_mosaic.version = 14 : i64} {
  func.func @_sc_aggregate_body(%arg0: i32, %arg1: i32, %arg2: memref<10000x128xf32, #tpu.memory_space<hbm>>, %arg3: memref<320000xi32, #tpu.memory_space<hbm>>, %arg4: memref<320000xi32, #tpu.memory_space<hbm>>, %arg5: memref<2x10240x128xf32, #tpu.memory_space<hbm>>, %arg6: memref<2x10240x128xf32, #tpu.memory_space<hbm>>, %arg7: memref<2x128xi32, #tpu.memory_space<vmem>>, %arg8: memref<2x128xi32, #tpu.memory_space<vmem>>, %arg9: memref<128x128xf32, #tpu.memory_space<vmem>>, %arg10: memref<128x128xf32, #tpu.memory_space<vmem>>, %arg11: memref<10240x128xf32, #tpu.memory_space<vmem_shared>>, %arg12: memref<10240x16xf32, #tpu.memory_space<vmem_shared>>, %arg13: memref<128x16xf32, #tpu.memory_space<vmem>>, %arg14: memref<!tpu.dma_semaphore, #tpu.memory_space<semaphore_mem>>, %arg15: memref<!tpu.dma_semaphore, #tpu.memory_space<semaphore_mem>>, %arg16: memref<!tpu.dma_semaphore, #tpu.memory_space<semaphore_mem>>, %arg17: memref<!tpu.dma_semaphore, #tpu.memory_space<semaphore_mem>>, %arg18: memref<!tpu.dma_semaphore, #tpu.memory_space<semaphore_mem>>, %arg19: memref<!tpu.dma_semaphore, #tpu.memory_space<semaphore_mem>>, %arg20: memref<!tpu.dma_semaphore, #tpu.memory_space<semaphore_mem>>, %arg21: memref<!tpu.dma_semaphore, #tpu.memory_space<semaphore_mem>>, %arg22: memref<!tpu.dma_semaphore, #tpu.memory_space<semaphore_mem>>, %arg23: memref<!tpu.dma_semaphore, #tpu.memory_space<semaphore_mem>>, %arg24: memref<!tpu.dma_semaphore, #tpu.memory_space<semaphore_mem>>, %arg25: memref<!tpu.dma_semaphore, #tpu.memory_space<semaphore_mem>>, %arg26: memref<!tpu.dma_semaphore, #tpu.memory_space<semaphore_mem>>) attributes {dimension_semantics = [#tpu.dimension_semantics<core_parallel>, #tpu.dimension_semantics<subcore_parallel>], iteration_bounds = array<i64: 2, 16>, scalar_prefetch = 0 : i64, scratch_operands = 20 : i64, tpu.core_type = #tpu.core_type<sc_vector_subcore>, window_params = [{transform_indices = #map}, {transform_indices = #map1}, {transform_indices = #map1}, {transform_indices = #map2}, {transform_indices = #map2}]} {
    %mul3A = arith.constant 2 : i32
    %mul3A_0 = arith.muli %arg1, %mul3A : i32
    %add3A = arith.addi %mul3A_0, %arg0 : i32
    %lt3A = arith.constant 4 : i32
    %lt3A_1 = arith.cmpi slt, %add3A, %lt3A : i32
    %jit3A = arith.constant 1 : i32
    %jit3A_2 = arith.constant 0 : i32
    %select_n3A = arith.select %lt3A_1, %jit3A, %jit3A_2 : i32
    %add3A_3 = arith.constant 78 : i32
    %add3A_4 = arith.addi %add3A_3, %select_n3A : i32
    %mul3A_5 = arith.constant 78 : i32
    %mul3A_6 = arith.muli %mul3A_5, %add3A : i32
    %min3A = arith.constant 4 : i32
    %min3A_7 = arith.minsi %add3A, %min3A : i32
    %add3A_8 = arith.addi %mul3A_6, %min3A_7 : i32
    %scan3A = arith.constant 0 : i32
    %scan3A_9 = arith.constant 0 : i32
    %scan3A_10 = arith.constant 1024 : i32
    %scan3A_11 = arith.addi %scan3A_9, %scan3A_10 : i32
    %scan3A_12 = arith.constant 1 : i32
    %scan3A_13 = scf.for %scan3A_129 = %scan3A_9 to %scan3A_11 step %scan3A_12 iter_args(%scan3A_130 = %scan3A) -> (i32)  : i32 {
      %broadcast_in_dim3A = arith.constant 0.000000e+00 : f32
      %broadcast_in_dim3A_131 = vector.broadcast %broadcast_in_dim3A : f32 to vector<16xf32>
      %div3A = arith.constant 8 : i32
      %div3A_132 = arith.divsi %scan3A_129, %div3A : i32
      %rem3A_133 = arith.constant 8 : i32
      %rem3A_134 = arith.remsi %scan3A_129, %rem3A_133 : i32
      %mul3A_135 = arith.constant 16 : i32
      %mul3A_136 = arith.muli %rem3A_134, %mul3A_135 : i32
      %swap3A = arith.index_cast %div3A_132 : i32 to index
      %swap3A_137 = arith.index_cast %mul3A_136 : i32 to index
      %swap3A_138 = tpu.vector_load %arg9[%swap3A, %swap3A_137] {strides = array<i32>} : memref<128x128xf32, #tpu.memory_space<vmem>>, vector<1x16xf32>,
      %swap3A_139 = vector.shape_cast %swap3A_138 : vector<1x16xf32> to vector<16xf32>
      %swap3A_140 = vector.shape_cast %broadcast_in_dim3A_131 : vector<16xf32> to vector<1x16xf32>
      tpu.vector_store %arg9[%swap3A, %swap3A_137], %swap3A_140 {strides = array<i32>} : memref<128x128xf32, #tpu.memory_space<vmem>>, vector<1x16xf32>,
      %scan3A_141 = arith.constant 0 : i32
      scf.yield %scan3A_141 : i32
    }
    %scan3A_14 = arith.constant 1024 : i32
    %mul3A_15 = arith.constant 640 : i32
    %mul3A_16 = arith.muli %arg1, %mul3A_15 : i32
    %add3A_17 = arith.constant 0 : i32
    %add3A_18 = arith.addi %mul3A_16, %add3A_17 : i32
    %dma_start3A = arith.constant 0 : i32
    %dma_start3A_19 = tpu.memref_slice %arg11[%add3A_18, %dma_start3A] : memref<10240x128xf32, #tpu.memory_space<vmem_shared>> -> memref<128x128xf32, #tpu.memory_space<vmem_shared>>
    %dma_start3A_20 = arith.constant 0 : i32
    %dma_start3A_21 = tpu.memref_slice %arg11[%add3A_18, %dma_start3A_20] : memref<10240x128xf32, #tpu.memory_space<vmem_shared>> -> memref<128x128xf32, #tpu.memory_space<vmem_shared>>
    tpu.enqueue_dma source(%arg9 : memref<128x128xf32, #tpu.memory_space<vmem>>) target(%dma_start3A_21 : memref<128x128xf32, #tpu.memory_space<vmem_shared>>) target_semaphore(%arg26 : memref<!tpu.dma_semaphore, #tpu.memory_space<semaphore_mem>>)
    %add3A_22 = arith.constant 128 : i32
    %add3A_23 = arith.addi %mul3A_16, %add3A_22 : i32
    %dma_start3A_24 = arith.constant 0 : i32
    %dma_start3A_25 = tpu.memref_slice %arg11[%add3A_23, %dma_start3A_24] : memref<10240x128xf32, #tpu.memory_space<vmem_shared>> -> memref<128x128xf32, #tpu.memory_space<vmem_shared>>
    %dma_start3A_26 = arith.constant 0 : i32
    %dma_start3A_27 = tpu.memref_slice %arg11[%add3A_23, %dma_start3A_26] : memref<10240x128xf32, #tpu.memory_space<vmem_shared>> -> memref<128x128xf32, #tpu.memory_space<vmem_shared>>
    tpu.enqueue_dma source(%arg9 : memref<128x128xf32, #tpu.memory_space<vmem>>) target(%dma_start3A_27 : memref<128x128xf32, #tpu.memory_space<vmem_shared>>) target_semaphore(%arg26 : memref<!tpu.dma_semaphore, #tpu.memory_space<semaphore_mem>>)
    %add3A_28 = arith.constant 256 : i32
    %add3A_29 = arith.addi %mul3A_16, %add3A_28 : i32
    %dma_start3A_30 = arith.constant 0 : i32
    %dma_start3A_31 = tpu.memref_slice %arg11[%add3A_29, %dma_start3A_30] : memref<10240x128xf32, #tpu.memory_space<vmem_shared>> -> memref<128x128xf32, #tpu.memory_space<vmem_shared>>
    %dma_start3A_32 = arith.constant 0 : i32
    %dma_start3A_33 = tpu.memref_slice %arg11[%add3A_29, %dma_start3A_32] : memref<10240x128xf32, #tpu.memory_space<vmem_shared>> -> memref<128x128xf32, #tpu.memory_space<vmem_shared>>
    tpu.enqueue_dma source(%arg9 : memref<128x128xf32, #tpu.memory_space<vmem>>) target(%dma_start3A_33 : memref<128x128xf32, #tpu.memory_space<vmem_shared>>) target_semaphore(%arg26 : memref<!tpu.dma_semaphore, #tpu.memory_space<semaphore_mem>>)
    %add3A_34 = arith.constant 384 : i32
    %add3A_35 = arith.addi %mul3A_16, %add3A_34 : i32
    %dma_start3A_36 = arith.constant 0 : i32
    %dma_start3A_37 = tpu.memref_slice %arg11[%add3A_35, %dma_start3A_36] : memref<10240x128xf32, #tpu.memory_space<vmem_shared>> -> memref<128x128xf32, #tpu.memory_space<vmem_shared>>
    %dma_start3A_38 = arith.constant 0 : i32
    %dma_start3A_39 = tpu.memref_slice %arg11[%add3A_35, %dma_start3A_38] : memref<10240x128xf32, #tpu.memory_space<vmem_shared>> -> memref<128x128xf32, #tpu.memory_space<vmem_shared>>
    tpu.enqueue_dma source(%arg9 : memref<128x128xf32, #tpu.memory_space<vmem>>) target(%dma_start3A_39 : memref<128x128xf32, #tpu.memory_space<vmem_shared>>) target_semaphore(%arg26 : memref<!tpu.dma_semaphore, #tpu.memory_space<semaphore_mem>>)
    %add3A_40 = arith.constant 512 : i32
    %add3A_41 = arith.addi %mul3A_16, %add3A_40 : i32
    %dma_start3A_42 = arith.constant 0 : i32
    %dma_start3A_43 = tpu.memref_slice %arg11[%add3A_41, %dma_start3A_42] : memref<10240x128xf32, #tpu.memory_space<vmem_shared>> -> memref<128x128xf32, #tpu.memory_space<vmem_shared>>
    %dma_start3A_44 = arith.constant 0 : i32
    %dma_start3A_45 = tpu.memref_slice %arg11[%add3A_41, %dma_start3A_44] : memref<10240x128xf32, #tpu.memory_space<vmem_shared>> -> memref<128x128xf32, #tpu.memory_space<vmem_shared>>
    tpu.enqueue_dma source(%arg9 : memref<128x128xf32, #tpu.memory_space<vmem>>) target(%dma_start3A_45 : memref<128x128xf32, #tpu.memory_space<vmem_shared>>) target_semaphore(%arg26 : memref<!tpu.dma_semaphore, #tpu.memory_space<semaphore_mem>>)
    %add3A_46 = arith.constant 0 : i32
    %add3A_47 = arith.addi %mul3A_16, %add3A_46 : i32
    %dma_wait3A = arith.constant 0 : i32
    %dma_wait3A_48 = tpu.memref_slice %arg11[%add3A_47, %dma_wait3A] : memref<10240x128xf32, #tpu.memory_space<vmem_shared>> -> memref<128x128xf32, #tpu.memory_space<vmem_shared>>
    %dma_wait3A_49 = arith.constant 0 : i32
    %dma_wait3A_50 = tpu.memref_slice %arg11[%add3A_47, %dma_wait3A_49] : memref<10240x128xf32, #tpu.memory_space<vmem_shared>> -> memref<128x128xf32, #tpu.memory_space<vmem_shared>>
    tpu.wait_dma2 semaphore(%arg26 : memref<!tpu.dma_semaphore, #tpu.memory_space<semaphore_mem>>) src(%arg9 : memref<128x128xf32, #tpu.memory_space<vmem>>) dst(%dma_wait3A_50 : memref<128x128xf32, #tpu.memory_space<vmem_shared>>)
    %add3A_51 = arith.constant 128 : i32
    %add3A_52 = arith.addi %mul3A_16, %add3A_51 : i32
    %dma_wait3A_53 = arith.constant 0 : i32
    %dma_wait3A_54 = tpu.memref_slice %arg11[%add3A_52, %dma_wait3A_53] : memref<10240x128xf32, #tpu.memory_space<vmem_shared>> -> memref<128x128xf32, #tpu.memory_space<vmem_shared>>
    %dma_wait3A_55 = arith.constant 0 : i32
    %dma_wait3A_56 = tpu.memref_slice %arg11[%add3A_52, %dma_wait3A_55] : memref<10240x128xf32, #tpu.memory_space<vmem_shared>> -> memref<128x128xf32, #tpu.memory_space<vmem_shared>>
    tpu.wait_dma2 semaphore(%arg26 : memref<!tpu.dma_semaphore, #tpu.memory_space<semaphore_mem>>) src(%arg9 : memref<128x128xf32, #tpu.memory_space<vmem>>) dst(%dma_wait3A_56 : memref<128x128xf32, #tpu.memory_space<vmem_shared>>)
    %add3A_57 = arith.constant 256 : i32
    %add3A_58 = arith.addi %mul3A_16, %add3A_57 : i32
    %dma_wait3A_59 = arith.constant 0 : i32
    %dma_wait3A_60 = tpu.memref_slice %arg11[%add3A_58, %dma_wait3A_59] : memref<10240x128xf32, #tpu.memory_space<vmem_shared>> -> memref<128x128xf32, #tpu.memory_space<vmem_shared>>
    %dma_wait3A_61 = arith.constant 0 : i32
    %dma_wait3A_62 = tpu.memref_slice %arg11[%add3A_58, %dma_wait3A_61] : memref<10240x128xf32, #tpu.memory_space<vmem_shared>> -> memref<128x128xf32, #tpu.memory_space<vmem_shared>>
    tpu.wait_dma2 semaphore(%arg26 : memref<!tpu.dma_semaphore, #tpu.memory_space<semaphore_mem>>) src(%arg9 : memref<128x128xf32, #tpu.memory_space<vmem>>) dst(%dma_wait3A_62 : memref<128x128xf32, #tpu.memory_space<vmem_shared>>)
    %add3A_63 = arith.constant 384 : i32
    %add3A_64 = arith.addi %mul3A_16, %add3A_63 : i32
    %dma_wait3A_65 = arith.constant 0 : i32
    %dma_wait3A_66 = tpu.memref_slice %arg11[%add3A_64, %dma_wait3A_65] : memref<10240x128xf32, #tpu.memory_space<vmem_shared>> -> memref<128x128xf32, #tpu.memory_space<vmem_shared>>
    %dma_wait3A_67 = arith.constant 0 : i32
    %dma_wait3A_68 = tpu.memref_slice %arg11[%add3A_64, %dma_wait3A_67] : memref<10240x128xf32, #tpu.memory_space<vmem_shared>> -> memref<128x128xf32, #tpu.memory_space<vmem_shared>>
    tpu.wait_dma2 semaphore(%arg26 : memref<!tpu.dma_semaphore, #tpu.memory_space<semaphore_mem>>) src(%arg9 : memref<128x128xf32, #tpu.memory_space<vmem>>) dst(%dma_wait3A_68 : memref<128x128xf32, #tpu.memory_space<vmem_shared>>)
    %add3A_69 = arith.constant 512 : i32
    %add3A_70 = arith.addi %mul3A_16, %add3A_69 : i32
    %dma_wait3A_71 = arith.constant 0 : i32
    %dma_wait3A_72 = tpu.memref_slice %arg11[%add3A_70, %dma_wait3A_71] : memref<10240x128xf32, #tpu.memory_space<vmem_shared>> -> memref<128x128xf32, #tpu.memory_space<vmem_shared>>
    %dma_wait3A_73 = arith.constant 0 : i32
    %dma_wait3A_74 = tpu.memref_slice %arg11[%add3A_70, %dma_wait3A_73] : memref<10240x128xf32, #tpu.memory_space<vmem_shared>> -> memref<128x128xf32, #tpu.memory_space<vmem_shared>>
    tpu.wait_dma2 semaphore(%arg26 : memref<!tpu.dma_semaphore, #tpu.memory_space<semaphore_mem>>) src(%arg9 : memref<128x128xf32, #tpu.memory_space<vmem>>) dst(%dma_wait3A_74 : memref<128x128xf32, #tpu.memory_space<vmem_shared>>)
    %barrier3A = arith.constant 0 : index
    tpu.barrier barrier_id(%barrier3A)
    %add3A_75 = arith.constant 0 : i32
    %add3A_76 = arith.addi %add3A_8, %add3A_75 : i32
    %mul3A_77 = arith.constant 128 : i32
    %mul3A_78 = arith.muli %add3A_76, %mul3A_77 : i32
    %run_scoped3A = arith.constant 0 : i32
    "tpu.region"() ({
      %run_scoped3A_129 = tpu.sem_alloc : memref<!tpu.dma_semaphore, #tpu.memory_space<semaphore_mem>>
      %dma_start3A_130 = arith.constant 0 : i32
      %dma_start3A_131 = tpu.memref_slice %arg7[%run_scoped3A, %dma_start3A_130] : memref<2x128xi32, #tpu.memory_space<vmem>> -> memref<1x128xi32, #tpu.memory_space<vmem>>
      %dma_start3A_132 = tpu.memref_squeeze %dma_start3A_131 : memref<1x128xi32, #tpu.memory_space<vmem>> -> memref<128xi32, #tpu.memory_space<vmem>>
      %dma_start3A_133 = tpu.memref_slice %arg3[%mul3A_78] : memref<320000xi32, #tpu.memory_space<hbm>> -> memref<128xi32, #tpu.memory_space<hbm>>
      %dma_start3A_134 = arith.constant 0 : i32
      %dma_start3A_135 = tpu.memref_slice %arg7[%run_scoped3A, %dma_start3A_134] : memref<2x128xi32, #tpu.memory_space<vmem>> -> memref<1x128xi32, #tpu.memory_space<vmem>>
      %dma_start3A_136 = tpu.memref_squeeze %dma_start3A_135 : memref<1x128xi32, #tpu.memory_space<vmem>> -> memref<128xi32, #tpu.memory_space<vmem>>
      %dma_start3A_137 = tpu.memref_slice %arg3[%mul3A_78] : memref<320000xi32, #tpu.memory_space<hbm>> -> memref<128xi32, #tpu.memory_space<hbm>>
      tpu.enqueue_dma source(%dma_start3A_137 : memref<128xi32, #tpu.memory_space<hbm>>) target(%dma_start3A_136 : memref<128xi32, #tpu.memory_space<vmem>>) target_semaphore(%run_scoped3A_129 : memref<!tpu.dma_semaphore, #tpu.memory_space<semaphore_mem>>)
      %dma_wait3A_138 = arith.constant 0 : i32
      %dma_wait3A_139 = tpu.memref_slice %arg7[%run_scoped3A, %dma_wait3A_138] : memref<2x128xi32, #tpu.memory_space<vmem>> -> memref<1x128xi32, #tpu.memory_space<vmem>>
      %dma_wait3A_140 = tpu.memref_squeeze %dma_wait3A_139 : memref<1x128xi32, #tpu.memory_space<vmem>> -> memref<128xi32, #tpu.memory_space<vmem>>
      %dma_wait3A_141 = tpu.memref_slice %arg3[%mul3A_78] : memref<320000xi32, #tpu.memory_space<hbm>> -> memref<128xi32, #tpu.memory_space<hbm>>
      %dma_wait3A_142 = arith.constant 0 : i32
      %dma_wait3A_143 = tpu.memref_slice %arg7[%run_scoped3A, %dma_wait3A_142] : memref<2x128xi32, #tpu.memory_space<vmem>> -> memref<1x128xi32, #tpu.memory_space<vmem>>
      %dma_wait3A_144 = tpu.memref_squeeze %dma_wait3A_143 : memref<1x128xi32, #tpu.memory_space<vmem>> -> memref<128xi32, #tpu.memory_space<vmem>>
      %dma_wait3A_145 = tpu.memref_slice %arg3[%mul3A_78] : memref<320000xi32, #tpu.memory_space<hbm>> -> memref<128xi32, #tpu.memory_space<hbm>>
      tpu.wait_dma2 semaphore(%run_scoped3A_129 : memref<!tpu.dma_semaphore, #tpu.memory_space<semaphore_mem>>) src(%dma_wait3A_145 : memref<128xi32, #tpu.memory_space<hbm>>) dst(%dma_wait3A_144 : memref<128xi32, #tpu.memory_space<vmem>>)
      tpu.yield
    }) : () -> ()
    %add3A_79 = arith.constant 0 : i32
    %add3A_80 = arith.addi %add3A_8, %add3A_79 : i32
    %mul3A_81 = arith.constant 128 : i32
    %mul3A_82 = arith.muli %add3A_80, %mul3A_81 : i32
    %run_scoped3A_83 = arith.constant 0 : i32
    "tpu.region"() ({
      %run_scoped3A_129 = tpu.sem_alloc : memref<!tpu.dma_semaphore, #tpu.memory_space<semaphore_mem>>
      %dma_start3A_130 = arith.constant 0 : i32
      %dma_start3A_131 = tpu.memref_slice %arg8[%run_scoped3A_83, %dma_start3A_130] : memref<2x128xi32, #tpu.memory_space<vmem>> -> memref<1x128xi32, #tpu.memory_space<vmem>>
      %dma_start3A_132 = tpu.memref_squeeze %dma_start3A_131 : memref<1x128xi32, #tpu.memory_space<vmem>> -> memref<128xi32, #tpu.memory_space<vmem>>
      %dma_start3A_133 = tpu.memref_slice %arg4[%mul3A_82] : memref<320000xi32, #tpu.memory_space<hbm>> -> memref<128xi32, #tpu.memory_space<hbm>>
      %dma_start3A_134 = arith.constant 0 : i32
      %dma_start3A_135 = tpu.memref_slice %arg8[%run_scoped3A_83, %dma_start3A_134] : memref<2x128xi32, #tpu.memory_space<vmem>> -> memref<1x128xi32, #tpu.memory_space<vmem>>
      %dma_start3A_136 = tpu.memref_squeeze %dma_start3A_135 : memref<1x128xi32, #tpu.memory_space<vmem>> -> memref<128xi32, #tpu.memory_space<vmem>>
      %dma_start3A_137 = tpu.memref_slice %arg4[%mul3A_82] : memref<320000xi32, #tpu.memory_space<hbm>> -> memref<128xi32, #tpu.memory_space<hbm>>
      tpu.enqueue_dma source(%dma_start3A_137 : memref<128xi32, #tpu.memory_space<hbm>>) target(%dma_start3A_136 : memref<128xi32, #tpu.memory_space<vmem>>) target_semaphore(%run_scoped3A_129 : memref<!tpu.dma_semaphore, #tpu.memory_space<semaphore_mem>>)
      %dma_wait3A_138 = arith.constant 0 : i32
      %dma_wait3A_139 = tpu.memref_slice %arg8[%run_scoped3A_83, %dma_wait3A_138] : memref<2x128xi32, #tpu.memory_space<vmem>> -> memref<1x128xi32, #tpu.memory_space<vmem>>
      %dma_wait3A_140 = tpu.memref_squeeze %dma_wait3A_139 : memref<1x128xi32, #tpu.memory_space<vmem>> -> memref<128xi32, #tpu.memory_space<vmem>>
      %dma_wait3A_141 = tpu.memref_slice %arg4[%mul3A_82] : memref<320000xi32, #tpu.memory_space<hbm>> -> memref<128xi32, #tpu.memory_space<hbm>>
      %dma_wait3A_142 = arith.constant 0 : i32
      %dma_wait3A_143 = tpu.memref_slice %arg8[%run_scoped3A_83, %dma_wait3A_142] : memref<2x128xi32, #tpu.memory_space<vmem>> -> memref<1x128xi32, #tpu.memory_space<vmem>>
      %dma_wait3A_144 = tpu.memref_squeeze %dma_wait3A_143 : memref<1x128xi32, #tpu.memory_space<vmem>> -> memref<128xi32, #tpu.memory_space<vmem>>
      %dma_wait3A_145 = tpu.memref_slice %arg4[%mul3A_82] : memref<320000xi32, #tpu.memory_space<hbm>> -> memref<128xi32, #tpu.memory_space<hbm>>
      tpu.wait_dma2 semaphore(%run_scoped3A_129 : memref<!tpu.dma_semaphore, #tpu.memory_space<semaphore_mem>>) src(%dma_wait3A_145 : memref<128xi32, #tpu.memory_space<hbm>>) dst(%dma_wait3A_144 : memref<128xi32, #tpu.memory_space<vmem>>)
      tpu.yield
    }) : () -> ()
    %dma_start3A_84 = arith.constant 0 : i32
    %dma_start3A_85 = arith.constant 0 : i32
    %dma_start3A_86 = arith.constant 0 : i32
    %dma_start3A_87 = tpu.memref_slice %arg9[%dma_start3A_85, %dma_start3A_86] : memref<128x128xf32, #tpu.memory_space<vmem>> -> memref<64x128xf32, #tpu.memory_space<vmem>>
    %dma_start3A_88 = arith.constant 0 : i32
    %dma_start3A_89 = tpu.memref_slice %arg7[%dma_start3A_84, %dma_start3A_88] : memref<2x128xi32, #tpu.memory_space<vmem>> -> memref<1x64xi32, #tpu.memory_space<vmem>>
    %dma_start3A_90 = tpu.memref_squeeze %dma_start3A_89 : memref<1x64xi32, #tpu.memory_space<vmem>> -> memref<64xi32, #tpu.memory_space<vmem>>
    %dma_start3A_91 = arith.constant 0 : i32
    %dma_start3A_92 = arith.constant 0 : i32
    %dma_start3A_93 = tpu.memref_slice %arg2[%dma_start3A_91, %dma_start3A_92] : memref<10000x128xf32, #tpu.memory_space<hbm>> -> memref<10000x128xf32, #tpu.memory_space<hbm>>
    tpu.enqueue_indirect_dma source(%dma_start3A_93 : memref<10000x128xf32, #tpu.memory_space<hbm>>) target(%dma_start3A_87 : memref<64x128xf32, #tpu.memory_space<vmem>>) offsets(%dma_start3A_90 : memref<64xi32, #tpu.memory_space<vmem>>) semaphore(%arg18 : memref<!tpu.dma_semaphore, #tpu.memory_space<semaphore_mem>>)
    %dma_start3A_94 = arith.constant 0 : i32
    %dma_start3A_95 = arith.constant 64 : i32
    %dma_start3A_96 = arith.constant 0 : i32
    %dma_start3A_97 = tpu.memref_slice %arg9[%dma_start3A_95, %dma_start3A_96] : memref<128x128xf32, #tpu.memory_space<vmem>> -> memref<64x128xf32, #tpu.memory_space<vmem>>
    %dma_start3A_98 = arith.constant 64 : i32
    %dma_start3A_99 = tpu.memref_slice %arg7[%dma_start3A_94, %dma_start3A_98] : memref<2x128xi32, #tpu.memory_space<vmem>> -> memref<1x64xi32, #tpu.memory_space<vmem>>
    %dma_start3A_100 = tpu.memref_squeeze %dma_start3A_99 : memref<1x64xi32, #tpu.memory_space<vmem>> -> memref<64xi32, #tpu.memory_space<vmem>>
    %dma_start3A_101 = arith.constant 0 : i32
    %dma_start3A_102 = arith.constant 0 : i32
    %dma_start3A_103 = tpu.memref_slice %arg2[%dma_start3A_101, %dma_start3A_102] : memref<10000x128xf32, #tpu.memory_space<hbm>> -> memref<10000x128xf32, #tpu.memory_space<hbm>>
    tpu.enqueue_indirect_dma source(%dma_start3A_103 : memref<10000x128xf32, #tpu.memory_space<hbm>>) target(%dma_start3A_97 : memref<64x128xf32, #tpu.memory_space<vmem>>) offsets(%dma_start3A_100 : memref<64xi32, #tpu.memory_space<vmem>>) semaphore(%arg19 : memref<!tpu.dma_semaphore, #tpu.memory_space<semaphore_mem>>)
    %while3A = arith.constant 0 : i32
    %while3A_104 = arith.constant 0 : i32
    %while3A_105 = arith.subi %add3A_4, %while3A : i32
    %while3A_106 = arith.addi %while3A, %while3A_105 : i32
    %while3A_107 = arith.constant 1 : i32
    %while3A_108 = arith.divsi %while3A_105, %while3A_107 : i32
    %while3A_109 = arith.muli %while3A_108, %while3A_107 : i32
    %while3A_110 = arith.addi %while3A, %while3A_109 : i32
    %while3A_111 = arith.constant 1 : i32
    %while3A_112 = scf.for %while3A_129 = %while3A to %while3A_110 step %while3A_111 iter_args(%while3A_130 = %while3A_104) -> (i32)  : i32 {
      %rem3A_131 = arith.constant 2 : i32
      %rem3A_132 = arith.remsi %while3A_129, %rem3A_131 : i32
      %eq3A_133 = arith.constant 0 : i32
      %eq3A_134 = arith.cmpi eq, %rem3A_132, %eq3A_133 : i32
      %convert_element_type3A_135 = arith.extui %eq3A_134 : i1 to i32
      %cond3A_136 = arith.constant 0 : i32
      %cond3A_137 = arith.cmpi ne, %convert_element_type3A_135, %cond3A_136 : i32
      scf.if %cond3A_137 {
        %ge3A = arith.constant 1 : i32
        %ge3A_144 = arith.cmpi sge, %while3A_129, %ge3A : i32
        %convert_element_type3A_145 = arith.extui %ge3A_144 : i1 to i32
        %cond3A_146 = arith.constant 0 : i32
        %cond3A_147 = arith.cmpi ne, %convert_element_type3A_145, %cond3A_146 : i32
        scf.if %cond3A_147 {
          %dma_wait3A_187 = arith.constant 1 : i32
          %dma_wait3A_188 = arith.constant 0 : i32
          %dma_wait3A_189 = tpu.memref_slice %arg8[%dma_wait3A_187, %dma_wait3A_188] : memref<2x128xi32, #tpu.memory_space<vmem>> -> memref<1x128xi32, #tpu.memory_space<vmem>>
          %dma_wait3A_190 = tpu.memref_squeeze %dma_wait3A_189 : memref<1x128xi32, #tpu.memory_space<vmem>> -> memref<128xi32, #tpu.memory_space<vmem>>
          %dma_wait3A_191 = arith.constant 0 : i32
          %dma_wait3A_192 = arith.constant 0 : i32
          %dma_wait3A_193 = tpu.memref_slice %arg11[%dma_wait3A_191, %dma_wait3A_192] : memref<10240x128xf32, #tpu.memory_space<vmem_shared>> -> memref<10240x128xf32, #tpu.memory_space<vmem_shared>>
          tpu.wait_indirect_dma semaphore(%arg23 : memref<!tpu.dma_semaphore, #tpu.memory_space<semaphore_mem>>) src(%arg10 : memref<128x128xf32, #tpu.memory_space<vmem>>) dst(%dma_wait3A_193 : memref<10240x128xf32, #tpu.memory_space<vmem_shared>>)
        } else {
        }
        %add3A_148 = arith.constant 1 : i32
        %add3A_149 = arith.addi %while3A_129, %add3A_148 : i32
        %lt3A_150 = arith.cmpi slt, %add3A_149, %add3A_4 : i32
        %convert_element_type3A_151 = arith.extui %lt3A_150 : i1 to i32
        %cond3A_152 = arith.constant 0 : i32
        %cond3A_153 = arith.cmpi ne, %convert_element_type3A_151, %cond3A_152 : i32
        scf.if %cond3A_153 {
          %add3A_187 = arith.constant 1 : i32
          %add3A_188 = arith.addi %while3A_129, %add3A_187 : i32
          %add3A_189 = arith.addi %add3A_8, %add3A_188 : i32
          %mul3A_190 = arith.constant 128 : i32
          %mul3A_191 = arith.muli %add3A_189, %mul3A_190 : i32
          %dma_start3A_192 = arith.constant 1 : i32
          %dma_start3A_193 = arith.constant 0 : i32
          %dma_start3A_194 = tpu.memref_slice %arg7[%dma_start3A_192, %dma_start3A_193] : memref<2x128xi32, #tpu.memory_space<vmem>> -> memref<1x128xi32, #tpu.memory_space<vmem>>
          %dma_start3A_195 = tpu.memref_squeeze %dma_start3A_194 : memref<1x128xi32, #tpu.memory_space<vmem>> -> memref<128xi32, #tpu.memory_space<vmem>>
          %dma_start3A_196 = tpu.memref_slice %arg3[%mul3A_191] : memref<320000xi32, #tpu.memory_space<hbm>> -> memref<128xi32, #tpu.memory_space<hbm>>
          %dma_start3A_197 = arith.constant 0 : i32
          %dma_start3A_198 = tpu.memref_slice %arg7[%dma_start3A_192, %dma_start3A_197] : memref<2x128xi32, #tpu.memory_space<vmem>> -> memref<1x128xi32, #tpu.memory_space<vmem>>
          %dma_start3A_199 = tpu.memref_squeeze %dma_start3A_198 : memref<1x128xi32, #tpu.memory_space<vmem>> -> memref<128xi32, #tpu.memory_space<vmem>>
          %dma_start3A_200 = tpu.memref_slice %arg3[%mul3A_191] : memref<320000xi32, #tpu.memory_space<hbm>> -> memref<128xi32, #tpu.memory_space<hbm>>
          tpu.enqueue_dma source(%dma_start3A_200 : memref<128xi32, #tpu.memory_space<hbm>>) target(%dma_start3A_199 : memref<128xi32, #tpu.memory_space<vmem>>) target_semaphore(%arg15 : memref<!tpu.dma_semaphore, #tpu.memory_space<semaphore_mem>>)
          %add3A_201 = arith.addi %add3A_8, %add3A_188 : i32
          %mul3A_202 = arith.constant 128 : i32
          %mul3A_203 = arith.muli %add3A_201, %mul3A_202 : i32
          %dma_start3A_204 = arith.constant 1 : i32
          %dma_start3A_205 = arith.constant 0 : i32
          %dma_start3A_206 = tpu.memref_slice %arg8[%dma_start3A_204, %dma_start3A_205] : memref<2x128xi32, #tpu.memory_space<vmem>> -> memref<1x128xi32, #tpu.memory_space<vmem>>
          %dma_start3A_207 = tpu.memref_squeeze %dma_start3A_206 : memref<1x128xi32, #tpu.memory_space<vmem>> -> memref<128xi32, #tpu.memory_space<vmem>>
          %dma_start3A_208 = tpu.memref_slice %arg4[%mul3A_203] : memref<320000xi32, #tpu.memory_space<hbm>> -> memref<128xi32, #tpu.memory_space<hbm>>
          %dma_start3A_209 = arith.constant 0 : i32
          %dma_start3A_210 = tpu.memref_slice %arg8[%dma_start3A_204, %dma_start3A_209] : memref<2x128xi32, #tpu.memory_space<vmem>> -> memref<1x128xi32, #tpu.memory_space<vmem>>
          %dma_start3A_211 = tpu.memref_squeeze %dma_start3A_210 : memref<1x128xi32, #tpu.memory_space<vmem>> -> memref<128xi32, #tpu.memory_space<vmem>>
          %dma_start3A_212 = tpu.memref_slice %arg4[%mul3A_203] : memref<320000xi32, #tpu.memory_space<hbm>> -> memref<128xi32, #tpu.memory_space<hbm>>
          tpu.enqueue_dma source(%dma_start3A_212 : memref<128xi32, #tpu.memory_space<hbm>>) target(%dma_start3A_211 : memref<128xi32, #tpu.memory_space<vmem>>) target_semaphore(%arg17 : memref<!tpu.dma_semaphore, #tpu.memory_space<semaphore_mem>>)
        } else {
        }
        %dma_wait3A_154 = arith.constant 0 : i32
        %dma_wait3A_155 = arith.constant 0 : i32
        %dma_wait3A_156 = arith.constant 0 : i32
        %dma_wait3A_157 = tpu.memref_slice %arg9[%dma_wait3A_155, %dma_wait3A_156] : memref<128x128xf32, #tpu.memory_space<vmem>> -> memref<64x128xf32, #tpu.memory_space<vmem>>
        %dma_wait3A_158 = arith.constant 0 : i32
        %dma_wait3A_159 = tpu.memref_slice %arg7[%dma_wait3A_154, %dma_wait3A_158] : memref<2x128xi32, #tpu.memory_space<vmem>> -> memref<1x64xi32, #tpu.memory_space<vmem>>
        %dma_wait3A_160 = tpu.memref_squeeze %dma_wait3A_159 : memref<1x64xi32, #tpu.memory_space<vmem>> -> memref<64xi32, #tpu.memory_space<vmem>>
        %dma_wait3A_161 = arith.constant 0 : i32
        %dma_wait3A_162 = arith.constant 0 : i32
        %dma_wait3A_163 = tpu.memref_slice %arg2[%dma_wait3A_161, %dma_wait3A_162] : memref<10000x128xf32, #tpu.memory_space<hbm>> -> memref<10000x128xf32, #tpu.memory_space<hbm>>
        tpu.wait_indirect_dma semaphore(%arg18 : memref<!tpu.dma_semaphore, #tpu.memory_space<semaphore_mem>>) src(%dma_wait3A_163 : memref<10000x128xf32, #tpu.memory_space<hbm>>) dst(%dma_wait3A_157 : memref<64x128xf32, #tpu.memory_space<vmem>>)
        %dma_wait3A_164 = arith.constant 0 : i32
        %dma_wait3A_165 = arith.constant 64 : i32
        %dma_wait3A_166 = arith.constant 0 : i32
        %dma_wait3A_167 = tpu.memref_slice %arg9[%dma_wait3A_165, %dma_wait3A_166] : memref<128x128xf32, #tpu.memory_space<vmem>> -> memref<64x128xf32, #tpu.memory_space<vmem>>
        %dma_wait3A_168 = arith.constant 64 : i32
        %dma_wait3A_169 = tpu.memref_slice %arg7[%dma_wait3A_164, %dma_wait3A_168] : memref<2x128xi32, #tpu.memory_space<vmem>> -> memref<1x64xi32, #tpu.memory_space<vmem>>
        %dma_wait3A_170 = tpu.memref_squeeze %dma_wait3A_169 : memref<1x64xi32, #tpu.memory_space<vmem>> -> memref<64xi32, #tpu.memory_space<vmem>>
        %dma_wait3A_171 = arith.constant 0 : i32
        %dma_wait3A_172 = arith.constant 0 : i32
        %dma_wait3A_173 = tpu.memref_slice %arg2[%dma_wait3A_171, %dma_wait3A_172] : memref<10000x128xf32, #tpu.memory_space<hbm>> -> memref<10000x128xf32, #tpu.memory_space<hbm>>
        tpu.wait_indirect_dma semaphore(%arg19 : memref<!tpu.dma_semaphore, #tpu.memory_space<semaphore_mem>>) src(%dma_wait3A_173 : memref<10000x128xf32, #tpu.memory_space<hbm>>) dst(%dma_wait3A_167 : memref<64x128xf32, #tpu.memory_space<vmem>>)
        %add3A_174 = arith.constant 1 : i32
        %add3A_175 = arith.addi %while3A_129, %add3A_174 : i32
        %lt3A_176 = arith.cmpi slt, %add3A_175, %add3A_4 : i32
        %convert_element_type3A_177 = arith.extui %lt3A_176 : i1 to i32
        %cond3A_178 = arith.constant 0 : i32
        %cond3A_179 = arith.cmpi ne, %convert_element_type3A_177, %cond3A_178 : i32
        scf.if %cond3A_179 {
          %add3A_187 = arith.constant 1 : i32
          %add3A_188 = arith.addi %while3A_129, %add3A_187 : i32
          %add3A_189 = arith.addi %add3A_8, %add3A_188 : i32
          %mul3A_190 = arith.constant 128 : i32
          %mul3A_191 = arith.muli %add3A_189, %mul3A_190 : i32
          %dma_wait3A_192 = arith.constant 1 : i32
          %dma_wait3A_193 = arith.constant 0 : i32
          %dma_wait3A_194 = tpu.memref_slice %arg7[%dma_wait3A_192, %dma_wait3A_193] : memref<2x128xi32, #tpu.memory_space<vmem>> -> memref<1x128xi32, #tpu.memory_space<vmem>>
          %dma_wait3A_195 = tpu.memref_squeeze %dma_wait3A_194 : memref<1x128xi32, #tpu.memory_space<vmem>> -> memref<128xi32, #tpu.memory_space<vmem>>
          %dma_wait3A_196 = tpu.memref_slice %arg3[%mul3A_191] : memref<320000xi32, #tpu.memory_space<hbm>> -> memref<128xi32, #tpu.memory_space<hbm>>
          %dma_wait3A_197 = arith.constant 0 : i32
          %dma_wait3A_198 = tpu.memref_slice %arg7[%dma_wait3A_192, %dma_wait3A_197] : memref<2x128xi32, #tpu.memory_space<vmem>> -> memref<1x128xi32, #tpu.memory_space<vmem>>
          %dma_wait3A_199 = tpu.memref_squeeze %dma_wait3A_198 : memref<1x128xi32, #tpu.memory_space<vmem>> -> memref<128xi32, #tpu.memory_space<vmem>>
          %dma_wait3A_200 = tpu.memref_slice %arg3[%mul3A_191] : memref<320000xi32, #tpu.memory_space<hbm>> -> memref<128xi32, #tpu.memory_space<hbm>>
          tpu.wait_dma2 semaphore(%arg15 : memref<!tpu.dma_semaphore, #tpu.memory_space<semaphore_mem>>) src(%dma_wait3A_200 : memref<128xi32, #tpu.memory_space<hbm>>) dst(%dma_wait3A_199 : memref<128xi32, #tpu.memory_space<vmem>>)
          %add3A_201 = arith.addi %add3A_8, %add3A_188 : i32
          %mul3A_202 = arith.constant 128 : i32
          %mul3A_203 = arith.muli %add3A_201, %mul3A_202 : i32
          %dma_wait3A_204 = arith.constant 1 : i32
          %dma_wait3A_205 = arith.constant 0 : i32
          %dma_wait3A_206 = tpu.memref_slice %arg8[%dma_wait3A_204, %dma_wait3A_205] : memref<2x128xi32, #tpu.memory_space<vmem>> -> memref<1x128xi32, #tpu.memory_space<vmem>>
          %dma_wait3A_207 = tpu.memref_squeeze %dma_wait3A_206 : memref<1x128xi32, #tpu.memory_space<vmem>> -> memref<128xi32, #tpu.memory_space<vmem>>
          %dma_wait3A_208 = tpu.memref_slice %arg4[%mul3A_203] : memref<320000xi32, #tpu.memory_space<hbm>> -> memref<128xi32, #tpu.memory_space<hbm>>
          %dma_wait3A_209 = arith.constant 0 : i32
          %dma_wait3A_210 = tpu.memref_slice %arg8[%dma_wait3A_204, %dma_wait3A_209] : memref<2x128xi32, #tpu.memory_space<vmem>> -> memref<1x128xi32, #tpu.memory_space<vmem>>
          %dma_wait3A_211 = tpu.memref_squeeze %dma_wait3A_210 : memref<1x128xi32, #tpu.memory_space<vmem>> -> memref<128xi32, #tpu.memory_space<vmem>>
          %dma_wait3A_212 = tpu.memref_slice %arg4[%mul3A_203] : memref<320000xi32, #tpu.memory_space<hbm>> -> memref<128xi32, #tpu.memory_space<hbm>>
          tpu.wait_dma2 semaphore(%arg17 : memref<!tpu.dma_semaphore, #tpu.memory_space<semaphore_mem>>) src(%dma_wait3A_212 : memref<128xi32, #tpu.memory_space<hbm>>) dst(%dma_wait3A_211 : memref<128xi32, #tpu.memory_space<vmem>>)
          %dma_start3A_213 = arith.constant 1 : i32
          %dma_start3A_214 = arith.constant 0 : i32
          %dma_start3A_215 = arith.constant 0 : i32
          %dma_start3A_216 = tpu.memref_slice %arg10[%dma_start3A_214, %dma_start3A_215] : memref<128x128xf32, #tpu.memory_space<vmem>> -> memref<64x128xf32, #tpu.memory_space<vmem>>
          %dma_start3A_217 = arith.constant 0 : i32
          %dma_start3A_218 = tpu.memref_slice %arg7[%dma_start3A_213, %dma_start3A_217] : memref<2x128xi32, #tpu.memory_space<vmem>> -> memref<1x64xi32, #tpu.memory_space<vmem>>
          %dma_start3A_219 = tpu.memref_squeeze %dma_start3A_218 : memref<1x64xi32, #tpu.memory_space<vmem>> -> memref<64xi32, #tpu.memory_space<vmem>>
          %dma_start3A_220 = arith.constant 0 : i32
          %dma_start3A_221 = arith.constant 0 : i32
          %dma_start3A_222 = tpu.memref_slice %arg2[%dma_start3A_220, %dma_start3A_221] : memref<10000x128xf32, #tpu.memory_space<hbm>> -> memref<10000x128xf32, #tpu.memory_space<hbm>>
          tpu.enqueue_indirect_dma source(%dma_start3A_222 : memref<10000x128xf32, #tpu.memory_space<hbm>>) target(%dma_start3A_216 : memref<64x128xf32, #tpu.memory_space<vmem>>) offsets(%dma_start3A_219 : memref<64xi32, #tpu.memory_space<vmem>>) semaphore(%arg20 : memref<!tpu.dma_semaphore, #tpu.memory_space<semaphore_mem>>)
          %dma_start3A_223 = arith.constant 1 : i32
          %dma_start3A_224 = arith.constant 64 : i32
          %dma_start3A_225 = arith.constant 0 : i32
          %dma_start3A_226 = tpu.memref_slice %arg10[%dma_start3A_224, %dma_start3A_225] : memref<128x128xf32, #tpu.memory_space<vmem>> -> memref<64x128xf32, #tpu.memory_space<vmem>>
          %dma_start3A_227 = arith.constant 64 : i32
          %dma_start3A_228 = tpu.memref_slice %arg7[%dma_start3A_223, %dma_start3A_227] : memref<2x128xi32, #tpu.memory_space<vmem>> -> memref<1x64xi32, #tpu.memory_space<vmem>>
          %dma_start3A_229 = tpu.memref_squeeze %dma_start3A_228 : memref<1x64xi32, #tpu.memory_space<vmem>> -> memref<64xi32, #tpu.memory_space<vmem>>
          %dma_start3A_230 = arith.constant 0 : i32
          %dma_start3A_231 = arith.constant 0 : i32
          %dma_start3A_232 = tpu.memref_slice %arg2[%dma_start3A_230, %dma_start3A_231] : memref<10000x128xf32, #tpu.memory_space<hbm>> -> memref<10000x128xf32, #tpu.memory_space<hbm>>
          tpu.enqueue_indirect_dma source(%dma_start3A_232 : memref<10000x128xf32, #tpu.memory_space<hbm>>) target(%dma_start3A_226 : memref<64x128xf32, #tpu.memory_space<vmem>>) offsets(%dma_start3A_229 : memref<64xi32, #tpu.memory_space<vmem>>) semaphore(%arg21 : memref<!tpu.dma_semaphore, #tpu.memory_space<semaphore_mem>>)
        } else {
        }
        %dma_start3A_180 = arith.constant 0 : i32
        %dma_start3A_181 = arith.constant 0 : i32
        %dma_start3A_182 = tpu.memref_slice %arg8[%dma_start3A_180, %dma_start3A_181] : memref<2x128xi32, #tpu.memory_space<vmem>> -> memref<1x128xi32, #tpu.memory_space<vmem>>
        %dma_start3A_183 = tpu.memref_squeeze %dma_start3A_182 : memref<1x128xi32, #tpu.memory_space<vmem>> -> memref<128xi32, #tpu.memory_space<vmem>>
        %dma_start3A_184 = arith.constant 0 : i32
        %dma_start3A_185 = arith.constant 0 : i32
        %dma_start3A_186 = tpu.memref_slice %arg11[%dma_start3A_184, %dma_start3A_185] : memref<10240x128xf32, #tpu.memory_space<vmem_shared>> -> memref<10240x128xf32, #tpu.memory_space<vmem_shared>>
        tpu.enqueue_indirect_dma source(%arg9 : memref<128x128xf32, #tpu.memory_space<vmem>>) target(%dma_start3A_186 : memref<10240x128xf32, #tpu.memory_space<vmem_shared>>) offsets(%dma_start3A_183 : memref<128xi32, #tpu.memory_space<vmem>>) semaphore(%arg22 : memref<!tpu.dma_semaphore, #tpu.memory_space<semaphore_mem>>) {add = true}
      } else {
      }
      %eq3A_138 = arith.constant 1 : i32
      %eq3A_139 = arith.cmpi eq, %rem3A_132, %eq3A_138 : i32
      %convert_element_type3A_140 = arith.extui %eq3A_139 : i1 to i32
      %cond3A_141 = arith.constant 0 : i32
      %cond3A_142 = arith.cmpi ne, %convert_element_type3A_140, %cond3A_141 : i32
      scf.if %cond3A_142 {
        %ge3A = arith.constant 1 : i32
        %ge3A_144 = arith.cmpi sge, %while3A_129, %ge3A : i32
        %convert_element_type3A_145 = arith.extui %ge3A_144 : i1 to i32
        %cond3A_146 = arith.constant 0 : i32
        %cond3A_147 = arith.cmpi ne, %convert_element_type3A_145, %cond3A_146 : i32
        scf.if %cond3A_147 {
          %dma_wait3A_187 = arith.constant 0 : i32
          %dma_wait3A_188 = arith.constant 0 : i32
          %dma_wait3A_189 = tpu.memref_slice %arg8[%dma_wait3A_187, %dma_wait3A_188] : memref<2x128xi32, #tpu.memory_space<vmem>> -> memref<1x128xi32, #tpu.memory_space<vmem>>
          %dma_wait3A_190 = tpu.memref_squeeze %dma_wait3A_189 : memref<1x128xi32, #tpu.memory_space<vmem>> -> memref<128xi32, #tpu.memory_space<vmem>>
          %dma_wait3A_191 = arith.constant 0 : i32
          %dma_wait3A_192 = arith.constant 0 : i32
          %dma_wait3A_193 = tpu.memref_slice %arg11[%dma_wait3A_191, %dma_wait3A_192] : memref<10240x128xf32, #tpu.memory_space<vmem_shared>> -> memref<10240x128xf32, #tpu.memory_space<vmem_shared>>
          tpu.wait_indirect_dma semaphore(%arg22 : memref<!tpu.dma_semaphore, #tpu.memory_space<semaphore_mem>>) src(%arg9 : memref<128x128xf32, #tpu.memory_space<vmem>>) dst(%dma_wait3A_193 : memref<10240x128xf32, #tpu.memory_space<vmem_shared>>)
        } else {
        }
        %add3A_148 = arith.constant 1 : i32
        %add3A_149 = arith.addi %while3A_129, %add3A_148 : i32
        %lt3A_150 = arith.cmpi slt, %add3A_149, %add3A_4 : i32
        %convert_element_type3A_151 = arith.extui %lt3A_150 : i1 to i32
        %cond3A_152 = arith.constant 0 : i32
        %cond3A_153 = arith.cmpi ne, %convert_element_type3A_151, %cond3A_152 : i32
        scf.if %cond3A_153 {
          %add3A_187 = arith.constant 1 : i32
          %add3A_188 = arith.addi %while3A_129, %add3A_187 : i32
          %add3A_189 = arith.addi %add3A_8, %add3A_188 : i32
          %mul3A_190 = arith.constant 128 : i32
          %mul3A_191 = arith.muli %add3A_189, %mul3A_190 : i32
          %dma_start3A_192 = arith.constant 0 : i32
          %dma_start3A_193 = arith.constant 0 : i32
          %dma_start3A_194 = tpu.memref_slice %arg7[%dma_start3A_192, %dma_start3A_193] : memref<2x128xi32, #tpu.memory_space<vmem>> -> memref<1x128xi32, #tpu.memory_space<vmem>>
          %dma_start3A_195 = tpu.memref_squeeze %dma_start3A_194 : memref<1x128xi32, #tpu.memory_space<vmem>> -> memref<128xi32, #tpu.memory_space<vmem>>
          %dma_start3A_196 = tpu.memref_slice %arg3[%mul3A_191] : memref<320000xi32, #tpu.memory_space<hbm>> -> memref<128xi32, #tpu.memory_space<hbm>>
          %dma_start3A_197 = arith.constant 0 : i32
          %dma_start3A_198 = tpu.memref_slice %arg7[%dma_start3A_192, %dma_start3A_197] : memref<2x128xi32, #tpu.memory_space<vmem>> -> memref<1x128xi32, #tpu.memory_space<vmem>>
          %dma_start3A_199 = tpu.memref_squeeze %dma_start3A_198 : memref<1x128xi32, #tpu.memory_space<vmem>> -> memref<128xi32, #tpu.memory_space<vmem>>
          %dma_start3A_200 = tpu.memref_slice %arg3[%mul3A_191] : memref<320000xi32, #tpu.memory_space<hbm>> -> memref<128xi32, #tpu.memory_space<hbm>>
          tpu.enqueue_dma source(%dma_start3A_200 : memref<128xi32, #tpu.memory_space<hbm>>) target(%dma_start3A_199 : memref<128xi32, #tpu.memory_space<vmem>>) target_semaphore(%arg14 : memref<!tpu.dma_semaphore, #tpu.memory_space<semaphore_mem>>)
          %add3A_201 = arith.addi %add3A_8, %add3A_188 : i32
          %mul3A_202 = arith.constant 128 : i32
          %mul3A_203 = arith.muli %add3A_201, %mul3A_202 : i32
          %dma_start3A_204 = arith.constant 0 : i32
          %dma_start3A_205 = arith.constant 0 : i32
          %dma_start3A_206 = tpu.memref_slice %arg8[%dma_start3A_204, %dma_start3A_205] : memref<2x128xi32, #tpu.memory_space<vmem>> -> memref<1x128xi32, #tpu.memory_space<vmem>>
          %dma_start3A_207 = tpu.memref_squeeze %dma_start3A_206 : memref<1x128xi32, #tpu.memory_space<vmem>> -> memref<128xi32, #tpu.memory_space<vmem>>
          %dma_start3A_208 = tpu.memref_slice %arg4[%mul3A_203] : memref<320000xi32, #tpu.memory_space<hbm>> -> memref<128xi32, #tpu.memory_space<hbm>>
          %dma_start3A_209 = arith.constant 0 : i32
          %dma_start3A_210 = tpu.memref_slice %arg8[%dma_start3A_204, %dma_start3A_209] : memref<2x128xi32, #tpu.memory_space<vmem>> -> memref<1x128xi32, #tpu.memory_space<vmem>>
          %dma_start3A_211 = tpu.memref_squeeze %dma_start3A_210 : memref<1x128xi32, #tpu.memory_space<vmem>> -> memref<128xi32, #tpu.memory_space<vmem>>
          %dma_start3A_212 = tpu.memref_slice %arg4[%mul3A_203] : memref<320000xi32, #tpu.memory_space<hbm>> -> memref<128xi32, #tpu.memory_space<hbm>>
          tpu.enqueue_dma source(%dma_start3A_212 : memref<128xi32, #tpu.memory_space<hbm>>) target(%dma_start3A_211 : memref<128xi32, #tpu.memory_space<vmem>>) target_semaphore(%arg16 : memref<!tpu.dma_semaphore, #tpu.memory_space<semaphore_mem>>)
        } else {
        }
        %dma_wait3A_154 = arith.constant 1 : i32
        %dma_wait3A_155 = arith.constant 0 : i32
        %dma_wait3A_156 = arith.constant 0 : i32
        %dma_wait3A_157 = tpu.memref_slice %arg10[%dma_wait3A_155, %dma_wait3A_156] : memref<128x128xf32, #tpu.memory_space<vmem>> -> memref<64x128xf32, #tpu.memory_space<vmem>>
        %dma_wait3A_158 = arith.constant 0 : i32
        %dma_wait3A_159 = tpu.memref_slice %arg7[%dma_wait3A_154, %dma_wait3A_158] : memref<2x128xi32, #tpu.memory_space<vmem>> -> memref<1x64xi32, #tpu.memory_space<vmem>>
        %dma_wait3A_160 = tpu.memref_squeeze %dma_wait3A_159 : memref<1x64xi32, #tpu.memory_space<vmem>> -> memref<64xi32, #tpu.memory_space<vmem>>
        %dma_wait3A_161 = arith.constant 0 : i32
        %dma_wait3A_162 = arith.constant 0 : i32
        %dma_wait3A_163 = tpu.memref_slice %arg2[%dma_wait3A_161, %dma_wait3A_162] : memref<10000x128xf32, #tpu.memory_space<hbm>> -> memref<10000x128xf32, #tpu.memory_space<hbm>>
        tpu.wait_indirect_dma semaphore(%arg20 : memref<!tpu.dma_semaphore, #tpu.memory_space<semaphore_mem>>) src(%dma_wait3A_163 : memref<10000x128xf32, #tpu.memory_space<hbm>>) dst(%dma_wait3A_157 : memref<64x128xf32, #tpu.memory_space<vmem>>)
        %dma_wait3A_164 = arith.constant 1 : i32
        %dma_wait3A_165 = arith.constant 64 : i32
        %dma_wait3A_166 = arith.constant 0 : i32
        %dma_wait3A_167 = tpu.memref_slice %arg10[%dma_wait3A_165, %dma_wait3A_166] : memref<128x128xf32, #tpu.memory_space<vmem>> -> memref<64x128xf32, #tpu.memory_space<vmem>>
        %dma_wait3A_168 = arith.constant 64 : i32
        %dma_wait3A_169 = tpu.memref_slice %arg7[%dma_wait3A_164, %dma_wait3A_168] : memref<2x128xi32, #tpu.memory_space<vmem>> -> memref<1x64xi32, #tpu.memory_space<vmem>>
        %dma_wait3A_170 = tpu.memref_squeeze %dma_wait3A_169 : memref<1x64xi32, #tpu.memory_space<vmem>> -> memref<64xi32, #tpu.memory_space<vmem>>
        %dma_wait3A_171 = arith.constant 0 : i32
        %dma_wait3A_172 = arith.constant 0 : i32
        %dma_wait3A_173 = tpu.memref_slice %arg2[%dma_wait3A_171, %dma_wait3A_172] : memref<10000x128xf32, #tpu.memory_space<hbm>> -> memref<10000x128xf32, #tpu.memory_space<hbm>>
        tpu.wait_indirect_dma semaphore(%arg21 : memref<!tpu.dma_semaphore, #tpu.memory_space<semaphore_mem>>) src(%dma_wait3A_173 : memref<10000x128xf32, #tpu.memory_space<hbm>>) dst(%dma_wait3A_167 : memref<64x128xf32, #tpu.memory_space<vmem>>)
        %add3A_174 = arith.constant 1 : i32
        %add3A_175 = arith.addi %while3A_129, %add3A_174 : i32
        %lt3A_176 = arith.cmpi slt, %add3A_175, %add3A_4 : i32
        %convert_element_type3A_177 = arith.extui %lt3A_176 : i1 to i32
        %cond3A_178 = arith.constant 0 : i32
        %cond3A_179 = arith.cmpi ne, %convert_element_type3A_177, %cond3A_178 : i32
        scf.if %cond3A_179 {
          %add3A_187 = arith.constant 1 : i32
          %add3A_188 = arith.addi %while3A_129, %add3A_187 : i32
          %add3A_189 = arith.addi %add3A_8, %add3A_188 : i32
          %mul3A_190 = arith.constant 128 : i32
          %mul3A_191 = arith.muli %add3A_189, %mul3A_190 : i32
          %dma_wait3A_192 = arith.constant 0 : i32
          %dma_wait3A_193 = arith.constant 0 : i32
          %dma_wait3A_194 = tpu.memref_slice %arg7[%dma_wait3A_192, %dma_wait3A_193] : memref<2x128xi32, #tpu.memory_space<vmem>> -> memref<1x128xi32, #tpu.memory_space<vmem>>
          %dma_wait3A_195 = tpu.memref_squeeze %dma_wait3A_194 : memref<1x128xi32, #tpu.memory_space<vmem>> -> memref<128xi32, #tpu.memory_space<vmem>>
          %dma_wait3A_196 = tpu.memref_slice %arg3[%mul3A_191] : memref<320000xi32, #tpu.memory_space<hbm>> -> memref<128xi32, #tpu.memory_space<hbm>>
          %dma_wait3A_197 = arith.constant 0 : i32
          %dma_wait3A_198 = tpu.memref_slice %arg7[%dma_wait3A_192, %dma_wait3A_197] : memref<2x128xi32, #tpu.memory_space<vmem>> -> memref<1x128xi32, #tpu.memory_space<vmem>>
          %dma_wait3A_199 = tpu.memref_squeeze %dma_wait3A_198 : memref<1x128xi32, #tpu.memory_space<vmem>> -> memref<128xi32, #tpu.memory_space<vmem>>
          %dma_wait3A_200 = tpu.memref_slice %arg3[%mul3A_191] : memref<320000xi32, #tpu.memory_space<hbm>> -> memref<128xi32, #tpu.memory_space<hbm>>
          tpu.wait_dma2 semaphore(%arg14 : memref<!tpu.dma_semaphore, #tpu.memory_space<semaphore_mem>>) src(%dma_wait3A_200 : memref<128xi32, #tpu.memory_space<hbm>>) dst(%dma_wait3A_199 : memref<128xi32, #tpu.memory_space<vmem>>)
          %add3A_201 = arith.addi %add3A_8, %add3A_188 : i32
          %mul3A_202 = arith.constant 128 : i32
          %mul3A_203 = arith.muli %add3A_201, %mul3A_202 : i32
          %dma_wait3A_204 = arith.constant 0 : i32
          %dma_wait3A_205 = arith.constant 0 : i32
          %dma_wait3A_206 = tpu.memref_slice %arg8[%dma_wait3A_204, %dma_wait3A_205] : memref<2x128xi32, #tpu.memory_space<vmem>> -> memref<1x128xi32, #tpu.memory_space<vmem>>
          %dma_wait3A_207 = tpu.memref_squeeze %dma_wait3A_206 : memref<1x128xi32, #tpu.memory_space<vmem>> -> memref<128xi32, #tpu.memory_space<vmem>>
          %dma_wait3A_208 = tpu.memref_slice %arg4[%mul3A_203] : memref<320000xi32, #tpu.memory_space<hbm>> -> memref<128xi32, #tpu.memory_space<hbm>>
          %dma_wait3A_209 = arith.constant 0 : i32
          %dma_wait3A_210 = tpu.memref_slice %arg8[%dma_wait3A_204, %dma_wait3A_209] : memref<2x128xi32, #tpu.memory_space<vmem>> -> memref<1x128xi32, #tpu.memory_space<vmem>>
          %dma_wait3A_211 = tpu.memref_squeeze %dma_wait3A_210 : memref<1x128xi32, #tpu.memory_space<vmem>> -> memref<128xi32, #tpu.memory_space<vmem>>
          %dma_wait3A_212 = tpu.memref_slice %arg4[%mul3A_203] : memref<320000xi32, #tpu.memory_space<hbm>> -> memref<128xi32, #tpu.memory_space<hbm>>
          tpu.wait_dma2 semaphore(%arg16 : memref<!tpu.dma_semaphore, #tpu.memory_space<semaphore_mem>>) src(%dma_wait3A_212 : memref<128xi32, #tpu.memory_space<hbm>>) dst(%dma_wait3A_211 : memref<128xi32, #tpu.memory_space<vmem>>)
          %dma_start3A_213 = arith.constant 0 : i32
          %dma_start3A_214 = arith.constant 0 : i32
          %dma_start3A_215 = arith.constant 0 : i32
          %dma_start3A_216 = tpu.memref_slice %arg9[%dma_start3A_214, %dma_start3A_215] : memref<128x128xf32, #tpu.memory_space<vmem>> -> memref<64x128xf32, #tpu.memory_space<vmem>>
          %dma_start3A_217 = arith.constant 0 : i32
          %dma_start3A_218 = tpu.memref_slice %arg7[%dma_start3A_213, %dma_start3A_217] : memref<2x128xi32, #tpu.memory_space<vmem>> -> memref<1x64xi32, #tpu.memory_space<vmem>>
          %dma_start3A_219 = tpu.memref_squeeze %dma_start3A_218 : memref<1x64xi32, #tpu.memory_space<vmem>> -> memref<64xi32, #tpu.memory_space<vmem>>
          %dma_start3A_220 = arith.constant 0 : i32
          %dma_start3A_221 = arith.constant 0 : i32
          %dma_start3A_222 = tpu.memref_slice %arg2[%dma_start3A_220, %dma_start3A_221] : memref<10000x128xf32, #tpu.memory_space<hbm>> -> memref<10000x128xf32, #tpu.memory_space<hbm>>
          tpu.enqueue_indirect_dma source(%dma_start3A_222 : memref<10000x128xf32, #tpu.memory_space<hbm>>) target(%dma_start3A_216 : memref<64x128xf32, #tpu.memory_space<vmem>>) offsets(%dma_start3A_219 : memref<64xi32, #tpu.memory_space<vmem>>) semaphore(%arg18 : memref<!tpu.dma_semaphore, #tpu.memory_space<semaphore_mem>>)
          %dma_start3A_223 = arith.constant 0 : i32
          %dma_start3A_224 = arith.constant 64 : i32
          %dma_start3A_225 = arith.constant 0 : i32
          %dma_start3A_226 = tpu.memref_slice %arg9[%dma_start3A_224, %dma_start3A_225] : memref<128x128xf32, #tpu.memory_space<vmem>> -> memref<64x128xf32, #tpu.memory_space<vmem>>
          %dma_start3A_227 = arith.constant 64 : i32
          %dma_start3A_228 = tpu.memref_slice %arg7[%dma_start3A_223, %dma_start3A_227] : memref<2x128xi32, #tpu.memory_space<vmem>> -> memref<1x64xi32, #tpu.memory_space<vmem>>
          %dma_start3A_229 = tpu.memref_squeeze %dma_start3A_228 : memref<1x64xi32, #tpu.memory_space<vmem>> -> memref<64xi32, #tpu.memory_space<vmem>>
          %dma_start3A_230 = arith.constant 0 : i32
          %dma_start3A_231 = arith.constant 0 : i32
          %dma_start3A_232 = tpu.memref_slice %arg2[%dma_start3A_230, %dma_start3A_231] : memref<10000x128xf32, #tpu.memory_space<hbm>> -> memref<10000x128xf32, #tpu.memory_space<hbm>>
          tpu.enqueue_indirect_dma source(%dma_start3A_232 : memref<10000x128xf32, #tpu.memory_space<hbm>>) target(%dma_start3A_226 : memref<64x128xf32, #tpu.memory_space<vmem>>) offsets(%dma_start3A_229 : memref<64xi32, #tpu.memory_space<vmem>>) semaphore(%arg19 : memref<!tpu.dma_semaphore, #tpu.memory_space<semaphore_mem>>)
        } else {
        }
        %dma_start3A_180 = arith.constant 1 : i32
        %dma_start3A_181 = arith.constant 0 : i32
        %dma_start3A_182 = tpu.memref_slice %arg8[%dma_start3A_180, %dma_start3A_181] : memref<2x128xi32, #tpu.memory_space<vmem>> -> memref<1x128xi32, #tpu.memory_space<vmem>>
        %dma_start3A_183 = tpu.memref_squeeze %dma_start3A_182 : memref<1x128xi32, #tpu.memory_space<vmem>> -> memref<128xi32, #tpu.memory_space<vmem>>
        %dma_start3A_184 = arith.constant 0 : i32
        %dma_start3A_185 = arith.constant 0 : i32
        %dma_start3A_186 = tpu.memref_slice %arg11[%dma_start3A_184, %dma_start3A_185] : memref<10240x128xf32, #tpu.memory_space<vmem_shared>> -> memref<10240x128xf32, #tpu.memory_space<vmem_shared>>
        tpu.enqueue_indirect_dma source(%arg10 : memref<128x128xf32, #tpu.memory_space<vmem>>) target(%dma_start3A_186 : memref<10240x128xf32, #tpu.memory_space<vmem_shared>>) offsets(%dma_start3A_183 : memref<128xi32, #tpu.memory_space<vmem>>) semaphore(%arg23 : memref<!tpu.dma_semaphore, #tpu.memory_space<semaphore_mem>>) {add = true}
      } else {
      }
      %while3A_143 = arith.constant 0 : i32
      scf.yield %while3A_143 : i32
    }
    %while3A_113 = arith.constant 1 : i32
    %while3A_114 = scf.for %while3A_129 = %while3A_110 to %while3A_106 step %while3A_113 iter_args(%while3A_130 = %while3A_112) -> (i32)  : i32 {
      %rem3A_131 = arith.constant 2 : i32
      %rem3A_132 = arith.remsi %while3A_129, %rem3A_131 : i32
      %eq3A_133 = arith.constant 0 : i32
      %eq3A_134 = arith.cmpi eq, %rem3A_132, %eq3A_133 : i32
      %convert_element_type3A_135 = arith.extui %eq3A_134 : i1 to i32
      %cond3A_136 = arith.constant 0 : i32
      %cond3A_137 = arith.cmpi ne, %convert_element_type3A_135, %cond3A_136 : i32
      scf.if %cond3A_137 {
        %ge3A = arith.constant 1 : i32
        %ge3A_144 = arith.cmpi sge, %while3A_129, %ge3A : i32
        %convert_element_type3A_145 = arith.extui %ge3A_144 : i1 to i32
        %cond3A_146 = arith.constant 0 : i32
        %cond3A_147 = arith.cmpi ne, %convert_element_type3A_145, %cond3A_146 : i32
        scf.if %cond3A_147 {
          %dma_wait3A_187 = arith.constant 1 : i32
          %dma_wait3A_188 = arith.constant 0 : i32
          %dma_wait3A_189 = tpu.memref_slice %arg8[%dma_wait3A_187, %dma_wait3A_188] : memref<2x128xi32, #tpu.memory_space<vmem>> -> memref<1x128xi32, #tpu.memory_space<vmem>>
          %dma_wait3A_190 = tpu.memref_squeeze %dma_wait3A_189 : memref<1x128xi32, #tpu.memory_space<vmem>> -> memref<128xi32, #tpu.memory_space<vmem>>
          %dma_wait3A_191 = arith.constant 0 : i32
          %dma_wait3A_192 = arith.constant 0 : i32
          %dma_wait3A_193 = tpu.memref_slice %arg11[%dma_wait3A_191, %dma_wait3A_192] : memref<10240x128xf32, #tpu.memory_space<vmem_shared>> -> memref<10240x128xf32, #tpu.memory_space<vmem_shared>>
          tpu.wait_indirect_dma semaphore(%arg23 : memref<!tpu.dma_semaphore, #tpu.memory_space<semaphore_mem>>) src(%arg10 : memref<128x128xf32, #tpu.memory_space<vmem>>) dst(%dma_wait3A_193 : memref<10240x128xf32, #tpu.memory_space<vmem_shared>>)
        } else {
        }
        %add3A_148 = arith.constant 1 : i32
        %add3A_149 = arith.addi %while3A_129, %add3A_148 : i32
        %lt3A_150 = arith.cmpi slt, %add3A_149, %add3A_4 : i32
        %convert_element_type3A_151 = arith.extui %lt3A_150 : i1 to i32
        %cond3A_152 = arith.constant 0 : i32
        %cond3A_153 = arith.cmpi ne, %convert_element_type3A_151, %cond3A_152 : i32
        scf.if %cond3A_153 {
          %add3A_187 = arith.constant 1 : i32
          %add3A_188 = arith.addi %while3A_129, %add3A_187 : i32
          %add3A_189 = arith.addi %add3A_8, %add3A_188 : i32
          %mul3A_190 = arith.constant 128 : i32
          %mul3A_191 = arith.muli %add3A_189, %mul3A_190 : i32
          %dma_start3A_192 = arith.constant 1 : i32
          %dma_start3A_193 = arith.constant 0 : i32
          %dma_start3A_194 = tpu.memref_slice %arg7[%dma_start3A_192, %dma_start3A_193] : memref<2x128xi32, #tpu.memory_space<vmem>> -> memref<1x128xi32, #tpu.memory_space<vmem>>
          %dma_start3A_195 = tpu.memref_squeeze %dma_start3A_194 : memref<1x128xi32, #tpu.memory_space<vmem>> -> memref<128xi32, #tpu.memory_space<vmem>>
          %dma_start3A_196 = tpu.memref_slice %arg3[%mul3A_191] : memref<320000xi32, #tpu.memory_space<hbm>> -> memref<128xi32, #tpu.memory_space<hbm>>
          %dma_start3A_197 = arith.constant 0 : i32
          %dma_start3A_198 = tpu.memref_slice %arg7[%dma_start3A_192, %dma_start3A_197] : memref<2x128xi32, #tpu.memory_space<vmem>> -> memref<1x128xi32, #tpu.memory_space<vmem>>
          %dma_start3A_199 = tpu.memref_squeeze %dma_start3A_198 : memref<1x128xi32, #tpu.memory_space<vmem>> -> memref<128xi32, #tpu.memory_space<vmem>>
          %dma_start3A_200 = tpu.memref_slice %arg3[%mul3A_191] : memref<320000xi32, #tpu.memory_space<hbm>> -> memref<128xi32, #tpu.memory_space<hbm>>
          tpu.enqueue_dma source(%dma_start3A_200 : memref<128xi32, #tpu.memory_space<hbm>>) target(%dma_start3A_199 : memref<128xi32, #tpu.memory_space<vmem>>) target_semaphore(%arg15 : memref<!tpu.dma_semaphore, #tpu.memory_space<semaphore_mem>>)
          %add3A_201 = arith.addi %add3A_8, %add3A_188 : i32
          %mul3A_202 = arith.constant 128 : i32
          %mul3A_203 = arith.muli %add3A_201, %mul3A_202 : i32
          %dma_start3A_204 = arith.constant 1 : i32
          %dma_start3A_205 = arith.constant 0 : i32
          %dma_start3A_206 = tpu.memref_slice %arg8[%dma_start3A_204, %dma_start3A_205] : memref<2x128xi32, #tpu.memory_space<vmem>> -> memref<1x128xi32, #tpu.memory_space<vmem>>
          %dma_start3A_207 = tpu.memref_squeeze %dma_start3A_206 : memref<1x128xi32, #tpu.memory_space<vmem>> -> memref<128xi32, #tpu.memory_space<vmem>>
          %dma_start3A_208 = tpu.memref_slice %arg4[%mul3A_203] : memref<320000xi32, #tpu.memory_space<hbm>> -> memref<128xi32, #tpu.memory_space<hbm>>
          %dma_start3A_209 = arith.constant 0 : i32
          %dma_start3A_210 = tpu.memref_slice %arg8[%dma_start3A_204, %dma_start3A_209] : memref<2x128xi32, #tpu.memory_space<vmem>> -> memref<1x128xi32, #tpu.memory_space<vmem>>
          %dma_start3A_211 = tpu.memref_squeeze %dma_start3A_210 : memref<1x128xi32, #tpu.memory_space<vmem>> -> memref<128xi32, #tpu.memory_space<vmem>>
          %dma_start3A_212 = tpu.memref_slice %arg4[%mul3A_203] : memref<320000xi32, #tpu.memory_space<hbm>> -> memref<128xi32, #tpu.memory_space<hbm>>
          tpu.enqueue_dma source(%dma_start3A_212 : memref<128xi32, #tpu.memory_space<hbm>>) target(%dma_start3A_211 : memref<128xi32, #tpu.memory_space<vmem>>) target_semaphore(%arg17 : memref<!tpu.dma_semaphore, #tpu.memory_space<semaphore_mem>>)
        } else {
        }
        %dma_wait3A_154 = arith.constant 0 : i32
        %dma_wait3A_155 = arith.constant 0 : i32
        %dma_wait3A_156 = arith.constant 0 : i32
        %dma_wait3A_157 = tpu.memref_slice %arg9[%dma_wait3A_155, %dma_wait3A_156] : memref<128x128xf32, #tpu.memory_space<vmem>> -> memref<64x128xf32, #tpu.memory_space<vmem>>
        %dma_wait3A_158 = arith.constant 0 : i32
        %dma_wait3A_159 = tpu.memref_slice %arg7[%dma_wait3A_154, %dma_wait3A_158] : memref<2x128xi32, #tpu.memory_space<vmem>> -> memref<1x64xi32, #tpu.memory_space<vmem>>
        %dma_wait3A_160 = tpu.memref_squeeze %dma_wait3A_159 : memref<1x64xi32, #tpu.memory_space<vmem>> -> memref<64xi32, #tpu.memory_space<vmem>>
        %dma_wait3A_161 = arith.constant 0 : i32
        %dma_wait3A_162 = arith.constant 0 : i32
        %dma_wait3A_163 = tpu.memref_slice %arg2[%dma_wait3A_161, %dma_wait3A_162] : memref<10000x128xf32, #tpu.memory_space<hbm>> -> memref<10000x128xf32, #tpu.memory_space<hbm>>
        tpu.wait_indirect_dma semaphore(%arg18 : memref<!tpu.dma_semaphore, #tpu.memory_space<semaphore_mem>>) src(%dma_wait3A_163 : memref<10000x128xf32, #tpu.memory_space<hbm>>) dst(%dma_wait3A_157 : memref<64x128xf32, #tpu.memory_space<vmem>>)
        %dma_wait3A_164 = arith.constant 0 : i32
        %dma_wait3A_165 = arith.constant 64 : i32
        %dma_wait3A_166 = arith.constant 0 : i32
        %dma_wait3A_167 = tpu.memref_slice %arg9[%dma_wait3A_165, %dma_wait3A_166] : memref<128x128xf32, #tpu.memory_space<vmem>> -> memref<64x128xf32, #tpu.memory_space<vmem>>
        %dma_wait3A_168 = arith.constant 64 : i32
        %dma_wait3A_169 = tpu.memref_slice %arg7[%dma_wait3A_164, %dma_wait3A_168] : memref<2x128xi32, #tpu.memory_space<vmem>> -> memref<1x64xi32, #tpu.memory_space<vmem>>
        %dma_wait3A_170 = tpu.memref_squeeze %dma_wait3A_169 : memref<1x64xi32, #tpu.memory_space<vmem>> -> memref<64xi32, #tpu.memory_space<vmem>>
        %dma_wait3A_171 = arith.constant 0 : i32
        %dma_wait3A_172 = arith.constant 0 : i32
        %dma_wait3A_173 = tpu.memref_slice %arg2[%dma_wait3A_171, %dma_wait3A_172] : memref<10000x128xf32, #tpu.memory_space<hbm>> -> memref<10000x128xf32, #tpu.memory_space<hbm>>
        tpu.wait_indirect_dma semaphore(%arg19 : memref<!tpu.dma_semaphore, #tpu.memory_space<semaphore_mem>>) src(%dma_wait3A_173 : memref<10000x128xf32, #tpu.memory_space<hbm>>) dst(%dma_wait3A_167 : memref<64x128xf32, #tpu.memory_space<vmem>>)
        %add3A_174 = arith.constant 1 : i32
        %add3A_175 = arith.addi %while3A_129, %add3A_174 : i32
        %lt3A_176 = arith.cmpi slt, %add3A_175, %add3A_4 : i32
        %convert_element_type3A_177 = arith.extui %lt3A_176 : i1 to i32
        %cond3A_178 = arith.constant 0 : i32
        %cond3A_179 = arith.cmpi ne, %convert_element_type3A_177, %cond3A_178 : i32
        scf.if %cond3A_179 {
          %add3A_187 = arith.constant 1 : i32
          %add3A_188 = arith.addi %while3A_129, %add3A_187 : i32
          %add3A_189 = arith.addi %add3A_8, %add3A_188 : i32
          %mul3A_190 = arith.constant 128 : i32
          %mul3A_191 = arith.muli %add3A_189, %mul3A_190 : i32
          %dma_wait3A_192 = arith.constant 1 : i32
          %dma_wait3A_193 = arith.constant 0 : i32
          %dma_wait3A_194 = tpu.memref_slice %arg7[%dma_wait3A_192, %dma_wait3A_193] : memref<2x128xi32, #tpu.memory_space<vmem>> -> memref<1x128xi32, #tpu.memory_space<vmem>>
          %dma_wait3A_195 = tpu.memref_squeeze %dma_wait3A_194 : memref<1x128xi32, #tpu.memory_space<vmem>> -> memref<128xi32, #tpu.memory_space<vmem>>
          %dma_wait3A_196 = tpu.memref_slice %arg3[%mul3A_191] : memref<320000xi32, #tpu.memory_space<hbm>> -> memref<128xi32, #tpu.memory_space<hbm>>
          %dma_wait3A_197 = arith.constant 0 : i32
          %dma_wait3A_198 = tpu.memref_slice %arg7[%dma_wait3A_192, %dma_wait3A_197] : memref<2x128xi32, #tpu.memory_space<vmem>> -> memref<1x128xi32, #tpu.memory_space<vmem>>
          %dma_wait3A_199 = tpu.memref_squeeze %dma_wait3A_198 : memref<1x128xi32, #tpu.memory_space<vmem>> -> memref<128xi32, #tpu.memory_space<vmem>>
          %dma_wait3A_200 = tpu.memref_slice %arg3[%mul3A_191] : memref<320000xi32, #tpu.memory_space<hbm>> -> memref<128xi32, #tpu.memory_space<hbm>>
          tpu.wait_dma2 semaphore(%arg15 : memref<!tpu.dma_semaphore, #tpu.memory_space<semaphore_mem>>) src(%dma_wait3A_200 : memref<128xi32, #tpu.memory_space<hbm>>) dst(%dma_wait3A_199 : memref<128xi32, #tpu.memory_space<vmem>>)
          %add3A_201 = arith.addi %add3A_8, %add3A_188 : i32
          %mul3A_202 = arith.constant 128 : i32
          %mul3A_203 = arith.muli %add3A_201, %mul3A_202 : i32
          %dma_wait3A_204 = arith.constant 1 : i32
          %dma_wait3A_205 = arith.constant 0 : i32
          %dma_wait3A_206 = tpu.memref_slice %arg8[%dma_wait3A_204, %dma_wait3A_205] : memref<2x128xi32, #tpu.memory_space<vmem>> -> memref<1x128xi32, #tpu.memory_space<vmem>>
          %dma_wait3A_207 = tpu.memref_squeeze %dma_wait3A_206 : memref<1x128xi32, #tpu.memory_space<vmem>> -> memref<128xi32, #tpu.memory_space<vmem>>
          %dma_wait3A_208 = tpu.memref_slice %arg4[%mul3A_203] : memref<320000xi32, #tpu.memory_space<hbm>> -> memref<128xi32, #tpu.memory_space<hbm>>
          %dma_wait3A_209 = arith.constant 0 : i32
          %dma_wait3A_210 = tpu.memref_slice %arg8[%dma_wait3A_204, %dma_wait3A_209] : memref<2x128xi32, #tpu.memory_space<vmem>> -> memref<1x128xi32, #tpu.memory_space<vmem>>
          %dma_wait3A_211 = tpu.memref_squeeze %dma_wait3A_210 : memref<1x128xi32, #tpu.memory_space<vmem>> -> memref<128xi32, #tpu.memory_space<vmem>>
          %dma_wait3A_212 = tpu.memref_slice %arg4[%mul3A_203] : memref<320000xi32, #tpu.memory_space<hbm>> -> memref<128xi32, #tpu.memory_space<hbm>>
          tpu.wait_dma2 semaphore(%arg17 : memref<!tpu.dma_semaphore, #tpu.memory_space<semaphore_mem>>) src(%dma_wait3A_212 : memref<128xi32, #tpu.memory_space<hbm>>) dst(%dma_wait3A_211 : memref<128xi32, #tpu.memory_space<vmem>>)
          %dma_start3A_213 = arith.constant 1 : i32
          %dma_start3A_214 = arith.constant 0 : i32
          %dma_start3A_215 = arith.constant 0 : i32
          %dma_start3A_216 = tpu.memref_slice %arg10[%dma_start3A_214, %dma_start3A_215] : memref<128x128xf32, #tpu.memory_space<vmem>> -> memref<64x128xf32, #tpu.memory_space<vmem>>
          %dma_start3A_217 = arith.constant 0 : i32
          %dma_start3A_218 = tpu.memref_slice %arg7[%dma_start3A_213, %dma_start3A_217] : memref<2x128xi32, #tpu.memory_space<vmem>> -> memref<1x64xi32, #tpu.memory_space<vmem>>
          %dma_start3A_219 = tpu.memref_squeeze %dma_start3A_218 : memref<1x64xi32, #tpu.memory_space<vmem>> -> memref<64xi32, #tpu.memory_space<vmem>>
          %dma_start3A_220 = arith.constant 0 : i32
          %dma_start3A_221 = arith.constant 0 : i32
          %dma_start3A_222 = tpu.memref_slice %arg2[%dma_start3A_220, %dma_start3A_221] : memref<10000x128xf32, #tpu.memory_space<hbm>> -> memref<10000x128xf32, #tpu.memory_space<hbm>>
          tpu.enqueue_indirect_dma source(%dma_start3A_222 : memref<10000x128xf32, #tpu.memory_space<hbm>>) target(%dma_start3A_216 : memref<64x128xf32, #tpu.memory_space<vmem>>) offsets(%dma_start3A_219 : memref<64xi32, #tpu.memory_space<vmem>>) semaphore(%arg20 : memref<!tpu.dma_semaphore, #tpu.memory_space<semaphore_mem>>)
          %dma_start3A_223 = arith.constant 1 : i32
          %dma_start3A_224 = arith.constant 64 : i32
          %dma_start3A_225 = arith.constant 0 : i32
          %dma_start3A_226 = tpu.memref_slice %arg10[%dma_start3A_224, %dma_start3A_225] : memref<128x128xf32, #tpu.memory_space<vmem>> -> memref<64x128xf32, #tpu.memory_space<vmem>>
          %dma_start3A_227 = arith.constant 64 : i32
          %dma_start3A_228 = tpu.memref_slice %arg7[%dma_start3A_223, %dma_start3A_227] : memref<2x128xi32, #tpu.memory_space<vmem>> -> memref<1x64xi32, #tpu.memory_space<vmem>>
          %dma_start3A_229 = tpu.memref_squeeze %dma_start3A_228 : memref<1x64xi32, #tpu.memory_space<vmem>> -> memref<64xi32, #tpu.memory_space<vmem>>
          %dma_start3A_230 = arith.constant 0 : i32
          %dma_start3A_231 = arith.constant 0 : i32
          %dma_start3A_232 = tpu.memref_slice %arg2[%dma_start3A_230, %dma_start3A_231] : memref<10000x128xf32, #tpu.memory_space<hbm>> -> memref<10000x128xf32, #tpu.memory_space<hbm>>
          tpu.enqueue_indirect_dma source(%dma_start3A_232 : memref<10000x128xf32, #tpu.memory_space<hbm>>) target(%dma_start3A_226 : memref<64x128xf32, #tpu.memory_space<vmem>>) offsets(%dma_start3A_229 : memref<64xi32, #tpu.memory_space<vmem>>) semaphore(%arg21 : memref<!tpu.dma_semaphore, #tpu.memory_space<semaphore_mem>>)
        } else {
        }
        %dma_start3A_180 = arith.constant 0 : i32
        %dma_start3A_181 = arith.constant 0 : i32
        %dma_start3A_182 = tpu.memref_slice %arg8[%dma_start3A_180, %dma_start3A_181] : memref<2x128xi32, #tpu.memory_space<vmem>> -> memref<1x128xi32, #tpu.memory_space<vmem>>
        %dma_start3A_183 = tpu.memref_squeeze %dma_start3A_182 : memref<1x128xi32, #tpu.memory_space<vmem>> -> memref<128xi32, #tpu.memory_space<vmem>>
        %dma_start3A_184 = arith.constant 0 : i32
        %dma_start3A_185 = arith.constant 0 : i32
        %dma_start3A_186 = tpu.memref_slice %arg11[%dma_start3A_184, %dma_start3A_185] : memref<10240x128xf32, #tpu.memory_space<vmem_shared>> -> memref<10240x128xf32, #tpu.memory_space<vmem_shared>>
        tpu.enqueue_indirect_dma source(%arg9 : memref<128x128xf32, #tpu.memory_space<vmem>>) target(%dma_start3A_186 : memref<10240x128xf32, #tpu.memory_space<vmem_shared>>) offsets(%dma_start3A_183 : memref<128xi32, #tpu.memory_space<vmem>>) semaphore(%arg22 : memref<!tpu.dma_semaphore, #tpu.memory_space<semaphore_mem>>) {add = true}
      } else {
      }
      %eq3A_138 = arith.constant 1 : i32
      %eq3A_139 = arith.cmpi eq, %rem3A_132, %eq3A_138 : i32
      %convert_element_type3A_140 = arith.extui %eq3A_139 : i1 to i32
      %cond3A_141 = arith.constant 0 : i32
      %cond3A_142 = arith.cmpi ne, %convert_element_type3A_140, %cond3A_141 : i32
      scf.if %cond3A_142 {
        %ge3A = arith.constant 1 : i32
        %ge3A_144 = arith.cmpi sge, %while3A_129, %ge3A : i32
        %convert_element_type3A_145 = arith.extui %ge3A_144 : i1 to i32
        %cond3A_146 = arith.constant 0 : i32
        %cond3A_147 = arith.cmpi ne, %convert_element_type3A_145, %cond3A_146 : i32
        scf.if %cond3A_147 {
          %dma_wait3A_187 = arith.constant 0 : i32
          %dma_wait3A_188 = arith.constant 0 : i32
          %dma_wait3A_189 = tpu.memref_slice %arg8[%dma_wait3A_187, %dma_wait3A_188] : memref<2x128xi32, #tpu.memory_space<vmem>> -> memref<1x128xi32, #tpu.memory_space<vmem>>
          %dma_wait3A_190 = tpu.memref_squeeze %dma_wait3A_189 : memref<1x128xi32, #tpu.memory_space<vmem>> -> memref<128xi32, #tpu.memory_space<vmem>>
          %dma_wait3A_191 = arith.constant 0 : i32
          %dma_wait3A_192 = arith.constant 0 : i32
          %dma_wait3A_193 = tpu.memref_slice %arg11[%dma_wait3A_191, %dma_wait3A_192] : memref<10240x128xf32, #tpu.memory_space<vmem_shared>> -> memref<10240x128xf32, #tpu.memory_space<vmem_shared>>
          tpu.wait_indirect_dma semaphore(%arg22 : memref<!tpu.dma_semaphore, #tpu.memory_space<semaphore_mem>>) src(%arg9 : memref<128x128xf32, #tpu.memory_space<vmem>>) dst(%dma_wait3A_193 : memref<10240x128xf32, #tpu.memory_space<vmem_shared>>)
        } else {
        }
        %add3A_148 = arith.constant 1 : i32
        %add3A_149 = arith.addi %while3A_129, %add3A_148 : i32
        %lt3A_150 = arith.cmpi slt, %add3A_149, %add3A_4 : i32
        %convert_element_type3A_151 = arith.extui %lt3A_150 : i1 to i32
        %cond3A_152 = arith.constant 0 : i32
        %cond3A_153 = arith.cmpi ne, %convert_element_type3A_151, %cond3A_152 : i32
        scf.if %cond3A_153 {
          %add3A_187 = arith.constant 1 : i32
          %add3A_188 = arith.addi %while3A_129, %add3A_187 : i32
          %add3A_189 = arith.addi %add3A_8, %add3A_188 : i32
          %mul3A_190 = arith.constant 128 : i32
          %mul3A_191 = arith.muli %add3A_189, %mul3A_190 : i32
          %dma_start3A_192 = arith.constant 0 : i32
          %dma_start3A_193 = arith.constant 0 : i32
          %dma_start3A_194 = tpu.memref_slice %arg7[%dma_start3A_192, %dma_start3A_193] : memref<2x128xi32, #tpu.memory_space<vmem>> -> memref<1x128xi32, #tpu.memory_space<vmem>>
          %dma_start3A_195 = tpu.memref_squeeze %dma_start3A_194 : memref<1x128xi32, #tpu.memory_space<vmem>> -> memref<128xi32, #tpu.memory_space<vmem>>
          %dma_start3A_196 = tpu.memref_slice %arg3[%mul3A_191] : memref<320000xi32, #tpu.memory_space<hbm>> -> memref<128xi32, #tpu.memory_space<hbm>>
          %dma_start3A_197 = arith.constant 0 : i32
          %dma_start3A_198 = tpu.memref_slice %arg7[%dma_start3A_192, %dma_start3A_197] : memref<2x128xi32, #tpu.memory_space<vmem>> -> memref<1x128xi32, #tpu.memory_space<vmem>>
          %dma_start3A_199 = tpu.memref_squeeze %dma_start3A_198 : memref<1x128xi32, #tpu.memory_space<vmem>> -> memref<128xi32, #tpu.memory_space<vmem>>
          %dma_start3A_200 = tpu.memref_slice %arg3[%mul3A_191] : memref<320000xi32, #tpu.memory_space<hbm>> -> memref<128xi32, #tpu.memory_space<hbm>>
          tpu.enqueue_dma source(%dma_start3A_200 : memref<128xi32, #tpu.memory_space<hbm>>) target(%dma_start3A_199 : memref<128xi32, #tpu.memory_space<vmem>>) target_semaphore(%arg14 : memref<!tpu.dma_semaphore, #tpu.memory_space<semaphore_mem>>)
          %add3A_201 = arith.addi %add3A_8, %add3A_188 : i32
          %mul3A_202 = arith.constant 128 : i32
          %mul3A_203 = arith.muli %add3A_201, %mul3A_202 : i32
          %dma_start3A_204 = arith.constant 0 : i32
          %dma_start3A_205 = arith.constant 0 : i32
          %dma_start3A_206 = tpu.memref_slice %arg8[%dma_start3A_204, %dma_start3A_205] : memref<2x128xi32, #tpu.memory_space<vmem>> -> memref<1x128xi32, #tpu.memory_space<vmem>>
          %dma_start3A_207 = tpu.memref_squeeze %dma_start3A_206 : memref<1x128xi32, #tpu.memory_space<vmem>> -> memref<128xi32, #tpu.memory_space<vmem>>
          %dma_start3A_208 = tpu.memref_slice %arg4[%mul3A_203] : memref<320000xi32, #tpu.memory_space<hbm>> -> memref<128xi32, #tpu.memory_space<hbm>>
          %dma_start3A_209 = arith.constant 0 : i32
          %dma_start3A_210 = tpu.memref_slice %arg8[%dma_start3A_204, %dma_start3A_209] : memref<2x128xi32, #tpu.memory_space<vmem>> -> memref<1x128xi32, #tpu.memory_space<vmem>>
          %dma_start3A_211 = tpu.memref_squeeze %dma_start3A_210 : memref<1x128xi32, #tpu.memory_space<vmem>> -> memref<128xi32, #tpu.memory_space<vmem>>
          %dma_start3A_212 = tpu.memref_slice %arg4[%mul3A_203] : memref<320000xi32, #tpu.memory_space<hbm>> -> memref<128xi32, #tpu.memory_space<hbm>>
          tpu.enqueue_dma source(%dma_start3A_212 : memref<128xi32, #tpu.memory_space<hbm>>) target(%dma_start3A_211 : memref<128xi32, #tpu.memory_space<vmem>>) target_semaphore(%arg16 : memref<!tpu.dma_semaphore, #tpu.memory_space<semaphore_mem>>)
        } else {
        }
        %dma_wait3A_154 = arith.constant 1 : i32
        %dma_wait3A_155 = arith.constant 0 : i32
        %dma_wait3A_156 = arith.constant 0 : i32
        %dma_wait3A_157 = tpu.memref_slice %arg10[%dma_wait3A_155, %dma_wait3A_156] : memref<128x128xf32, #tpu.memory_space<vmem>> -> memref<64x128xf32, #tpu.memory_space<vmem>>
        %dma_wait3A_158 = arith.constant 0 : i32
        %dma_wait3A_159 = tpu.memref_slice %arg7[%dma_wait3A_154, %dma_wait3A_158] : memref<2x128xi32, #tpu.memory_space<vmem>> -> memref<1x64xi32, #tpu.memory_space<vmem>>
        %dma_wait3A_160 = tpu.memref_squeeze %dma_wait3A_159 : memref<1x64xi32, #tpu.memory_space<vmem>> -> memref<64xi32, #tpu.memory_space<vmem>>
        %dma_wait3A_161 = arith.constant 0 : i32
        %dma_wait3A_162 = arith.constant 0 : i32
        %dma_wait3A_163 = tpu.memref_slice %arg2[%dma_wait3A_161, %dma_wait3A_162] : memref<10000x128xf32, #tpu.memory_space<hbm>> -> memref<10000x128xf32, #tpu.memory_space<hbm>>
        tpu.wait_indirect_dma semaphore(%arg20 : memref<!tpu.dma_semaphore, #tpu.memory_space<semaphore_mem>>) src(%dma_wait3A_163 : memref<10000x128xf32, #tpu.memory_space<hbm>>) dst(%dma_wait3A_157 : memref<64x128xf32, #tpu.memory_space<vmem>>)
        %dma_wait3A_164 = arith.constant 1 : i32
        %dma_wait3A_165 = arith.constant 64 : i32
        %dma_wait3A_166 = arith.constant 0 : i32
        %dma_wait3A_167 = tpu.memref_slice %arg10[%dma_wait3A_165, %dma_wait3A_166] : memref<128x128xf32, #tpu.memory_space<vmem>> -> memref<64x128xf32, #tpu.memory_space<vmem>>
        %dma_wait3A_168 = arith.constant 64 : i32
        %dma_wait3A_169 = tpu.memref_slice %arg7[%dma_wait3A_164, %dma_wait3A_168] : memref<2x128xi32, #tpu.memory_space<vmem>> -> memref<1x64xi32, #tpu.memory_space<vmem>>
        %dma_wait3A_170 = tpu.memref_squeeze %dma_wait3A_169 : memref<1x64xi32, #tpu.memory_space<vmem>> -> memref<64xi32, #tpu.memory_space<vmem>>
        %dma_wait3A_171 = arith.constant 0 : i32
        %dma_wait3A_172 = arith.constant 0 : i32
        %dma_wait3A_173 = tpu.memref_slice %arg2[%dma_wait3A_171, %dma_wait3A_172] : memref<10000x128xf32, #tpu.memory_space<hbm>> -> memref<10000x128xf32, #tpu.memory_space<hbm>>
        tpu.wait_indirect_dma semaphore(%arg21 : memref<!tpu.dma_semaphore, #tpu.memory_space<semaphore_mem>>) src(%dma_wait3A_173 : memref<10000x128xf32, #tpu.memory_space<hbm>>) dst(%dma_wait3A_167 : memref<64x128xf32, #tpu.memory_space<vmem>>)
        %add3A_174 = arith.constant 1 : i32
        %add3A_175 = arith.addi %while3A_129, %add3A_174 : i32
        %lt3A_176 = arith.cmpi slt, %add3A_175, %add3A_4 : i32
        %convert_element_type3A_177 = arith.extui %lt3A_176 : i1 to i32
        %cond3A_178 = arith.constant 0 : i32
        %cond3A_179 = arith.cmpi ne, %convert_element_type3A_177, %cond3A_178 : i32
        scf.if %cond3A_179 {
          %add3A_187 = arith.constant 1 : i32
          %add3A_188 = arith.addi %while3A_129, %add3A_187 : i32
          %add3A_189 = arith.addi %add3A_8, %add3A_188 : i32
          %mul3A_190 = arith.constant 128 : i32
          %mul3A_191 = arith.muli %add3A_189, %mul3A_190 : i32
          %dma_wait3A_192 = arith.constant 0 : i32
          %dma_wait3A_193 = arith.constant 0 : i32
          %dma_wait3A_194 = tpu.memref_slice %arg7[%dma_wait3A_192, %dma_wait3A_193] : memref<2x128xi32, #tpu.memory_space<vmem>> -> memref<1x128xi32, #tpu.memory_space<vmem>>
          %dma_wait3A_195 = tpu.memref_squeeze %dma_wait3A_194 : memref<1x128xi32, #tpu.memory_space<vmem>> -> memref<128xi32, #tpu.memory_space<vmem>>
          %dma_wait3A_196 = tpu.memref_slice %arg3[%mul3A_191] : memref<320000xi32, #tpu.memory_space<hbm>> -> memref<128xi32, #tpu.memory_space<hbm>>
          %dma_wait3A_197 = arith.constant 0 : i32
          %dma_wait3A_198 = tpu.memref_slice %arg7[%dma_wait3A_192, %dma_wait3A_197] : memref<2x128xi32, #tpu.memory_space<vmem>> -> memref<1x128xi32, #tpu.memory_space<vmem>>
          %dma_wait3A_199 = tpu.memref_squeeze %dma_wait3A_198 : memref<1x128xi32, #tpu.memory_space<vmem>> -> memref<128xi32, #tpu.memory_space<vmem>>
          %dma_wait3A_200 = tpu.memref_slice %arg3[%mul3A_191] : memref<320000xi32, #tpu.memory_space<hbm>> -> memref<128xi32, #tpu.memory_space<hbm>>
          tpu.wait_dma2 semaphore(%arg14 : memref<!tpu.dma_semaphore, #tpu.memory_space<semaphore_mem>>) src(%dma_wait3A_200 : memref<128xi32, #tpu.memory_space<hbm>>) dst(%dma_wait3A_199 : memref<128xi32, #tpu.memory_space<vmem>>)
          %add3A_201 = arith.addi %add3A_8, %add3A_188 : i32
          %mul3A_202 = arith.constant 128 : i32
          %mul3A_203 = arith.muli %add3A_201, %mul3A_202 : i32
          %dma_wait3A_204 = arith.constant 0 : i32
          %dma_wait3A_205 = arith.constant 0 : i32
          %dma_wait3A_206 = tpu.memref_slice %arg8[%dma_wait3A_204, %dma_wait3A_205] : memref<2x128xi32, #tpu.memory_space<vmem>> -> memref<1x128xi32, #tpu.memory_space<vmem>>
          %dma_wait3A_207 = tpu.memref_squeeze %dma_wait3A_206 : memref<1x128xi32, #tpu.memory_space<vmem>> -> memref<128xi32, #tpu.memory_space<vmem>>
          %dma_wait3A_208 = tpu.memref_slice %arg4[%mul3A_203] : memref<320000xi32, #tpu.memory_space<hbm>> -> memref<128xi32, #tpu.memory_space<hbm>>
          %dma_wait3A_209 = arith.constant 0 : i32
          %dma_wait3A_210 = tpu.memref_slice %arg8[%dma_wait3A_204, %dma_wait3A_209] : memref<2x128xi32, #tpu.memory_space<vmem>> -> memref<1x128xi32, #tpu.memory_space<vmem>>
          %dma_wait3A_211 = tpu.memref_squeeze %dma_wait3A_210 : memref<1x128xi32, #tpu.memory_space<vmem>> -> memref<128xi32, #tpu.memory_space<vmem>>
          %dma_wait3A_212 = tpu.memref_slice %arg4[%mul3A_203] : memref<320000xi32, #tpu.memory_space<hbm>> -> memref<128xi32, #tpu.memory_space<hbm>>
          tpu.wait_dma2 semaphore(%arg16 : memref<!tpu.dma_semaphore, #tpu.memory_space<semaphore_mem>>) src(%dma_wait3A_212 : memref<128xi32, #tpu.memory_space<hbm>>) dst(%dma_wait3A_211 : memref<128xi32, #tpu.memory_space<vmem>>)
          %dma_start3A_213 = arith.constant 0 : i32
          %dma_start3A_214 = arith.constant 0 : i32
          %dma_start3A_215 = arith.constant 0 : i32
          %dma_start3A_216 = tpu.memref_slice %arg9[%dma_start3A_214, %dma_start3A_215] : memref<128x128xf32, #tpu.memory_space<vmem>> -> memref<64x128xf32, #tpu.memory_space<vmem>>
          %dma_start3A_217 = arith.constant 0 : i32
          %dma_start3A_218 = tpu.memref_slice %arg7[%dma_start3A_213, %dma_start3A_217] : memref<2x128xi32, #tpu.memory_space<vmem>> -> memref<1x64xi32, #tpu.memory_space<vmem>>
          %dma_start3A_219 = tpu.memref_squeeze %dma_start3A_218 : memref<1x64xi32, #tpu.memory_space<vmem>> -> memref<64xi32, #tpu.memory_space<vmem>>
          %dma_start3A_220 = arith.constant 0 : i32
          %dma_start3A_221 = arith.constant 0 : i32
          %dma_start3A_222 = tpu.memref_slice %arg2[%dma_start3A_220, %dma_start3A_221] : memref<10000x128xf32, #tpu.memory_space<hbm>> -> memref<10000x128xf32, #tpu.memory_space<hbm>>
          tpu.enqueue_indirect_dma source(%dma_start3A_222 : memref<10000x128xf32, #tpu.memory_space<hbm>>) target(%dma_start3A_216 : memref<64x128xf32, #tpu.memory_space<vmem>>) offsets(%dma_start3A_219 : memref<64xi32, #tpu.memory_space<vmem>>) semaphore(%arg18 : memref<!tpu.dma_semaphore, #tpu.memory_space<semaphore_mem>>)
          %dma_start3A_223 = arith.constant 0 : i32
          %dma_start3A_224 = arith.constant 64 : i32
          %dma_start3A_225 = arith.constant 0 : i32
          %dma_start3A_226 = tpu.memref_slice %arg9[%dma_start3A_224, %dma_start3A_225] : memref<128x128xf32, #tpu.memory_space<vmem>> -> memref<64x128xf32, #tpu.memory_space<vmem>>
          %dma_start3A_227 = arith.constant 64 : i32
          %dma_start3A_228 = tpu.memref_slice %arg7[%dma_start3A_223, %dma_start3A_227] : memref<2x128xi32, #tpu.memory_space<vmem>> -> memref<1x64xi32, #tpu.memory_space<vmem>>
          %dma_start3A_229 = tpu.memref_squeeze %dma_start3A_228 : memref<1x64xi32, #tpu.memory_space<vmem>> -> memref<64xi32, #tpu.memory_space<vmem>>
          %dma_start3A_230 = arith.constant 0 : i32
          %dma_start3A_231 = arith.constant 0 : i32
          %dma_start3A_232 = tpu.memref_slice %arg2[%dma_start3A_230, %dma_start3A_231] : memref<10000x128xf32, #tpu.memory_space<hbm>> -> memref<10000x128xf32, #tpu.memory_space<hbm>>
          tpu.enqueue_indirect_dma source(%dma_start3A_232 : memref<10000x128xf32, #tpu.memory_space<hbm>>) target(%dma_start3A_226 : memref<64x128xf32, #tpu.memory_space<vmem>>) offsets(%dma_start3A_229 : memref<64xi32, #tpu.memory_space<vmem>>) semaphore(%arg19 : memref<!tpu.dma_semaphore, #tpu.memory_space<semaphore_mem>>)
        } else {
        }
        %dma_start3A_180 = arith.constant 1 : i32
        %dma_start3A_181 = arith.constant 0 : i32
        %dma_start3A_182 = tpu.memref_slice %arg8[%dma_start3A_180, %dma_start3A_181] : memref<2x128xi32, #tpu.memory_space<vmem>> -> memref<1x128xi32, #tpu.memory_space<vmem>>
        %dma_start3A_183 = tpu.memref_squeeze %dma_start3A_182 : memref<1x128xi32, #tpu.memory_space<vmem>> -> memref<128xi32, #tpu.memory_space<vmem>>
        %dma_start3A_184 = arith.constant 0 : i32
        %dma_start3A_185 = arith.constant 0 : i32
        %dma_start3A_186 = tpu.memref_slice %arg11[%dma_start3A_184, %dma_start3A_185] : memref<10240x128xf32, #tpu.memory_space<vmem_shared>> -> memref<10240x128xf32, #tpu.memory_space<vmem_shared>>
        tpu.enqueue_indirect_dma source(%arg10 : memref<128x128xf32, #tpu.memory_space<vmem>>) target(%dma_start3A_186 : memref<10240x128xf32, #tpu.memory_space<vmem_shared>>) offsets(%dma_start3A_183 : memref<128xi32, #tpu.memory_space<vmem>>) semaphore(%arg23 : memref<!tpu.dma_semaphore, #tpu.memory_space<semaphore_mem>>) {add = true}
      } else {
      }
      %while3A_143 = arith.constant 0 : i32
      scf.yield %while3A_143 : i32
    }
    %sub3A = arith.constant 1 : i32
    %sub3A_115 = arith.subi %add3A_4, %sub3A : i32
    %rem3A = arith.constant 2 : i32
    %rem3A_116 = arith.remsi %sub3A_115, %rem3A : i32
    %eq3A = arith.constant 0 : i32
    %eq3A_117 = arith.cmpi eq, %rem3A_116, %eq3A : i32
    %convert_element_type3A = arith.extui %eq3A_117 : i1 to i32
    %cond3A = arith.constant 0 : i32
    %cond3A_118 = arith.cmpi ne, %convert_element_type3A, %cond3A : i32
    scf.if %cond3A_118 {
      %dma_wait3A_129 = arith.constant 0 : i32
      %dma_wait3A_130 = arith.constant 0 : i32
      %dma_wait3A_131 = tpu.memref_slice %arg8[%dma_wait3A_129, %dma_wait3A_130] : memref<2x128xi32, #tpu.memory_space<vmem>> -> memref<1x128xi32, #tpu.memory_space<vmem>>
      %dma_wait3A_132 = tpu.memref_squeeze %dma_wait3A_131 : memref<1x128xi32, #tpu.memory_space<vmem>> -> memref<128xi32, #tpu.memory_space<vmem>>
      %dma_wait3A_133 = arith.constant 0 : i32
      %dma_wait3A_134 = arith.constant 0 : i32
      %dma_wait3A_135 = tpu.memref_slice %arg11[%dma_wait3A_133, %dma_wait3A_134] : memref<10240x128xf32, #tpu.memory_space<vmem_shared>> -> memref<10240x128xf32, #tpu.memory_space<vmem_shared>>
      tpu.wait_indirect_dma semaphore(%arg22 : memref<!tpu.dma_semaphore, #tpu.memory_space<semaphore_mem>>) src(%arg9 : memref<128x128xf32, #tpu.memory_space<vmem>>) dst(%dma_wait3A_135 : memref<10240x128xf32, #tpu.memory_space<vmem_shared>>)
    } else {
    }
    %sub3A_119 = arith.constant 1 : i32
    %sub3A_120 = arith.subi %add3A_4, %sub3A_119 : i32
    %rem3A_121 = arith.constant 2 : i32
    %rem3A_122 = arith.remsi %sub3A_120, %rem3A_121 : i32
    %eq3A_123 = arith.constant 1 : i32
    %eq3A_124 = arith.cmpi eq, %rem3A_122, %eq3A_123 : i32
    %convert_element_type3A_125 = arith.extui %eq3A_124 : i1 to i32
    %cond3A_126 = arith.constant 0 : i32
    %cond3A_127 = arith.cmpi ne, %convert_element_type3A_125, %cond3A_126 : i32
    scf.if %cond3A_127 {
      %dma_wait3A_129 = arith.constant 1 : i32
      %dma_wait3A_130 = arith.constant 0 : i32
      %dma_wait3A_131 = tpu.memref_slice %arg8[%dma_wait3A_129, %dma_wait3A_130] : memref<2x128xi32, #tpu.memory_space<vmem>> -> memref<1x128xi32, #tpu.memory_space<vmem>>
      %dma_wait3A_132 = tpu.memref_squeeze %dma_wait3A_131 : memref<1x128xi32, #tpu.memory_space<vmem>> -> memref<128xi32, #tpu.memory_space<vmem>>
      %dma_wait3A_133 = arith.constant 0 : i32
      %dma_wait3A_134 = arith.constant 0 : i32
      %dma_wait3A_135 = tpu.memref_slice %arg11[%dma_wait3A_133, %dma_wait3A_134] : memref<10240x128xf32, #tpu.memory_space<vmem_shared>> -> memref<10240x128xf32, #tpu.memory_space<vmem_shared>>
      tpu.wait_indirect_dma semaphore(%arg23 : memref<!tpu.dma_semaphore, #tpu.memory_space<semaphore_mem>>) src(%arg10 : memref<128x128xf32, #tpu.memory_space<vmem>>) dst(%dma_wait3A_135 : memref<10240x128xf32, #tpu.memory_space<vmem_shared>>)
    } else {
    }
    %barrier3A_128 = arith.constant 0 : index
    tpu.barrier barrier_id(%barrier3A_128)
    "tpu.region"() ({
      %run_scoped3A_129 = tpu.sem_alloc : memref<!tpu.dma_semaphore, #tpu.memory_space<semaphore_mem>>
      %dma_start3A_130 = arith.constant 0 : i32
      %dma_start3A_131 = tpu.memref_slice %arg5[%arg0, %mul3A_16, %dma_start3A_130] : memref<2x10240x128xf32, #tpu.memory_space<hbm>> -> memref<1x640x128xf32, #tpu.memory_space<hbm>>
      %dma_start3A_132 = tpu.memref_squeeze %dma_start3A_131 : memref<1x640x128xf32, #tpu.memory_space<hbm>> -> memref<640x128xf32, #tpu.memory_space<hbm>>
      %dma_start3A_133 = arith.constant 0 : i32
      %dma_start3A_134 = tpu.memref_slice %arg11[%mul3A_16, %dma_start3A_133] : memref<10240x128xf32, #tpu.memory_space<vmem_shared>> -> memref<640x128xf32, #tpu.memory_space<vmem_shared>>
      tpu.enqueue_dma source(%dma_start3A_134 : memref<640x128xf32, #tpu.memory_space<vmem_shared>>) target(%dma_start3A_132 : memref<640x128xf32, #tpu.memory_space<hbm>>) target_semaphore(%run_scoped3A_129 : memref<!tpu.dma_semaphore, #tpu.memory_space<semaphore_mem>>)
      %dma_wait3A_135 = arith.constant 0 : i32
      %dma_wait3A_136 = tpu.memref_slice %arg5[%arg0, %mul3A_16, %dma_wait3A_135] : memref<2x10240x128xf32, #tpu.memory_space<hbm>> -> memref<1x640x128xf32, #tpu.memory_space<hbm>>
      %dma_wait3A_137 = tpu.memref_squeeze %dma_wait3A_136 : memref<1x640x128xf32, #tpu.memory_space<hbm>> -> memref<640x128xf32, #tpu.memory_space<hbm>>
      %dma_wait3A_138 = arith.constant 0 : i32
      %dma_wait3A_139 = tpu.memref_slice %arg11[%mul3A_16, %dma_wait3A_138] : memref<10240x128xf32, #tpu.memory_space<vmem_shared>> -> memref<640x128xf32, #tpu.memory_space<vmem_shared>>
      tpu.wait_dma2 semaphore(%run_scoped3A_129 : memref<!tpu.dma_semaphore, #tpu.memory_space<semaphore_mem>>) src(%dma_wait3A_139 : memref<640x128xf32, #tpu.memory_space<vmem_shared>>) dst(%dma_wait3A_137 : memref<640x128xf32, #tpu.memory_space<hbm>>)
      tpu.yield
    }) : () -> ()
    return
  }
}

module attributes {stable_mosaic.version = 14 : i64} {
  func.func @_split_body(%arg0: memref<2x320000xi32, #tpu.memory_space<vmem>>, %arg1: memref<320000xi32, #tpu.memory_space<vmem>>, %arg2: memref<320000xi32, #tpu.memory_space<vmem>>) attributes {dimension_semantics = [], scalar_prefetch = 0 : i64, scratch_operands = 0 : i64, tpu.core_type = #tpu.core_type<tc>} {
    %get3A = arith.constant 0 : index
    %get3A_0 = arith.constant 0 : index
    %get3A_1 = vector.load %arg0[%get3A, %get3A_0] : memref<2x320000xi32, #tpu.memory_space<vmem>>, vector<1x320000xi32>
    %get3A_2 = vector.shape_cast %get3A_1 : vector<1x320000xi32> to vector<320000xi32>
    %swap3A = arith.constant 0 : index
    %swap3A_3 = vector.load %arg1[%swap3A] : memref<320000xi32, #tpu.memory_space<vmem>>, vector<320000xi32>
    tpu.vector_store %arg1[%swap3A], %get3A_2 {strides = array<i32>} : memref<320000xi32, #tpu.memory_space<vmem>>, vector<320000xi32>,
    %get3A_4 = arith.constant 1 : index
    %get3A_5 = arith.constant 0 : index
    %get3A_6 = vector.load %arg0[%get3A_4, %get3A_5] : memref<2x320000xi32, #tpu.memory_space<vmem>>, vector<1x320000xi32>
    %get3A_7 = vector.shape_cast %get3A_6 : vector<1x320000xi32> to vector<320000xi32>
    %swap3A_8 = arith.constant 0 : index
    %swap3A_9 = vector.load %arg2[%swap3A_8] : memref<320000xi32, #tpu.memory_space<vmem>>, vector<320000xi32>
    tpu.vector_store %arg2[%swap3A_8], %get3A_7 {strides = array<i32>} : memref<320000xi32, #tpu.memory_space<vmem>>, vector<320000xi32>,
    return
  }
}

module attributes {stable_mosaic.version = 14 : i64} {
  func.func @_dense_body(%arg0: i32, %arg1: memref<2x2000x128xf32, #tpu.memory_space<vmem>>, %arg2: memref<2x2000x128xf32, #tpu.memory_space<vmem>>, %arg3: memref<2000x128xf32, #tpu.memory_space<vmem>>, %arg4: memref<128x128xf32, #tpu.memory_space<vmem>>, %arg5: memref<128x128xf32, #tpu.memory_space<vmem>>, %arg6: memref<1x128xf32, #tpu.memory_space<vmem>>, %arg7: memref<2000x128xf32, #tpu.memory_space<vmem>>) attributes {dimension_semantics = [#tpu.dimension_semantics<arbitrary>], iteration_bounds = array<i64: 5>, scalar_prefetch = 0 : i64, scratch_operands = 0 : i64, tpu.core_type = #tpu.core_type<tc>, window_params = [{transform_indices = @transform_0, window_bounds = array<i64: 2, 2000, 128>}, {transform_indices = @transform_1, window_bounds = array<i64: 2, 2000, 128>}, {transform_indices = @transform_2, window_bounds = array<i64: 2000, 128>}, {pipeline_mode = #tpu.pipeline_mode<synchronous>, transform_indices = @transform_3, window_bounds = array<i64: 128, 128>}, {pipeline_mode = #tpu.pipeline_mode<synchronous>, transform_indices = @transform_4, window_bounds = array<i64: 128, 128>}, {pipeline_mode = #tpu.pipeline_mode<synchronous>, transform_indices = @transform_5, window_bounds = array<i64: 1, 128>}, {transform_indices = @transform_6, window_bounds = array<i64: 2000, 128>}]} {
    %get3A = arith.constant 0 : index
    %get3A_0 = arith.constant 0 : index
    %get3A_1 = arith.constant 0 : index
    %get3A_2 = vector.load %arg1[%get3A, %get3A_0, %get3A_1] : memref<2x2000x128xf32, #tpu.memory_space<vmem>>, vector<1x2000x128xf32>
    %get3A_3 = vector.shape_cast %get3A_2 : vector<1x2000x128xf32> to vector<2000x128xf32>
    %get3A_4 = arith.constant 1 : index
    %get3A_5 = arith.constant 0 : index
    %get3A_6 = arith.constant 0 : index
    %get3A_7 = vector.load %arg1[%get3A_4, %get3A_5, %get3A_6] : memref<2x2000x128xf32, #tpu.memory_space<vmem>>, vector<1x2000x128xf32>
    %get3A_8 = vector.shape_cast %get3A_7 : vector<1x2000x128xf32> to vector<2000x128xf32>
    %add3A = arith.addf %get3A_3, %get3A_8 : vector<2000x128xf32>
    %get3A_9 = arith.constant 0 : index
    %get3A_10 = arith.constant 0 : index
    %get3A_11 = arith.constant 0 : index
    %get3A_12 = vector.load %arg2[%get3A_9, %get3A_10, %get3A_11] : memref<2x2000x128xf32, #tpu.memory_space<vmem>>, vector<1x2000x1xf32>
    %get3A_13 = vector.shape_cast %get3A_12 : vector<1x2000x1xf32> to vector<2000x1xf32>
    %get3A_14 = arith.constant 1 : index
    %get3A_15 = arith.constant 0 : index
    %get3A_16 = arith.constant 0 : index
    %get3A_17 = vector.load %arg2[%get3A_14, %get3A_15, %get3A_16] : memref<2x2000x128xf32, #tpu.memory_space<vmem>>, vector<1x2000x1xf32>
    %get3A_18 = vector.shape_cast %get3A_17 : vector<1x2000x1xf32> to vector<2000x1xf32>
    %add3A_19 = arith.addf %get3A_13, %get3A_18 : vector<2000x1xf32>
    %max3A = arith.constant 1.000000e+00 : f32
    %max3A_20 = vector.broadcast %max3A : f32 to vector<2000x1xf32>
    %max3A_21 = arith.maximumf %add3A_19, %max3A_20 : vector<2000x1xf32>
    %div3A = vector.broadcast %max3A_21 : vector<2000x1xf32> to vector<2000x128xf32>
    %div3A_22 = arith.divf %add3A, %div3A : vector<2000x128xf32>
    %get3A_23 = arith.constant 0 : index
    %get3A_24 = arith.constant 0 : index
    %get3A_25 = vector.load %arg4[%get3A_23, %get3A_24] : memref<128x128xf32, #tpu.memory_space<vmem>>, vector<128x128xf32>
    %dot_general3A = arith.constant dense<0.000000e+00> : vector<2000x128xf32>
    %dot_general3A_26 = tpu.matmul %div3A_22, %get3A_25, %dot_general3A {dimension_numbers = #tpu.dot_dimension_numbers<[1], [0], [0], [1], [0, 0, 1, 1], [], []>, transpose_lhs_hint = false} : vector<2000x128xf32>, vector<128x128xf32>, vector<2000x128xf32> -> vector<2000x128xf32>
    %get3A_27 = arith.constant 0 : index
    %get3A_28 = arith.constant 0 : index
    %get3A_29 = vector.load %arg3[%get3A_27, %get3A_28] : memref<2000x128xf32, #tpu.memory_space<vmem>>, vector<2000x128xf32>
    %get3A_30 = arith.constant 0 : index
    %get3A_31 = arith.constant 0 : index
    %get3A_32 = vector.load %arg5[%get3A_30, %get3A_31] : memref<128x128xf32, #tpu.memory_space<vmem>>, vector<128x128xf32>
    %dot_general3A_33 = arith.constant dense<0.000000e+00> : vector<2000x128xf32>
    %dot_general3A_34 = tpu.matmul %get3A_29, %get3A_32, %dot_general3A_33 {dimension_numbers = #tpu.dot_dimension_numbers<[1], [0], [0], [1], [0, 0, 1, 1], [], []>, transpose_lhs_hint = false} : vector<2000x128xf32>, vector<128x128xf32>, vector<2000x128xf32> -> vector<2000x128xf32>
    %add3A_35 = arith.addf %dot_general3A_26, %dot_general3A_34 : vector<2000x128xf32>
    %get3A_36 = arith.constant 0 : index
    %get3A_37 = arith.constant 0 : index
    %get3A_38 = vector.load %arg6[%get3A_36, %get3A_37] : memref<1x128xf32, #tpu.memory_space<vmem>>, vector<1x128xf32>
    %add3A_39 = vector.broadcast %get3A_38 : vector<1x128xf32> to vector<2000x128xf32>
    %add3A_40 = arith.addf %add3A_35, %add3A_39 : vector<2000x128xf32>
    %max3A_41 = arith.constant 0.000000e+00 : f32
    %max3A_42 = vector.broadcast %max3A_41 : f32 to vector<2000x128xf32>
    %max3A_43 = arith.maximumf %add3A_40, %max3A_42 : vector<2000x128xf32>
    %swap3A = arith.constant 0 : index
    %swap3A_44 = arith.constant 0 : index
    %swap3A_45 = vector.load %arg7[%swap3A, %swap3A_44] : memref<2000x128xf32, #tpu.memory_space<vmem>>, vector<2000x128xf32>
    tpu.vector_store %arg7[%swap3A, %swap3A_44], %max3A_43 {strides = array<i32>} : memref<2000x128xf32, #tpu.memory_space<vmem>>, vector<2000x128xf32>,
    return
  }
  func.func @transform_0(%arg0: i32) -> (i32, i32, i32) {
    %c0_i32 = arith.constant 0 : i32
    %c0_i32_0 = arith.constant 0 : i32
    %c0_i32_1 = arith.constant 0 : i32
    return %c0_i32, %arg0, %c0_i32_0 : i32, i32, i32
  }
  func.func @transform_1(%arg0: i32) -> (i32, i32, i32) {
    %c0_i32 = arith.constant 0 : i32
    %c0_i32_0 = arith.constant 0 : i32
    %c0_i32_1 = arith.constant 0 : i32
    return %c0_i32, %arg0, %c0_i32_0 : i32, i32, i32
  }
  func.func @transform_2(%arg0: i32) -> (i32, i32) {
    %c0_i32 = arith.constant 0 : i32
    %c0_i32_0 = arith.constant 0 : i32
    return %arg0, %c0_i32 : i32, i32
  }
  func.func @transform_3(%arg0: i32) -> (i32, i32) {
    %c0_i32 = arith.constant 0 : i32
    %c0_i32_0 = arith.constant 0 : i32
    %c0_i32_1 = arith.constant 0 : i32
    return %c0_i32, %c0_i32_0 : i32, i32
  }
  func.func @transform_4(%arg0: i32) -> (i32, i32) {
    %c0_i32 = arith.constant 0 : i32
    %c0_i32_0 = arith.constant 0 : i32
    %c0_i32_1 = arith.constant 0 : i32
    return %c0_i32, %c0_i32_0 : i32, i32
  }
  func.func @transform_5(%arg0: i32) -> (i32, i32) {
    %c0_i32 = arith.constant 0 : i32
    %c0_i32_0 = arith.constant 0 : i32
    %c0_i32_1 = arith.constant 0 : i32
    return %c0_i32, %c0_i32_0 : i32, i32
  }
  func.func @transform_6(%arg0: i32) -> (i32, i32) {
    %c0_i32 = arith.constant 0 : i32
    %c0_i32_0 = arith.constant 0 : i32
    return %arg0, %c0_i32 : i32, i32
  }
}

module attributes {stable_mosaic.version = 14 : i64} {
  func.func @_dense_body(%arg0: i32, %arg1: memref<2x2000x128xf32, #tpu.memory_space<vmem>>, %arg2: memref<2x2000x128xf32, #tpu.memory_space<vmem>>, %arg3: memref<2000x128xf32, #tpu.memory_space<vmem>>, %arg4: memref<128x128xf32, #tpu.memory_space<vmem>>, %arg5: memref<128x128xf32, #tpu.memory_space<vmem>>, %arg6: memref<1x128xf32, #tpu.memory_space<vmem>>, %arg7: memref<2000x128xf32, #tpu.memory_space<vmem>>) attributes {dimension_semantics = [#tpu.dimension_semantics<arbitrary>], iteration_bounds = array<i64: 5>, scalar_prefetch = 0 : i64, scratch_operands = 0 : i64, tpu.core_type = #tpu.core_type<tc>, window_params = [{transform_indices = @transform_0, window_bounds = array<i64: 2, 2000, 128>}, {transform_indices = @transform_1, window_bounds = array<i64: 2, 2000, 128>}, {transform_indices = @transform_2, window_bounds = array<i64: 2000, 128>}, {pipeline_mode = #tpu.pipeline_mode<synchronous>, transform_indices = @transform_3, window_bounds = array<i64: 128, 128>}, {pipeline_mode = #tpu.pipeline_mode<synchronous>, transform_indices = @transform_4, window_bounds = array<i64: 128, 128>}, {pipeline_mode = #tpu.pipeline_mode<synchronous>, transform_indices = @transform_5, window_bounds = array<i64: 1, 128>}, {transform_indices = @transform_6, window_bounds = array<i64: 2000, 128>}]} {
    %get3A = arith.constant 0 : index
    %get3A_0 = arith.constant 0 : index
    %get3A_1 = arith.constant 0 : index
    %get3A_2 = vector.load %arg1[%get3A, %get3A_0, %get3A_1] : memref<2x2000x128xf32, #tpu.memory_space<vmem>>, vector<1x2000x128xf32>
    %get3A_3 = vector.shape_cast %get3A_2 : vector<1x2000x128xf32> to vector<2000x128xf32>
    %get3A_4 = arith.constant 1 : index
    %get3A_5 = arith.constant 0 : index
    %get3A_6 = arith.constant 0 : index
    %get3A_7 = vector.load %arg1[%get3A_4, %get3A_5, %get3A_6] : memref<2x2000x128xf32, #tpu.memory_space<vmem>>, vector<1x2000x128xf32>
    %get3A_8 = vector.shape_cast %get3A_7 : vector<1x2000x128xf32> to vector<2000x128xf32>
    %add3A = arith.addf %get3A_3, %get3A_8 : vector<2000x128xf32>
    %get3A_9 = arith.constant 0 : index
    %get3A_10 = arith.constant 0 : index
    %get3A_11 = arith.constant 0 : index
    %get3A_12 = vector.load %arg2[%get3A_9, %get3A_10, %get3A_11] : memref<2x2000x128xf32, #tpu.memory_space<vmem>>, vector<1x2000x1xf32>
    %get3A_13 = vector.shape_cast %get3A_12 : vector<1x2000x1xf32> to vector<2000x1xf32>
    %get3A_14 = arith.constant 1 : index
    %get3A_15 = arith.constant 0 : index
    %get3A_16 = arith.constant 0 : index
    %get3A_17 = vector.load %arg2[%get3A_14, %get3A_15, %get3A_16] : memref<2x2000x128xf32, #tpu.memory_space<vmem>>, vector<1x2000x1xf32>
    %get3A_18 = vector.shape_cast %get3A_17 : vector<1x2000x1xf32> to vector<2000x1xf32>
    %add3A_19 = arith.addf %get3A_13, %get3A_18 : vector<2000x1xf32>
    %max3A = arith.constant 1.000000e+00 : f32
    %max3A_20 = vector.broadcast %max3A : f32 to vector<2000x1xf32>
    %max3A_21 = arith.maximumf %add3A_19, %max3A_20 : vector<2000x1xf32>
    %div3A = vector.broadcast %max3A_21 : vector<2000x1xf32> to vector<2000x128xf32>
    %div3A_22 = arith.divf %add3A, %div3A : vector<2000x128xf32>
    %get3A_23 = arith.constant 0 : index
    %get3A_24 = arith.constant 0 : index
    %get3A_25 = vector.load %arg4[%get3A_23, %get3A_24] : memref<128x128xf32, #tpu.memory_space<vmem>>, vector<128x128xf32>
    %dot_general3A = arith.constant dense<0.000000e+00> : vector<2000x128xf32>
    %dot_general3A_26 = tpu.matmul %div3A_22, %get3A_25, %dot_general3A {dimension_numbers = #tpu.dot_dimension_numbers<[1], [0], [0], [1], [0, 0, 1, 1], [], []>, transpose_lhs_hint = false} : vector<2000x128xf32>, vector<128x128xf32>, vector<2000x128xf32> -> vector<2000x128xf32>
    %get3A_27 = arith.constant 0 : index
    %get3A_28 = arith.constant 0 : index
    %get3A_29 = vector.load %arg3[%get3A_27, %get3A_28] : memref<2000x128xf32, #tpu.memory_space<vmem>>, vector<2000x128xf32>
    %get3A_30 = arith.constant 0 : index
    %get3A_31 = arith.constant 0 : index
    %get3A_32 = vector.load %arg5[%get3A_30, %get3A_31] : memref<128x128xf32, #tpu.memory_space<vmem>>, vector<128x128xf32>
    %dot_general3A_33 = arith.constant dense<0.000000e+00> : vector<2000x128xf32>
    %dot_general3A_34 = tpu.matmul %get3A_29, %get3A_32, %dot_general3A_33 {dimension_numbers = #tpu.dot_dimension_numbers<[1], [0], [0], [1], [0, 0, 1, 1], [], []>, transpose_lhs_hint = false} : vector<2000x128xf32>, vector<128x128xf32>, vector<2000x128xf32> -> vector<2000x128xf32>
    %add3A_35 = arith.addf %dot_general3A_26, %dot_general3A_34 : vector<2000x128xf32>
    %get3A_36 = arith.constant 0 : index
    %get3A_37 = arith.constant 0 : index
    %get3A_38 = vector.load %arg6[%get3A_36, %get3A_37] : memref<1x128xf32, #tpu.memory_space<vmem>>, vector<1x128xf32>
    %add3A_39 = vector.broadcast %get3A_38 : vector<1x128xf32> to vector<2000x128xf32>
    %add3A_40 = arith.addf %add3A_35, %add3A_39 : vector<2000x128xf32>
    %swap3A = arith.constant 0 : index
    %swap3A_41 = arith.constant 0 : index
    %swap3A_42 = vector.load %arg7[%swap3A, %swap3A_41] : memref<2000x128xf32, #tpu.memory_space<vmem>>, vector<2000x128xf32>
    tpu.vector_store %arg7[%swap3A, %swap3A_41], %add3A_40 {strides = array<i32>} : memref<2000x128xf32, #tpu.memory_space<vmem>>, vector<2000x128xf32>,
    return
  }
  func.func @transform_0(%arg0: i32) -> (i32, i32, i32) {
    %c0_i32 = arith.constant 0 : i32
    %c0_i32_0 = arith.constant 0 : i32
    %c0_i32_1 = arith.constant 0 : i32
    return %c0_i32, %arg0, %c0_i32_0 : i32, i32, i32
  }
  func.func @transform_1(%arg0: i32) -> (i32, i32, i32) {
    %c0_i32 = arith.constant 0 : i32
    %c0_i32_0 = arith.constant 0 : i32
    %c0_i32_1 = arith.constant 0 : i32
    return %c0_i32, %arg0, %c0_i32_0 : i32, i32, i32
  }
  func.func @transform_2(%arg0: i32) -> (i32, i32) {
    %c0_i32 = arith.constant 0 : i32
    %c0_i32_0 = arith.constant 0 : i32
    return %arg0, %c0_i32 : i32, i32
  }
  func.func @transform_3(%arg0: i32) -> (i32, i32) {
    %c0_i32 = arith.constant 0 : i32
    %c0_i32_0 = arith.constant 0 : i32
    %c0_i32_1 = arith.constant 0 : i32
    return %c0_i32, %c0_i32_0 : i32, i32
  }
  func.func @transform_4(%arg0: i32) -> (i32, i32) {
    %c0_i32 = arith.constant 0 : i32
    %c0_i32_0 = arith.constant 0 : i32
    %c0_i32_1 = arith.constant 0 : i32
    return %c0_i32, %c0_i32_0 : i32, i32
  }
  func.func @transform_5(%arg0: i32) -> (i32, i32) {
    %c0_i32 = arith.constant 0 : i32
    %c0_i32_0 = arith.constant 0 : i32
    %c0_i32_1 = arith.constant 0 : i32
    return %c0_i32, %c0_i32_0 : i32, i32
  }
  func.func @transform_6(%arg0: i32) -> (i32, i32) {
    %c0_i32 = arith.constant 0 : i32
    %c0_i32_0 = arith.constant 0 : i32
    return %arg0, %c0_i32 : i32, i32
  }
}

</mosaic_0001>

<sc_bundles>
// kernel: kernel.10.cloned.1.call-start
scs
__scs_entry_jumppad:
0x0: {  	(pc) =	sbr.rel $0x88, $3  }
0x1: {  	(tag) =	ssettag $0x0;
	lr =	simm.s32 $0x1  }
0x2: {  	[smem:$0x3F99] =	sst lr;
	_ =	strace $0xD0000000  }
0x3: {  	_ = 	snop  }
0x4: {  	_ = 	snop  }
0x5: {  	_ = 	snop  }
0x6: {  	_ = 	snop  }
0x7: {  	_ = 	snop  }
__scs_overlays_trampoline_lowered:
0x8: {  	[smem:$0x3FA8] =	sst s0  }
0x9: {  	[smem:$0x3FA9] =	sst s1  }
0xa: {  	[smem:$0x3FAA] =	sst s2  }
0xb: {  	[smem:$0x3FAB] =	sst s3  }
0xc: {  	[smem:$0x3FAC] =	sst s4  }
0xd: {  	[smem:$0x3FAD] =	sst s5  }
0xe: {  	[smem:$0x3FAE] =	sst s6  }
0xf: {  	[smem:$0x3FAF] =	sst s7  }
0x10: {  	[smem:$0x3FB0] =	sst s8  }
0x11: {  	[smem:$0x3FB1] =	sst s9;
	s0 =	simm.s32 @!p0 $0x0  }
0x12: {  	s1 =	sld [smem:$0x3F97];
	s0 =	simm.s32 @p0 $0x1  }
0x13: {  	[smem:$0x3FB2] =	sst s0;
	s0 =	simm.s32 @!p1 $0x0  }
0x14: {  	s2 =	sld [smem:$0x3F96];
	s0 =	simm.s32 @p1 $0x1  }
0x15: {  	[smem:$0x3FB3] =	sst s0;
	s0 =	simm.s32 @!p2 $0x0  }
0x16: {  	s3 =	sld [smem:$0x3FDB];
	s0 =	simm.s32 @p2 $0x1  }
0x17: {  	s4 =	simm.s32 $0x1BF5;
	[smem:$0x3FB5] =	sst s0  }
0x18: {  	s0 =	sld [smem:$0x3F98];
	_ =	swait.ge [sflag:s4], $0x0  }
0x19: {  	s7 =	sld [smem:$0x3F99]  }
0x1a: {  	s8 =	sadd.s32 $0xFFFFE003, lr  }
0x1b: {  	s9 =	sadd.s32 $0xFFFFFEF7, lr;
	s5 =	simm.s32 $0xFFFFFFFF;
	p2 =	slt.u32 s8, $0xFFFFF086  }
0x1c: {  	p1 =	slt.u32 s9, $0xF7A;
	s5 =	simm.s32 @!p2 $0x0  }
0x1d: {  	s5 =	simm.s32 @p1 $0x1;
	p0 =	seq.s32 s7, s2  }
0x1e: {  	s7 =	smul.u32 @!p0 $0xF7A, s2;
	p2 =	seq.s32 @!p0 s5, $0x0  }
0x1f: {  	s9 =	smul.u32 $0xF7A, s1;
	s8 =	simm.s32 @!p0 $0x1BF5;
	p2 =	por !p2, p0  }
0x20: {  	[sflag:s8] =	ssyncset.s32 @!p0 $0xFFFFF086;
	s6 =	sadd.s32 @!p0 s3, s7;
	s7 =	simm.s32 @!p0 $0x108  }
0x21: {  	s3 =	sadd.s32 s3, s9;
	s6 =	sadd.s32 @!p0 $0x88, s6;
	s7 =	simm.s32 @p2 $0x1082  }
0x22: {  	[simem:s7], [sflag:s8] =	dma.local @!p0 [hbm:s6], $0xF7A  }
0x23: {  	s9 =	sor.u32 $0xD0000000, s2;
	s6 =	simm.s32 $0x108;
	_ =	swait.ge @!p0 [sflag:s8], $0x0  }
0x24: {  	s3 =	sadd.s32 $0x88, s3;
	s6 =	simm.s32 @!p1 $0x1082;
	[sflag:s4] =	ssyncset.s32 $0xFFFFF086  }
0x25: {  	[simem:s6], [sflag:s4] =	dma.local [hbm:s3], $0xF7A  }
0x26: {  	[smem:$0x3F99] =	sst s1;
	(tag) =	ssettag s2;
	_ =	strace s9  }
0x27: {  	s1 =	sld [smem:$0x3FA9]  }
0x28: {  	s2 =	sld [smem:$0x3FAA]  }
0x29: {  	s4 =	sld [smem:$0x3FAC]  }
0x2a: {  	p0 =	seq.s32 s5, $0x0;
	s5 =	sld [smem:$0x3FAD]  }
0x2b: {  	s6 =	sld [smem:$0x3FAE]  }
0x2c: {  	s7 =	sld [smem:$0x3FAF]  }
0x2d: {  	s3 =	simm.s32 $0x108;
	s8 =	sld [smem:$0x3FB0]  }
0x2e: {  	s3 =	simm.s32 @!p0 $0x1082;
	s9 =	sld [smem:$0x3FB1]  }
0x2f: {  	lr =	sadd.s32 s0, s3;
	s0 =	sld [smem:$0x3FA8]  }
0x30: {  	s3 =	sld [smem:$0x3FAB]  }
0x31: {  	[smem:$0x3FB4] =	sst s10  }
0x32: {  	s10 =	sld [smem:$0x3FB2];
	_ =	sdelay $0x3  }
0x33: {  	p0 =	seq.s32 s10, $0x1;
	s10 =	sld [smem:$0x3FB4];
	_ =	sdelay $0x3  }
0x34: {  	[smem:$0x3FB4] =	sst s10  }
0x35: {  	s10 =	sld [smem:$0x3FB3];
	_ =	sdelay $0x3  }
0x36: {  	p1 =	seq.s32 s10, $0x1;
	s10 =	sld [smem:$0x3FB4];
	_ =	sdelay $0x3  }
0x37: {  	[smem:$0x3FB4] =	sst s10  }
0x38: {  	s10 =	sld [smem:$0x3FB5]  }
0x39: {  	_ = 	snop;
	(pc) =	sbr.ind lr, $3  }
0x3a: {  	_ = 	snop  }
0x3b: {  	_ = 	snop  }
0x3c: {  	p2 =	seq.s32 s10, $0x1;
	s10 =	sld [smem:$0x3FB4]  }
0x3d: {  	_ =	shalt  }
0x3e: {  	_ =	shalt  }
0x3f: {  	_ =	shalt  }
0x40: {  	_ =	shalt  }
0x41: {  	_ =	shalt  }
0x42: {  	_ =	shalt  }
0x43: {  	_ =	shalt  }
0x44: {  	_ =	shalt  }
0x45: {  	_ =	shalt  }
0x46: {  	_ =	shalt  }
0x47: {  	_ =	shalt  }
0x48: {  	_ =	shalt  }
0x49: {  	_ =	shalt  }
0x4a: {  	_ =	shalt  }
0x4b: {  	_ =	shalt  }
0x4c: {  	_ =	shalt  }
0x4d: {  	_ =	shalt  }
0x4e: {  	_ =	shalt  }
0x4f: {  	_ =	shalt  }
0x50: {  	_ =	shalt  }
0x51: {  	_ =	shalt  }
0x52: {  	_ =	shalt  }
0x53: {  	_ =	shalt  }
0x54: {  	_ =	shalt  }
0x55: {  	_ =	shalt  }
0x56: {  	_ =	shalt  }
0x57: {  	_ =	shalt  }
0x58: {  	_ =	shalt  }
0x59: {  	_ =	shalt  }
0x5a: {  	_ =	shalt  }
0x5b: {  	_ =	shalt  }
0x5c: {  	_ =	shalt  }
0x5d: {  	_ =	shalt  }
0x5e: {  	_ =	shalt  }
0x5f: {  	_ =	shalt  }
0x60: {  	_ =	shalt  }
0x61: {  	_ =	shalt  }
0x62: {  	_ =	shalt  }
0x63: {  	_ =	shalt  }
0x64: {  	_ =	shalt  }
0x65: {  	_ =	shalt  }
0x66: {  	_ =	shalt  }
0x67: {  	_ =	shalt  }
0x68: {  	_ =	shalt  }
0x69: {  	_ =	shalt  }
0x6a: {  	_ =	shalt  }
0x6b: {  	_ =	shalt  }
0x6c: {  	_ =	shalt  }
0x6d: {  	_ =	shalt  }
0x6e: {  	_ =	shalt  }
0x6f: {  	_ =	shalt  }
0x70: {  	_ =	shalt  }
0x71: {  	_ =	shalt  }
0x72: {  	_ =	shalt  }
0x73: {  	_ =	shalt  }
0x74: {  	_ =	shalt  }
0x75: {  	_ =	shalt  }
0x76: {  	_ =	shalt  }
0x77: {  	_ =	shalt  }
0x78: {  	_ =	shalt  }
0x79: {  	_ =	shalt  }
0x7a: {  	_ =	shalt  }
0x7b: {  	_ =	shalt  }
0x7c: {  	_ =	shalt  }
0x7d: {  	_ =	shalt  }
0x7e: {  	_ =	shalt  }
0x7f: {  	_ =	shalt  }
0x80: {  	_ =	shalt  }
0x81: {  	_ =	shalt  }
0x82: {  	_ =	shalt  }
0x83: {  	_ =	shalt  }
0x84: {  	_ =	shalt  }
0x85: {  	_ =	shalt  }
0x86: {  	_ =	shalt  }
0x87: {  	_ =	shalt  }
.Lfunc_end0:
.L_simem_size_0:
called_computation.1_lowered:
.L_overlay_start_0:
0x88: {  	s2 =	sld [smem:$0x3FD9]  }
0x89: {  	s3 =	sld [smem:$0x3FFE];
	_ =	sdelay $0x1  }
0x8a: {  	s1 =	srdreg.scid  }
0x8b: {  	s0 =	sand.u32 $0x1, s1  }
0x8c: {  	s17 =	sshll.u32 s0, $0xA;
	s2 =	sadd.s32 s3, s2  }
0x8d: {  	s2 =	sadd.s32 s2, s17  }
0x8e: {  	[smem:$0x3FC0] =	sst s2  }
0x8f: {  	_ = 	snop  }
0x90: {  	s2 =	sld [smem:$0x3FD0];
	(tm) =	ssettm $0x1  }
0x91: {  	s18 =	sld [smem:$0x3FFB];
	_ =	sdelay $0x3  }
0x92: {  	_ =	strace s18  }
0x93: {  	s3 =	sld [smem:$0x3FFC];
	_ =	sdelay $0x3  }
0x94: {  	_ =	strace s3  }
0x95: {  	s3 =	sld [smem:$0x3FFD];
	_ =	sdelay $0x3  }
0x96: {  	_ =	strace s3  }
0x97: {  	_ =	strace $0x8FFFFFFF  }
0x98: {  	s19 =	sld [smem:$0x3FDB];
	_ =	sdelay $0x1  }
0x99: {  	s4 =	simm.s32 $_scs_section_size  }
0x9a: {  	s5 =	simm.s32 $_size__tile_overlayer_lowered;
	s6 =	simm.s32 $_tile_overlayer_lowered  }
0x9b: {  	s22 =	simm.s32 $0x1BFF;
	s21 =	sshll.u32 s6, $0x1;
	s3 =	sadd.s32 s4, s19  }
0x9c: {  	s7 =	simm.s32 $0x0;
	s20 =	sshll.u32 s5, $0x1;
	s5 =	sadd.s32 s21, s3  }
0x9d: {  	[timem:s7], [sflag:s22] =	dma.local [hbm:s5], s20  }
0x9e: {  	_ =	swait.ge [sflag:s22], s20  }
0x9f: {  	s4 =	ssub.s32 $0x0, s20;
	[sflag:s22] =	ssyncset.done $0x0  }
0xa0: {  	[sflag:s22] =	ssyncadd.s32 s4;
	_ =	sdelay $0x1  }
0xa1: {  	s23 =	simm.s32 $0x1B8B  }
0xa2: {  	_ =	swait.ge [sflag:s23], $0x1  }
0xa3: {  	[sflag:s23] =	ssyncset.done $0x0  }
0xa4: {  	s25 =	simm.s32 $0x1B8E;
	s24 =	sld [smem:$0x3FFE];
	[sflag:s23] =	ssyncadd.s32 $0xFFFFFFFF  }
0xa5: {  	s26 =	simm.s32 $execute0_lowered;
	[smem:$0x3FD2] =	sst s25  }
0xa6: {  	s5 =	sshll.u32 s26, $0x1;
	_ =	strace $0x80000049;
	[dreg:$0x1] =	wrdreg $0xFFFFFFFF  }
0xa7: {  	s28 =	simm.s32 $_size_execute0_lowered;
	s3 =	sadd.s32 s3, s5;
	[dreg:$0x0] =	wrdreg $0x0  }
0xa8: {  	s5 =	sshll.u32 s28, $0x1;
	[dreg:$0x2] =	wrdreg s3  }
0xa9: {  	[dreg:$0x3] =	wrdreg s5  }
0xaa: {  	[dreg:$0x4] =	wrdreg $0xC0  }
0xab: {  	_ =	task [dreg:s7], $0x5FFFF  }
0xac: {  	[dreg:$0x1] =	wrdreg $0xFFFFFFFF  }
0xad: {  	[dreg:$0x0] =	wrdreg $0x60  }
0xae: {  	[dreg:$0x2] =	wrdreg s2  }
0xaf: {  	[dreg:$0x3] =	wrdreg s24  }
0xb0: {  	[dreg:$0x4] =	wrdreg $0x82000  }
0xb1: {  	[dreg:$0x5] =	wrdreg $0x9  }
0xb2: {  	_ =	task.clear_ibuf [dreg:s7], $0x6FFFF;
	_ =	strace $0x90000049  }
0xb3: {  	s29 =	simm.s32 $0x9;
	_ =	strace $0x8000004B  }
0xb4: {  	_ =	swait.ge [sflag:s29], $0x1  }
0xb5: {  	[sflag:s29] =	ssyncadd.s32 $0xFFFFFFFF  }
0xb6: {  	_ =	strace $0x9000004B  }
0xb7: {  	_ =	sfence  }
0xb8: {  	s30 =	sld [smem:$0x0];
	_ =	sdelay $0x2  }
0xb9: {  	s31 =	sshll.u32 s1, $0xD;
	s1 =	sshrl.u32 s1, $0x2  }
0xba: {  	s3 =	sand.u32 $0x4000, s31;
	s1 =	sadd.s32 s1, s30  }
0xbb: {  	s0 =	sor.u32 s3, s0;
	s1 =	sshll.u32 s1, $0x11  }
0xbc: {  	s0 =	sor.u32 s1, s0  }
0xbd: {  	s0 =	sadd.s32 $0x8F2B, s0  }
0xbe: {  	[sflag:s0] =	ssyncadd.remote.s32 $0x1  }
0xbf: {  	_ =	sfence.sel $0xFFFF  }
0xc0: {  	[dreg:$0x0] =	wrdreg $0xFFFFFFFF;
	(pc) =	sbr.abs _section_cstart, $3  }
0xc1: {  	[dreg:$0x1] =	wrdreg $0xFFFFFFFF  }
0xc2: {  	_ =	task.clear_ibuf [dreg:s7], $0x2FFFF;
	_ =	strace $0x9FFFFFFF  }
0xc3: {  	(tm) =	ssettm $0x7FFFFFFF  }
tec
execute0_lowered:
.L_overlay_start_1:
0x0: {  	(tag) =	ssettag $0x1  }
0x1: {  	s1 =	rddreg [dreg:$0x0]  }
0x2: {  	s7 =	rddreg [dreg:$0x1]  }
0x3: {  	s2 =	srdreg.scid;
	s0 =	stileid.u32  }
0x4: {  	s3 =	rddreg [dreg:$0x2];
	s4 =	simm.s32 $0x0;
	s17 =	simm.s32 $0x9  }
0x5: {  	s19 =	simm.s32 $0x200;
	s20 =	simm.s32 $0xB;
	s21 =	simm.s32 $0xC  }
0x6: {  	s22 =	simm.s32 $0x100;
	s23 =	simm.s32 $0x40;
	s24 =	simm.s32 $0x2200  }
0x7: {  	s25 =	simm.s32 $0x0;
	s8 =	sand.u32 $0x1, s2;
	s9 =	smul.u32 $0x14000, s0  }
0x8: {  	[smem:$0x7FF] =	sst s4;
	s5 =	sadd.s32 $0x3400, s7;
	s30 =	smul.u32 $0x50000, s0  }
0x9: {  	s29 =	sshll.u32 s0, $0x1;
	p0 =	slt.u32 s0, $0x2;
	s6 =	smul.u32 $0x140000, s8  }
0xa: {  	_ =	strace $0x8000004A;
	s11 =	ssub.s32 $0x2, s8;
	s8 =	sor.u32 s8, s29  }
0xb: {  	s17 =	simm.s32 @!p0 $0xA;
	s28 =	sshrl.u32 s11, $0x1;
	s31 =	smul.u32 $0x4E, s8  }
0xc: {  	s8 =	smin.u32 s8, $0x4;
	s10 =	sadd.s32 s9, s6;
	s6 =	sadd.s32 $0xD200, s7  }
0xd: {  	s18 =	ssub.s32 s11, s28;
	s9 =	sadd.s32 s9, s3;
	s10 =	sshrl.u32 s10, $0x3  }
0xe: {  	s8 =	sadd.s32 s8, s31;
	s18 =	smax.u32 s18, $0x1;
	s16 =	sadd.s32 s10, s7  }
0xf: {  	s7 =	simm.s32 $0x4F;
	s10 =	sshrl.u32 s30, $0x2;
	s15 =	sshll.u32 s8, $0x4  }
0x10: {  	s7 =	simm.s32 @!p0 $0x4E;
	s13 =	sadd.s32 s10, s3;
	s14 =	sadd.s32 s5, s15  }
0x11: {  	s15 =	sadd.s32 s6, s15;
	s16 =	sadd.s32 $0xB7000, s16;
	s10 =	sadd.s32 $0x4000, s13  }
0x12: {  	v0 =	vimm.f32 $0.0e+00;
	s11 =	sadd.s32 $0x8000, s13;
	s12 =	sadd.s32 $0xC000, s13;
	s13 =	sadd.s32 $0x10000, s13  }
.LBB2_1:
0x13: {  	s28 =	sand.u32 $0xFFC0, s4  }
0x14: {  	s26 =	simm.s32 $0x40;
	s28 =	sshrl.u32 s28, $0x2  }
.LBB2_2:
0x15: {  	p0 =	sne.s32 s26, $0xFFC0;
	[tilespmem:s28+$0x200] =	vst v0;
	s28 =	smov.u32 s26;
	s26 =	sadd.s32 $0x40, s26  }
.Ltmp0:
0x16: {  	(pc) =	sbr.rel @p0 .LBB2_2-.Ltmp0, $3  }
0x17: {  	_ =	sdelay $0x1  }
0x18: {  	s28 =	sand.u32 $0xFFC0, s28  }
0x19: {  	s28 =	sshrl.u32 s28, $0x2  }
0x1a: {  	[tilespmem:s28+$0x200] =	vst v0  }
0x1b: {  	[spmem:s9] =	stream.linear.scatter [tilespmem:s19], [sflag:$0xB], $0x4000, $0x38;
	[tilespmem:$0x1C200] =	vst v63  }
0x1c: {  	_ = 	snop  }
0x1d: {  	[spmem:s10] =	stream.linear.scatter [tilespmem:s19], [sflag:$0xB], $0x4000, $0x38;
	[tilespmem:$0x1C200] =	vst v63  }
0x1e: {  	_ = 	snop  }
0x1f: {  	[spmem:s11] =	stream.linear.scatter [tilespmem:s19], [sflag:$0xB], $0x4000, $0x38;
	[tilespmem:$0x1C200] =	vst v63  }
0x20: {  	_ = 	snop  }
0x21: {  	[spmem:s12] =	stream.linear.scatter [tilespmem:s19], [sflag:$0xB], $0x4000, $0x38;
	[tilespmem:$0x1C200] =	vst v63  }
0x22: {  	_ = 	snop  }
0x23: {  	[spmem:s13] =	stream.linear.scatter [tilespmem:s19], [sflag:$0xB], $0x4000, $0x38;
	[tilespmem:$0x1C200] =	vst v63  }
0x24: {  	_ =	swait.ge [sflag:s20], $0x4000  }
0x25: {  	[sflag:s20] =	ssyncset.done $0x0  }
0x26: {  	[sflag:s20] =	ssyncadd.s32 $0xFFFFC000  }
0x27: {  	_ =	swait.ge [sflag:s20], $0x4000  }
0x28: {  	[sflag:s20] =	ssyncset.done $0x0  }
0x29: {  	[sflag:s20] =	ssyncadd.s32 $0xFFFFC000  }
0x2a: {  	_ =	swait.ge [sflag:s20], $0x4000  }
0x2b: {  	[sflag:s20] =	ssyncset.done $0x0  }
0x2c: {  	[sflag:s20] =	ssyncadd.s32 $0xFFFFC000  }
0x2d: {  	_ =	swait.ge [sflag:s20], $0x4000  }
0x2e: {  	[sflag:s20] =	ssyncset.done $0x0  }
0x2f: {  	[sflag:s20] =	ssyncadd.s32 $0xFFFFC000  }
0x30: {  	_ =	swait.ge [sflag:s20], $0x4000  }
0x31: {  	[sflag:s20] =	ssyncset.done $0x0  }
0x32: {  	[sflag:s20] =	ssyncadd.s32 $0xFFFFC000  }
0x33: {  	s26 =	simm.s32 $0x0;
	[bflag:$0x0] =	sbarrier.arrive $0xFFFF  }
0x34: {  	[tilespmem:s26], [sflag:$0xC] =	stream.linear.gather [hbm4b:s14+s26], $0x80, $0x38;
	[tilespmem:$0x1C200] =	vst v63  }
0x35: {  	_ =	swait.ge [sflag:s21], $0x80  }
0x36: {  	[sflag:s21] =	ssyncset.done $0x0  }
0x37: {  	[sflag:s21] =	ssyncadd.s32 $0xFFFFFF80  }
0x38: {  	[tilespmem:s22], [sflag:$0xC] =	stream.linear.gather [hbm4b:s15+s26], $0x80, $0x38;
	[tilespmem:$0x1C200] =	vst v63  }
0x39: {  	_ =	swait.ge [sflag:s21], $0x80  }
0x3a: {  	[sflag:s21] =	ssyncset.done $0x0  }
0x3b: {  	[sflag:s21] =	ssyncadd.s32 $0xFFFFFF80  }
0x3c: {  	[tilespmem:s19], [sflag:$0x5] =	stream.indirect.gather [hbm4b:s1+s23], $0x80, s26, s23, $0xb8;
	[tilespmem:$0x1C200] =	vst v63  }
0x3d: {  	_ = 	snop  }
0x3e: {  	[tilespmem:s24], [sflag:$0x6] =	stream.indirect.gather [hbm4b:s1+s23], $0x80, s23, s23, $0xb8;
	[tilespmem:$0x1C200] =	vst v63  }
.LBB2_4:
0x3f: {  	s28 =	sand.u32 $0x1, s26  }
0x40: {  	p0 =	seq.s32 s28, $0x1  }
0x41: {  	s29 =	simm.s32 @p0 $0x9;
	s28 =	sadd.s32 @p0 $0x1, s26  }
0x42: {  	_ =	swait.ge @p0 [sflag:s29], $0x4000;
	p1 =	sge.u32 @p0 s28, s7  }
0x43: {  	[sflag:s29] =	ssyncset.done @p0 $0x0;
	p2 =	por !p1, !p0  }
0x44: {  	[sflag:s29] =	ssyncadd.s32 @p0 $0xFFFFC000;
	s29 =	simm.s32 @!p2 $0x7  }
0x45: {  	_ =	swait.ge @!p2 [sflag:s29], $0x2000  }
0x46: {  	p1 =	por p1, !p0;
	[sflag:s29] =	ssyncset.done @!p2 $0x0  }
0x47: {  	s30 =	sadd.s32 @!p1 s8, s28;
	[sflag:s29] =	ssyncadd.s32 @!p2 $0xFFFFE000;
	s29 =	simm.s32 @!p2 $0x8  }
0x48: {  	s30 =	sshll.u32 @!p1 s30, $0x4;
	_ =	swait.ge @!p2 [sflag:s29], $0x2000  }
0x49: {  	s30 =	sand.u32 @!p1 $0x1FFFFFF0, s30;
	[sflag:s29] =	ssyncset.done @!p2 $0x0  }
0x4a: {  	s31 =	simm.s32 @!p1 $0x0;
	[sflag:s29] =	ssyncadd.s32 @!p2 $0xFFFFE000;
	s29 =	sadd.s32 @!p1 s5, s30  }
0x4b: {  	[tilespmem:s31], [sflag:$0x1] =	stream.linear.gather @!p1 [hbm4b:s29+s31], $0x80, $0x38;
	[tilespmem:$0x1C200] =	vst v63  }
0x4c: {  	s29 =	sadd.s32 @!p1 s6, s30;
	s30 =	simm.s32 @!p1 $0x100  }
0x4d: {  	[tilespmem:s30], [sflag:$0x3] =	stream.linear.gather @!p1 [hbm4b:s29+s31], $0x80, $0x38;
	[tilespmem:$0x1C200] =	vst v63  }
0x4e: {  	s29 =	simm.s32 @!p1 $0x7  }
0x4f: {  	_ =	swait.ge @!p1 [sflag:s29], $0x2000  }
0x50: {  	[sflag:s29] =	ssyncset.done @!p1 $0x0  }
0x51: {  	[sflag:s29] =	ssyncadd.s32 @!p1 $0xFFFFE000;
	s29 =	simm.s32 @!p1 $0x8  }
0x52: {  	_ =	swait.ge @!p1 [sflag:s29], $0x2000  }
0x53: {  	[sflag:s29] =	ssyncset.done @!p1 $0x0  }
0x54: {  	[sflag:s29] =	ssyncadd.s32 @!p1 $0xFFFFE000;
	s29 =	simm.s32 @!p1 $0x1  }
0x55: {  	_ =	swait.ge @!p1 [sflag:s29], $0x80  }
0x56: {  	[sflag:s29] =	ssyncset.done @!p1 $0x0  }
0x57: {  	[sflag:s29] =	ssyncadd.s32 @!p1 $0xFFFFFF80;
	s29 =	simm.s32 @!p1 $0x3  }
0x58: {  	_ =	swait.ge @!p1 [sflag:s29], $0x80  }
0x59: {  	[sflag:s29] =	ssyncset.done @!p1 $0x0  }
0x5a: {  	s30 =	simm.s32 @!p1 $0x200;
	[sflag:s29] =	ssyncadd.s32 @!p1 $0xFFFFFF80;
	s29 =	simm.s32 @!p1 $0x40  }
0x5b: {  	[tilespmem:s30], [sflag:$0x5] =	stream.indirect.gather @!p1 [hbm4b:s1+s29], $0x80, s31, s29, $0xb8;
	[tilespmem:$0x1C200] =	vst v63  }
0x5c: {  	s30 =	simm.s32 @!p1 $0x2200  }
0x5d: {  	[tilespmem:s30], [sflag:$0x6] =	stream.indirect.gather @!p1 [hbm4b:s1+s29], $0x80, s29, s29, $0xb8;
	[tilespmem:$0x1C200] =	vst v63  }
0x5e: {  	s31 =	simm.s32 @p0 $0x4200;
	p1 =	seq.s32 @!p0 s26, $0x0  }
0x5f: {  	s29 =	simm.s32 @p0 $0x80;
	s30 =	simm.s32 @p0 $0x180;
	p1 =	por p1, p0  }
0x60: {  	[spmem:s3] =	stream.indirect.scatter.add.f32 @p0 [tilespmem:s31], [sflag:$0xA], $0x80, s30, s29, $0xb8;
	[tilespmem:$0x1C200] =	vst v63  }
0x61: {  	s26 =	sor.u32 @!p0 $0x1, s26;
	s29 =	simm.s32 @!p1 $0xA  }
0x62: {  	p2 =	sge.u32 @!p0 s26, s7;
	_ =	swait.ge @!p1 [sflag:s29], $0x4000  }
0x63: {  	p3 =	por !p2, p0;
	[sflag:s29] =	ssyncset.done @!p1 $0x0  }
0x64: {  	[sflag:s29] =	ssyncadd.s32 @!p1 $0xFFFFC000;
	s29 =	simm.s32 @!p3 $0x5  }
0x65: {  	_ =	swait.ge @!p3 [sflag:s29], $0x2000  }
0x66: {  	[sflag:s29] =	ssyncset.done @!p3 $0x0  }
0x67: {  	p1 =	por p2, p0;
	[sflag:s29] =	ssyncadd.s32 @!p3 $0xFFFFE000;
	s29 =	simm.s32 @!p3 $0x6  }
0x68: {  	s30 =	sadd.s32 @!p1 s8, s26;
	_ =	swait.ge @!p3 [sflag:s29], $0x2000  }
0x69: {  	s30 =	sshll.u32 @!p1 s30, $0x4;
	[sflag:s29] =	ssyncset.done @!p3 $0x0  }
0x6a: {  	[sflag:s29] =	ssyncadd.s32 @!p3 $0xFFFFE000;
	s29 =	sand.u32 @!p1 $0x1FFFFFF0, s30  }
0x6b: {  	s31 =	simm.s32 @!p1 $0x0;
	s2 =	simm.s32 @!p1 $0x80;
	s30 =	sadd.s32 @!p1 s5, s29  }
0x6c: {  	[tilespmem:s2], [sflag:$0x2] =	stream.linear.gather @!p1 [hbm4b:s30+s31], $0x80, $0x38;
	[tilespmem:$0x1C200] =	vst v63  }
0x6d: {  	s29 =	sadd.s32 @!p1 s6, s29;
	s30 =	simm.s32 @!p1 $0x180  }
0x6e: {  	[tilespmem:s30], [sflag:$0x4] =	stream.linear.gather @!p1 [hbm4b:s29+s31], $0x80, $0x38;
	[tilespmem:$0x1C200] =	vst v63  }
0x6f: {  	s29 =	simm.s32 @!p1 $0x5  }
0x70: {  	_ =	swait.ge @!p1 [sflag:s29], $0x2000  }
0x71: {  	[sflag:s29] =	ssyncset.done @!p1 $0x0  }
0x72: {  	[sflag:s29] =	ssyncadd.s32 @!p1 $0xFFFFE000;
	s29 =	simm.s32 @!p1 $0x6  }
0x73: {  	_ =	swait.ge @!p1 [sflag:s29], $0x2000  }
0x74: {  	[sflag:s29] =	ssyncset.done @!p1 $0x0  }
0x75: {  	[sflag:s29] =	ssyncadd.s32 @!p1 $0xFFFFE000;
	s29 =	simm.s32 @!p1 $0x2  }
0x76: {  	_ =	swait.ge @!p1 [sflag:s29], $0x80  }
0x77: {  	[sflag:s29] =	ssyncset.done @!p1 $0x0  }
0x78: {  	[sflag:s29] =	ssyncadd.s32 @!p1 $0xFFFFFF80;
	s29 =	simm.s32 @!p1 $0x4  }
0x79: {  	_ =	swait.ge @!p1 [sflag:s29], $0x80  }
0x7a: {  	[sflag:s29] =	ssyncset.done @!p1 $0x0  }
0x7b: {  	s30 =	simm.s32 @!p1 $0x4200;
	[sflag:s29] =	ssyncadd.s32 @!p1 $0xFFFFFF80;
	s29 =	simm.s32 @!p1 $0x40  }
0x7c: {  	[tilespmem:s30], [sflag:$0x7] =	stream.indirect.gather @!p1 [hbm4b:s1+s29], $0x80, s2, s29, $0xb8;
	[tilespmem:$0x1C200] =	vst v63  }
0x7d: {  	s26 =	smov.u32 @p0 s28;
	s2 =	simm.s32 @!p1 $0xC0;
	s30 =	simm.s32 @!p1 $0x6200  }
0x7e: {  	[tilespmem:s30], [sflag:$0x8] =	stream.indirect.gather @!p1 [hbm4b:s1+s29], $0x80, s2, s29, $0xb8;
	[tilespmem:$0x1C200] =	vst v63  }
0x7f: {  	s2 =	simm.s32 @!p0 $0x80;
	s29 =	simm.s32 @!p0 $0x100;
	s30 =	simm.s32 @!p0 $0x200  }
0x80: {  	[spmem:s3] =	stream.indirect.scatter.add.f32 @!p0 [tilespmem:s30], [sflag:$0x9], $0x80, s29, s2, $0xb8;
	[tilespmem:$0x1C200] =	vst v63  }
0x81: {  	p0 =	sne.s32 s26, s7  }
.Ltmp1:
0x82: {  	_ = 	snop;
	(pc) =	sbr.rel @p0 .LBB2_4-.Ltmp1, $1  }
0x83: {  	_ =	sdelay $0x3  }
0x84: {  	_ =	swait.ge [sflag:s17], $0x4000  }
0x85: {  	s2 =	sshll.u32 s0, $0x6;
	s25 =	sadd.s32 $0x1, s25;
	[sflag:s17] =	ssyncset.done $0x0  }
0x86: {  	s26 =	sshrl.u32 s9, $0x3;
	p0 =	sne.s32 s25, s18;
	[sflag:s17] =	ssyncadd.s32 $0xFFFFC000  }
.Ltmp2:
0x87: {  	s2 =	sor.u32 $0x1C0C, s2;
	[bflag:$0x0] =	sbarrier.arrive $0xFFFF;
	(pc) =	sbr.rel @p0 .LBB2_1-.Ltmp2, $4  }
0x88: {  	[hbm:s16], [sflag:s2] =	dma.local [spmem:s26], $0x2800  }
0x89: {  	_ =	swait.ge [sflag:s21], $0x2800  }
0x8a: {  	[sflag:s21] =	ssyncset.done $0x0  }
0x8b: {  	[sflag:s21] =	ssyncadd.s32 $0xFFFFD800  }
0x8c: {  	_ =	sfence.sel $0x180000  }
0x8d: {  	[bflag:$0x0] =	sbarrier.arrive $0xFFFF  }
0x8e: {  	_ =	strace $0x9000004A  }
0x8f: {  	[bflag:$0x2] =	sbarrier.arrive $0xFFFF  }
0x90: {  	p0 =	sne.s32 s0, $0x0;
	s0 =	rddreg [dreg:$0x3]  }
0x91: {  	s0 =	sadd.s32 @!p0 $0x100000, s0  }
0x92: {  	[sflag:s0] =	ssyncadd.tile.s32 @!p0 $0x1;
	_ =	shalt  }
.Lfunc_end2:
_tile_overlayer_lowered:
.L_overlay_start_2:
0x93: {  	(tag) =	ssettag $0x2  }
0x94: {  	s0 =	rddreg [dreg:$0x0];
	s2 =	stileid.u32  }
0x95: {  	s1 =	rddreg [dreg:$0x1];
	p0 =	sne.s32 s2, $0x0  }
0x96: {  	s3 =	rddreg [dreg:$0x2];
	[bflag:$0x3] =	sbarrier.arrive $0xFFFF;
	s2 =	simm.s32 @!p0 $0x1C0C  }
0x97: {  	[timem:s3], [sflag:s2] =	dma.local @!p0 [hbm:s0], s1  }
0x98: {  	s0 =	simm.s32 @!p0 $0xC  }
0x99: {  	_ =	swait.ge @!p0 [sflag:s0], s1  }
0x9a: {  	s1 =	ssub.s32 @!p0 $0x0, s1;
	[sflag:s0] =	ssyncset.done @!p0 $0x0  }
0x9b: {  	[sflag:s0] =	ssyncadd.s32 @!p0 s1  }
0x9c: {  	[bflag:$0x3] =	sbarrier.arrive $0xFFFF  }
0x9d: {  	_ =	shalt  }

// kernel: kernel.7.cloned.1.call-start
scs
__scs_entry_jumppad:
0x0: {  	(pc) =	sbr.rel $0x88, $3  }
0x1: {  	(tag) =	ssettag $0x0;
	lr =	simm.s32 $0x1  }
0x2: {  	[smem:$0x3F99] =	sst lr;
	_ =	strace $0xD0000000  }
0x3: {  	_ = 	snop  }
0x4: {  	_ = 	snop  }
0x5: {  	_ = 	snop  }
0x6: {  	_ = 	snop  }
0x7: {  	_ = 	snop  }
__scs_overlays_trampoline_lowered:
0x8: {  	[smem:$0x3FA8] =	sst s0  }
0x9: {  	[smem:$0x3FA9] =	sst s1  }
0xa: {  	[smem:$0x3FAA] =	sst s2  }
0xb: {  	[smem:$0x3FAB] =	sst s3  }
0xc: {  	[smem:$0x3FAC] =	sst s4  }
0xd: {  	[smem:$0x3FAD] =	sst s5  }
0xe: {  	[smem:$0x3FAE] =	sst s6  }
0xf: {  	[smem:$0x3FAF] =	sst s7  }
0x10: {  	[smem:$0x3FB0] =	sst s8  }
0x11: {  	[smem:$0x3FB1] =	sst s9;
	s0 =	simm.s32 @!p0 $0x0  }
0x12: {  	s1 =	sld [smem:$0x3F97];
	s0 =	simm.s32 @p0 $0x1  }
0x13: {  	[smem:$0x3FB2] =	sst s0;
	s0 =	simm.s32 @!p1 $0x0  }
0x14: {  	s2 =	sld [smem:$0x3F96];
	s0 =	simm.s32 @p1 $0x1  }
0x15: {  	[smem:$0x3FB3] =	sst s0;
	s0 =	simm.s32 @!p2 $0x0  }
0x16: {  	s3 =	sld [smem:$0x3FDB];
	s0 =	simm.s32 @p2 $0x1  }
0x17: {  	s4 =	simm.s32 $0x1BF5;
	[smem:$0x3FB5] =	sst s0  }
0x18: {  	s0 =	sld [smem:$0x3F98];
	_ =	swait.ge [sflag:s4], $0x0  }
0x19: {  	s7 =	sld [smem:$0x3F99]  }
0x1a: {  	s8 =	sadd.s32 $0xFFFFE003, lr  }
0x1b: {  	s9 =	sadd.s32 $0xFFFFFEF7, lr;
	s5 =	simm.s32 $0xFFFFFFFF;
	p2 =	slt.u32 s8, $0xFFFFF086  }
0x1c: {  	p1 =	slt.u32 s9, $0xF7A;
	s5 =	simm.s32 @!p2 $0x0  }
0x1d: {  	s5 =	simm.s32 @p1 $0x1;
	p0 =	seq.s32 s7, s2  }
0x1e: {  	s7 =	smul.u32 @!p0 $0xF7A, s2;
	p2 =	seq.s32 @!p0 s5, $0x0  }
0x1f: {  	s9 =	smul.u32 $0xF7A, s1;
	s8 =	simm.s32 @!p0 $0x1BF5;
	p2 =	por !p2, p0  }
0x20: {  	[sflag:s8] =	ssyncset.s32 @!p0 $0xFFFFF086;
	s6 =	sadd.s32 @!p0 s3, s7;
	s7 =	simm.s32 @!p0 $0x108  }
0x21: {  	s3 =	sadd.s32 s3, s9;
	s6 =	sadd.s32 @!p0 $0x88, s6;
	s7 =	simm.s32 @p2 $0x1082  }
0x22: {  	[simem:s7], [sflag:s8] =	dma.local @!p0 [hbm:s6], $0xF7A  }
0x23: {  	s9 =	sor.u32 $0xD0000000, s2;
	s6 =	simm.s32 $0x108;
	_ =	swait.ge @!p0 [sflag:s8], $0x0  }
0x24: {  	s3 =	sadd.s32 $0x88, s3;
	s6 =	simm.s32 @!p1 $0x1082;
	[sflag:s4] =	ssyncset.s32 $0xFFFFF086  }
0x25: {  	[simem:s6], [sflag:s4] =	dma.local [hbm:s3], $0xF7A  }
0x26: {  	[smem:$0x3F99] =	sst s1;
	(tag) =	ssettag s2;
	_ =	strace s9  }
0x27: {  	s1 =	sld [smem:$0x3FA9]  }
0x28: {  	s2 =	sld [smem:$0x3FAA]  }
0x29: {  	s4 =	sld [smem:$0x3FAC]  }
0x2a: {  	p0 =	seq.s32 s5, $0x0;
	s5 =	sld [smem:$0x3FAD]  }
0x2b: {  	s6 =	sld [smem:$0x3FAE]  }
0x2c: {  	s7 =	sld [smem:$0x3FAF]  }
0x2d: {  	s3 =	simm.s32 $0x108;
	s8 =	sld [smem:$0x3FB0]  }
0x2e: {  	s3 =	simm.s32 @!p0 $0x1082;
	s9 =	sld [smem:$0x3FB1]  }
0x2f: {  	lr =	sadd.s32 s0, s3;
	s0 =	sld [smem:$0x3FA8]  }
0x30: {  	s3 =	sld [smem:$0x3FAB]  }
0x31: {  	[smem:$0x3FB4] =	sst s10  }
0x32: {  	s10 =	sld [smem:$0x3FB2];
	_ =	sdelay $0x3  }
0x33: {  	p0 =	seq.s32 s10, $0x1;
	s10 =	sld [smem:$0x3FB4];
	_ =	sdelay $0x3  }
0x34: {  	[smem:$0x3FB4] =	sst s10  }
0x35: {  	s10 =	sld [smem:$0x3FB3];
	_ =	sdelay $0x3  }
0x36: {  	p1 =	seq.s32 s10, $0x1;
	s10 =	sld [smem:$0x3FB4];
	_ =	sdelay $0x3  }
0x37: {  	[smem:$0x3FB4] =	sst s10  }
0x38: {  	s10 =	sld [smem:$0x3FB5]  }
0x39: {  	_ = 	snop;
	(pc) =	sbr.ind lr, $3  }
0x3a: {  	_ = 	snop  }
0x3b: {  	_ = 	snop  }
0x3c: {  	p2 =	seq.s32 s10, $0x1;
	s10 =	sld [smem:$0x3FB4]  }
0x3d: {  	_ =	shalt  }
0x3e: {  	_ =	shalt  }
0x3f: {  	_ =	shalt  }
0x40: {  	_ =	shalt  }
0x41: {  	_ =	shalt  }
0x42: {  	_ =	shalt  }
0x43: {  	_ =	shalt  }
0x44: {  	_ =	shalt  }
0x45: {  	_ =	shalt  }
0x46: {  	_ =	shalt  }
0x47: {  	_ =	shalt  }
0x48: {  	_ =	shalt  }
0x49: {  	_ =	shalt  }
0x4a: {  	_ =	shalt  }
0x4b: {  	_ =	shalt  }
0x4c: {  	_ =	shalt  }
0x4d: {  	_ =	shalt  }
0x4e: {  	_ =	shalt  }
0x4f: {  	_ =	shalt  }
0x50: {  	_ =	shalt  }
0x51: {  	_ =	shalt  }
0x52: {  	_ =	shalt  }
0x53: {  	_ =	shalt  }
0x54: {  	_ =	shalt  }
0x55: {  	_ =	shalt  }
0x56: {  	_ =	shalt  }
0x57: {  	_ =	shalt  }
0x58: {  	_ =	shalt  }
0x59: {  	_ =	shalt  }
0x5a: {  	_ =	shalt  }
0x5b: {  	_ =	shalt  }
0x5c: {  	_ =	shalt  }
0x5d: {  	_ =	shalt  }
0x5e: {  	_ =	shalt  }
0x5f: {  	_ =	shalt  }
0x60: {  	_ =	shalt  }
0x61: {  	_ =	shalt  }
0x62: {  	_ =	shalt  }
0x63: {  	_ =	shalt  }
0x64: {  	_ =	shalt  }
0x65: {  	_ =	shalt  }
0x66: {  	_ =	shalt  }
0x67: {  	_ =	shalt  }
0x68: {  	_ =	shalt  }
0x69: {  	_ =	shalt  }
0x6a: {  	_ =	shalt  }
0x6b: {  	_ =	shalt  }
0x6c: {  	_ =	shalt  }
0x6d: {  	_ =	shalt  }
0x6e: {  	_ =	shalt  }
0x6f: {  	_ =	shalt  }
0x70: {  	_ =	shalt  }
0x71: {  	_ =	shalt  }
0x72: {  	_ =	shalt  }
0x73: {  	_ =	shalt  }
0x74: {  	_ =	shalt  }
0x75: {  	_ =	shalt  }
0x76: {  	_ =	shalt  }
0x77: {  	_ =	shalt  }
0x78: {  	_ =	shalt  }
0x79: {  	_ =	shalt  }
0x7a: {  	_ =	shalt  }
0x7b: {  	_ =	shalt  }
0x7c: {  	_ =	shalt  }
0x7d: {  	_ =	shalt  }
0x7e: {  	_ =	shalt  }
0x7f: {  	_ =	shalt  }
0x80: {  	_ =	shalt  }
0x81: {  	_ =	shalt  }
0x82: {  	_ =	shalt  }
0x83: {  	_ =	shalt  }
0x84: {  	_ =	shalt  }
0x85: {  	_ =	shalt  }
0x86: {  	_ =	shalt  }
0x87: {  	_ =	shalt  }
.Lfunc_end0:
.L_simem_size_0:
called_computation_lowered:
.L_overlay_start_0:
0x88: {  	s2 =	sld [smem:$0x3FD9]  }
0x89: {  	s3 =	sld [smem:$0x3FFE];
	_ =	sdelay $0x1  }
0x8a: {  	s1 =	srdreg.scid  }
0x8b: {  	s0 =	sand.u32 $0x1, s1  }
0x8c: {  	s17 =	sshll.u32 s0, $0xA;
	s2 =	sadd.s32 s3, s2  }
0x8d: {  	s2 =	sadd.s32 s2, s17  }
0x8e: {  	[smem:$0x3FC0] =	sst s2  }
0x8f: {  	_ = 	snop  }
0x90: {  	s2 =	sld [smem:$0x3FC9];
	(tm) =	ssettm $0x1  }
0x91: {  	s18 =	sld [smem:$0x3FFB];
	_ =	sdelay $0x3  }
0x92: {  	_ =	strace s18  }
0x93: {  	s3 =	sld [smem:$0x3FFC];
	_ =	sdelay $0x3  }
0x94: {  	_ =	strace s3  }
0x95: {  	s3 =	sld [smem:$0x3FFD];
	_ =	sdelay $0x3  }
0x96: {  	_ =	strace s3  }
0x97: {  	_ =	strace $0x8FFFFFFF  }
0x98: {  	s19 =	sld [smem:$0x3FDB];
	_ =	sdelay $0x1  }
0x99: {  	s4 =	simm.s32 $_scs_section_size  }
0x9a: {  	s5 =	simm.s32 $_size__tile_overlayer_lowered;
	s6 =	simm.s32 $_tile_overlayer_lowered  }
0x9b: {  	s22 =	simm.s32 $0x1BFF;
	s21 =	sshll.u32 s6, $0x1;
	s3 =	sadd.s32 s4, s19  }
0x9c: {  	s7 =	simm.s32 $0x0;
	s20 =	sshll.u32 s5, $0x1;
	s5 =	sadd.s32 s21, s3  }
0x9d: {  	[timem:s7], [sflag:s22] =	dma.local [hbm:s5], s20  }
0x9e: {  	_ =	swait.ge [sflag:s22], s20  }
0x9f: {  	s4 =	ssub.s32 $0x0, s20;
	[sflag:s22] =	ssyncset.done $0x0  }
0xa0: {  	[sflag:s22] =	ssyncadd.s32 s4;
	_ =	sdelay $0x1  }
0xa1: {  	s23 =	simm.s32 $0x1B8B  }
0xa2: {  	_ =	swait.ge [sflag:s23], $0x1  }
0xa3: {  	[sflag:s23] =	ssyncset.done $0x0  }
0xa4: {  	s25 =	simm.s32 $0x1B8E;
	s24 =	sld [smem:$0x3FFE];
	[sflag:s23] =	ssyncadd.s32 $0xFFFFFFFF  }
0xa5: {  	s26 =	simm.s32 $execute0_lowered;
	[smem:$0x3FD2] =	sst s25  }
0xa6: {  	s5 =	sshll.u32 s26, $0x1;
	_ =	strace $0x80000046;
	[dreg:$0x1] =	wrdreg $0xFFFFFFFF  }
0xa7: {  	s28 =	simm.s32 $_size_execute0_lowered;
	s3 =	sadd.s32 s3, s5;
	[dreg:$0x0] =	wrdreg $0x0  }
0xa8: {  	s5 =	sshll.u32 s28, $0x1;
	[dreg:$0x2] =	wrdreg s3  }
0xa9: {  	[dreg:$0x3] =	wrdreg s5  }
0xaa: {  	[dreg:$0x4] =	wrdreg $0xC0  }
0xab: {  	_ =	task [dreg:s7], $0x5FFFF  }
0xac: {  	[dreg:$0x1] =	wrdreg $0xFFFFFFFF  }
0xad: {  	[dreg:$0x0] =	wrdreg $0x60  }
0xae: {  	[dreg:$0x2] =	wrdreg s2  }
0xaf: {  	[dreg:$0x3] =	wrdreg s24  }
0xb0: {  	[dreg:$0x4] =	wrdreg $0x82000  }
0xb1: {  	[dreg:$0x5] =	wrdreg $0x1C2000  }
0xb2: {  	[dreg:$0x6] =	wrdreg $0x9  }
0xb3: {  	_ =	task.clear_ibuf [dreg:s7], $0x7FFFF;
	_ =	strace $0x90000046  }
0xb4: {  	s29 =	simm.s32 $0x9;
	_ =	strace $0x80000048  }
0xb5: {  	_ =	swait.ge [sflag:s29], $0x1  }
0xb6: {  	[sflag:s29] =	ssyncadd.s32 $0xFFFFFFFF  }
0xb7: {  	_ =	strace $0x90000048  }
0xb8: {  	_ =	sfence  }
0xb9: {  	s30 =	sld [smem:$0x0];
	_ =	sdelay $0x2  }
0xba: {  	s31 =	sshll.u32 s1, $0xD;
	s1 =	sshrl.u32 s1, $0x2  }
0xbb: {  	s3 =	sand.u32 $0x4000, s31;
	s1 =	sadd.s32 s1, s30  }
0xbc: {  	s0 =	sor.u32 s3, s0;
	s1 =	sshll.u32 s1, $0x11  }
0xbd: {  	s0 =	sor.u32 s1, s0  }
0xbe: {  	s0 =	sadd.s32 $0x8F2B, s0  }
0xbf: {  	[sflag:s0] =	ssyncadd.remote.s32 $0x1  }
0xc0: {  	_ =	sfence.sel $0xFFFF  }
0xc1: {  	[dreg:$0x0] =	wrdreg $0xFFFFFFFF;
	(pc) =	sbr.abs _section_cstart, $3  }
0xc2: {  	[dreg:$0x1] =	wrdreg $0xFFFFFFFF  }
0xc3: {  	_ =	task.clear_ibuf [dreg:s7], $0x2FFFF;
	_ =	strace $0x9FFFFFFF  }
0xc4: {  	(tm) =	ssettm $0x7FFFFFFF  }
0xc5: {  	_ =	shalt  }
tec
execute0_lowered:
.L_overlay_start_1:
0x0: {  	(tag) =	ssettag $0x1  }
0x1: {  	s1 =	rddreg [dreg:$0x0]  }
0x2: {  	s0 =	rddreg [dreg:$0x1]  }
0x3: {  	s3 =	rddreg [dreg:$0x2];
	s2 =	srdreg.scid  }
0x4: {  	s12 =	stileid.u32;
	s4 =	rddreg [dreg:$0x3];
	s7 =	simm.s32 $0x0  }
0x5: {  	s28 =	simm.s32 $0xD;
	s29 =	simm.s32 $0xE;
	s5 =	smul.u32 $0x14000, s12  }
0x6: {  	s31 =	simm.s32 $0x40;
	s2 =	sand.u32 $0x1, s2;
	s11 =	smul.u32 $0x280, s12  }
0x7: {  	[smem:$0x7FF] =	sst s7;
	s7 =	sadd.s32 $0xD200, s0;
	s16 =	smul.u32 $0xA000, s12  }
0x8: {  	s9 =	sshll.u32 s12, $0x1;
	p0 =	slt.u32 s12, $0x2;
	s6 =	smul.u32 $0x140000, s2  }
0x9: {  	_ =	strace $0x80000047;
	s17 =	ssub.s32 $0x2, s2;
	s2 =	sor.u32 s2, s9  }
0xa: {  	s10 =	sshrl.u32 s17, $0x1;
	s9 =	smul.u32 $0x4E, s2;
	s2 =	smin.u32 s2, $0x4  }
0xb: {  	s15 =	sadd.s32 $0x80, s11;
	s19 =	sadd.s32 $0x100, s11;
	s22 =	sshrl.u32 s16, $0x2  }
0xc: {  	s8 =	sadd.s32 s5, s6;
	s6 =	sadd.s32 $0x3400, s0;
	s24 =	ssub.s32 s17, s10  }
0xd: {  	s18 =	sshll.u32 s15, $0x7;
	s10 =	sadd.s32 s5, s3;
	s20 =	sshll.u32 s19, $0x7  }
0xe: {  	s23 =	sshll.u32 s15, $0x4;
	s15 =	sadd.s32 s22, s4;
	s8 =	sshrl.u32 s8, $0x3  }
0xf: {  	s9 =	sadd.s32 s2, s9;
	s2 =	sadd.s32 s18, s3;
	s18 =	sadd.s32 $0x180, s11  }
0x10: {  	s11 =	sadd.s32 $0x200, s11;
	s5 =	sadd.s32 s20, s3;
	s16 =	sadd.s32 s23, s4  }
0x11: {  	s24 =	smax.u32 s24, $0x1;
	s0 =	sadd.s32 s8, s0;
	s8 =	simm.s32 $0x4F  }
0x12: {  	[dreg:$0x5] =	wrdreg s2;
	s13 =	sshll.u32 s18, $0x7;
	s14 =	sshll.u32 s11, $0x7  }
0x13: {  	[dreg:$0x6] =	wrdreg s5;
	s2 =	sshll.u32 s19, $0x4;
	s25 =	sshll.u32 s18, $0x4  }
0x14: {  	s26 =	sshll.u32 s11, $0x4;
	s30 =	sshll.u32 s9, $0x4;
	s5 =	simm.s32 $0x0  }
0x15: {  	s8 =	simm.s32 @!p0 $0x4E;
	s21 =	sadd.s32 s13, s3;
	s14 =	sadd.s32 s14, s3  }
0x16: {  	s17 =	sadd.s32 s2, s4;
	s18 =	sadd.s32 s25, s4;
	s19 =	sadd.s32 s26, s4  }
0x17: {  	s20 =	sadd.s32 s6, s30;
	s22 =	sadd.s32 $0x17000, s0;
	s23 =	sadd.s32 $0x67000, s0  }
0x18: {  	s25 =	simm.s32 $0x9;
	s26 =	simm.s32 $0xB;
	[dreg:$0x7] =	wrdreg s21  }
0x19: {  	v0 =	vimm.f32 $0.0e+00;
	v1 =	vimm.f32 $1.000000000e+00;
	s21 =	sadd.s32 s7, s30;
	s25 =	simm.s32 @!p0 $0xA;
	s26 =	simm.s32 @!p0 $0xC  }
.LBB2_1:
0x1a: {  	s0 =	simm.s32 $0x0  }
0x1b: {  	s2 =	sand.u32 $0xFFC0, s0  }
0x1c: {  	s0 =	simm.s32 $0x40;
	s2 =	sshrl.u32 s2, $0x2  }
.LBB2_2:
0x1d: {  	p0 =	sne.s32 s0, $0xFFC0;
	[tilespmem:s2+$0x200] =	vst v0;
	s2 =	smov.u32 s0;
	s0 =	sadd.s32 $0x40, s0  }
.Ltmp0:
0x1e: {  	(pc) =	sbr.rel @p0 .LBB2_2-.Ltmp0, $3  }
0x1f: {  	_ =	sdelay $0x1  }
0x20: {  	s2 =	sand.u32 $0xFFC0, s2  }
0x21: {  	s2 =	sshrl.u32 s2, $0x2  }
0x22: {  	[tilespmem:s2+$0x200] =	vst v0;
	s0 =	simm.s32 $0x200  }
0x23: {  	[spmem:s10] =	stream.linear.scatter [tilespmem:s0], [sflag:$0xD], $0x4000, $0x38;
	[tilespmem:$0x1F200] =	vst v63  }
0x24: {  	s11 =	rddreg [dreg:$0x5]  }
0x25: {  	[spmem:s11] =	stream.linear.scatter [tilespmem:s0], [sflag:$0xD], $0x4000, $0x38;
	[tilespmem:$0x1F200] =	vst v63  }
0x26: {  	s12 =	rddreg [dreg:$0x6]  }
0x27: {  	[spmem:s12] =	stream.linear.scatter [tilespmem:s0], [sflag:$0xD], $0x4000, $0x38;
	[tilespmem:$0x1F200] =	vst v63  }
0x28: {  	s13 =	rddreg [dreg:$0x7]  }
0x29: {  	[spmem:s13] =	stream.linear.scatter [tilespmem:s0], [sflag:$0xD], $0x4000, $0x38;
	[tilespmem:$0x1F200] =	vst v63  }
0x2a: {  	_ = 	snop  }
0x2b: {  	[spmem:s14] =	stream.linear.scatter [tilespmem:s0], [sflag:$0xD], $0x4000, $0x38;
	[tilespmem:$0x1F200] =	vst v63  }
0x2c: {  	s30 =	sadd.s32 $0x0, s15;
	s2 =	simm.s32 $0x40;
	s11 =	simm.s32 $0x200  }
0x2d: {  	[spmem:s30] =	stream.linear.scatter [tilespmem:s0], [sflag:$0xD], $0x10, $0x38;
	[tilespmem:$0x1F200] =	vst v63  }
.LBB2_4:
0x2e: {  	p0 =	sne.s32 s2, $0x1FC0  }
.Ltmp1:
0x2f: {  	_ = 	snop;
	(pc) =	sbr.rel @p0 .LBB2_4-.Ltmp1, $4  }
0x30: {  	_ = 	snop  }
0x31: {  	s30 =	sshra.s32 s2, $0x2;
	s2 =	sadd.s32 $0x40, s2  }
0x32: {  	s11 =	sadd.s32 $0x80, s11;
	s30 =	sadd.s32 s30, s15  }
0x33: {  	[spmem:s30] =	stream.linear.scatter [tilespmem:s11], [sflag:$0xD], $0x10, $0x38;
	[tilespmem:$0x1F200] =	vst v63  }
0x34: {  	s2 =	sadd.s32 $0x0, s16;
	s11 =	simm.s32 $0x40  }
0x35: {  	[spmem:s2] =	stream.linear.scatter [tilespmem:s0], [sflag:$0xD], $0x10, $0x38;
	[tilespmem:$0x1F200] =	vst v63  }
.LBB2_6:
0x36: {  	p0 =	sne.s32 s11, $0x1FC0  }
.Ltmp2:
0x37: {  	_ = 	snop;
	(pc) =	sbr.rel @p0 .LBB2_6-.Ltmp2, $4  }
0x38: {  	_ = 	snop  }
0x39: {  	s30 =	simm.s32 $0x200;
	s2 =	sshra.s32 s11, $0x2;
	s11 =	sadd.s32 $0x40, s11  }
0x3a: {  	s0 =	sadd.s32 $0x80, s0;
	s12 =	sadd.s32 s2, s16;
	s2 =	simm.s32 $0x0  }
0x3b: {  	[spmem:s12] =	stream.linear.scatter [tilespmem:s0], [sflag:$0xD], $0x10, $0x38;
	[tilespmem:$0x1F200] =	vst v63  }
0x3c: {  	s0 =	sadd.s32 $0x0, s17  }
0x3d: {  	[spmem:s0] =	stream.linear.scatter [tilespmem:s30], [sflag:$0xD], $0x10, $0x38;
	[tilespmem:$0x1F200] =	vst v63  }
0x3e: {  	s11 =	simm.s32 $0x200;
	s0 =	simm.s32 $0x40  }
.LBB2_8:
0x3f: {  	p0 =	sne.s32 s0, $0x1FC0  }
.Ltmp3:
0x40: {  	_ = 	snop;
	(pc) =	sbr.rel @p0 .LBB2_8-.Ltmp3, $4  }
0x41: {  	_ = 	snop  }
0x42: {  	s12 =	sshra.s32 s0, $0x2;
	s0 =	sadd.s32 $0x40, s0  }
0x43: {  	s11 =	sadd.s32 $0x80, s11;
	s12 =	sadd.s32 s12, s17  }
0x44: {  	[spmem:s12] =	stream.linear.scatter [tilespmem:s11], [sflag:$0xD], $0x10, $0x38;
	[tilespmem:$0x1F200] =	vst v63  }
.LBB2_9:
0x45: {  	p0 =	sne.s32 s2, $0x1FC0  }
.Ltmp4:
0x46: {  	_ = 	snop;
	(pc) =	sbr.rel @p0 .LBB2_9-.Ltmp4, $4  }
0x47: {  	s0 =	sshra.s32 s2, $0x2  }
0x48: {  	s0 =	sadd.s32 s0, s18  }
0x49: {  	[spmem:s0] =	stream.linear.scatter [tilespmem:s30], [sflag:$0xD], $0x10, $0x38;
	[tilespmem:$0x1F200] =	vst v63  }
0x4a: {  	s2 =	sadd.s32 $0x40, s2;
	s30 =	sadd.s32 $0x80, s30  }
0x4b: {  	s0 =	simm.s32 $0x200;
	s2 =	sadd.s32 $0x0, s19  }
0x4c: {  	[spmem:s2] =	stream.linear.scatter [tilespmem:s0], [sflag:$0xD], $0x10, $0x38;
	[tilespmem:$0x1F200] =	vst v63  }
0x4d: {  	s2 =	simm.s32 $0x40  }
.LBB2_11:
0x4e: {  	p0 =	sne.s32 s2, $0x1FC0  }
.Ltmp5:
0x4f: {  	_ = 	snop;
	(pc) =	sbr.rel @p0 .LBB2_11-.Ltmp5, $4  }
0x50: {  	_ = 	snop  }
0x51: {  	s11 =	sshra.s32 s2, $0x2;
	s2 =	sadd.s32 $0x40, s2  }
0x52: {  	s0 =	sadd.s32 $0x80, s0;
	s11 =	sadd.s32 s11, s19  }
0x53: {  	[spmem:s11] =	stream.linear.scatter [tilespmem:s0], [sflag:$0xD], $0x10, $0x38;
	[tilespmem:$0x1F200] =	vst v63  }
0x54: {  	s0 =	simm.s32 $0x40;
	s2 =	simm.s32 $0x0  }
.LBB2_13:
0x55: {  	p0 =	sne.s32 s0, $0x1FC0;
	[tilespmem:s2+$0x1EA00] =	vst v1;
	s2 =	smov.u32 s0;
	s0 =	sadd.s32 $0x40, s0  }
.Ltmp6:
0x56: {  	(pc) =	sbr.rel @p0 .LBB2_13-.Ltmp6, $2  }
0x57: {  	_ =	sdelay $0x2  }
0x58: {  	s2 =	sshra.s32 s2, $0x2  }
0x59: {  	[tilespmem:s2+$0x1EA00] =	vst v1  }
0x5a: {  	_ =	swait.ge [sflag:s28], $0x4000  }
0x5b: {  	[sflag:s28] =	ssyncset.done $0x0  }
0x5c: {  	[sflag:s28] =	ssyncadd.s32 $0xFFFFC000  }
0x5d: {  	_ =	swait.ge [sflag:s28], $0x4000  }
0x5e: {  	[sflag:s28] =	ssyncset.done $0x0  }
0x5f: {  	[sflag:s28] =	ssyncadd.s32 $0xFFFFC000  }
0x60: {  	_ =	swait.ge [sflag:s28], $0x4000  }
0x61: {  	[sflag:s28] =	ssyncset.done $0x0  }
0x62: {  	[sflag:s28] =	ssyncadd.s32 $0xFFFFC000  }
0x63: {  	_ =	swait.ge [sflag:s28], $0x4000  }
0x64: {  	[sflag:s28] =	ssyncset.done $0x0  }
0x65: {  	[sflag:s28] =	ssyncadd.s32 $0xFFFFC000  }
0x66: {  	_ =	swait.ge [sflag:s28], $0x4000  }
0x67: {  	[sflag:s28] =	ssyncset.done $0x0  }
0x68: {  	[sflag:s28] =	ssyncadd.s32 $0xFFFFC000  }
0x69: {  	_ =	swait.ge [sflag:s28], $0x800  }
0x6a: {  	[sflag:s28] =	ssyncset.done $0x0  }
0x6b: {  	[sflag:s28] =	ssyncadd.s32 $0xFFFFF800  }
0x6c: {  	_ =	swait.ge [sflag:s28], $0x800  }
0x6d: {  	[sflag:s28] =	ssyncset.done $0x0  }
0x6e: {  	[sflag:s28] =	ssyncadd.s32 $0xFFFFF800  }
0x6f: {  	_ =	swait.ge [sflag:s28], $0x800  }
0x70: {  	[sflag:s28] =	ssyncset.done $0x0  }
0x71: {  	[sflag:s28] =	ssyncadd.s32 $0xFFFFF800  }
0x72: {  	_ =	swait.ge [sflag:s28], $0x800  }
0x73: {  	[sflag:s28] =	ssyncset.done $0x0  }
0x74: {  	[sflag:s28] =	ssyncadd.s32 $0xFFFFF800  }
0x75: {  	_ =	swait.ge [sflag:s28], $0x800  }
0x76: {  	[sflag:s28] =	ssyncset.done $0x0  }
0x77: {  	[sflag:s28] =	ssyncadd.s32 $0xFFFFF800  }
0x78: {  	s0 =	simm.s32 $0x0;
	[bflag:$0x0] =	sbarrier.arrive $0xFFFF  }
0x79: {  	[tilespmem:s0], [sflag:$0xE] =	stream.linear.gather [hbm4b:s20+s0], $0x80, $0x38;
	[tilespmem:$0x1F200] =	vst v63  }
0x7a: {  	_ =	swait.ge [sflag:s29], $0x80  }
0x7b: {  	[sflag:s29] =	ssyncset.done $0x0  }
0x7c: {  	s12 =	simm.s32 $0x100;
	[sflag:s29] =	ssyncadd.s32 $0xFFFFFF80  }
0x7d: {  	[tilespmem:s12], [sflag:$0xE] =	stream.linear.gather [hbm4b:s21+s0], $0x80, $0x38;
	[tilespmem:$0x1F200] =	vst v63  }
0x7e: {  	_ =	swait.ge [sflag:s29], $0x80  }
0x7f: {  	[sflag:s29] =	ssyncset.done $0x0  }
0x80: {  	s13 =	simm.s32 $0x200;
	[sflag:s29] =	ssyncadd.s32 $0xFFFFFF80  }
0x81: {  	[tilespmem:s13], [sflag:$0x5] =	stream.indirect.gather [hbm4b:s1+s31], $0x80, s0, s31, $0xb8;
	[tilespmem:$0x1F200] =	vst v63  }
0x82: {  	s30 =	simm.s32 $0x2200  }
0x83: {  	[tilespmem:s30], [sflag:$0x6] =	stream.indirect.gather [hbm4b:s1+s31], $0x80, s31, s31, $0xb8;
	[tilespmem:$0x1F200] =	vst v63  }
.LBB2_15:
0x84: {  	s2 =	sand.u32 $0x1, s0  }
0x85: {  	p0 =	seq.s32 s2, $0x1  }
0x86: {  	s2 =	simm.s32 @p0 $0x9  }
0x87: {  	_ =	swait.ge @p0 [sflag:s2], $0x4000  }
0x88: {  	[sflag:s2] =	ssyncset.done @p0 $0x0  }
0x89: {  	s30 =	sadd.s32 @p0 $0x1, s0;
	[sflag:s2] =	ssyncadd.s32 @p0 $0xFFFFC000;
	s2 =	simm.s32 @p0 $0xB  }
0x8a: {  	p1 =	sge.u32 @p0 s30, s8;
	_ =	swait.ge @p0 [sflag:s2], $0x800  }
0x8b: {  	p2 =	por !p1, !p0;
	[sflag:s2] =	ssyncset.done @p0 $0x0  }
0x8c: {  	[sflag:s2] =	ssyncadd.s32 @p0 $0xFFFFF800;
	s2 =	simm.s32 @!p2 $0x7  }
0x8d: {  	_ =	swait.ge @!p2 [sflag:s2], $0x2000  }
0x8e: {  	p1 =	por p1, !p0;
	[sflag:s2] =	ssyncset.done @!p2 $0x0  }
0x8f: {  	s11 =	sadd.s32 @!p1 s9, s30;
	[sflag:s2] =	ssyncadd.s32 @!p2 $0xFFFFE000;
	s2 =	simm.s32 @!p2 $0x8  }
0x90: {  	s11 =	sshll.u32 @!p1 s11, $0x4;
	_ =	swait.ge @!p2 [sflag:s2], $0x2000  }
0x91: {  	s11 =	sand.u32 @!p1 $0x1FFFFFF0, s11;
	[sflag:s2] =	ssyncset.done @!p2 $0x0  }
0x92: {  	s12 =	simm.s32 @!p1 $0x0;
	[sflag:s2] =	ssyncadd.s32 @!p2 $0xFFFFE000;
	s2 =	sadd.s32 @!p1 s6, s11  }
0x93: {  	[tilespmem:s12], [sflag:$0x1] =	stream.linear.gather @!p1 [hbm4b:s2+s12], $0x80, $0x38;
	[tilespmem:$0x1F200] =	vst v63  }
0x94: {  	s2 =	sadd.s32 @!p1 s7, s11;
	s11 =	simm.s32 @!p1 $0x100  }
0x95: {  	[tilespmem:s11], [sflag:$0x3] =	stream.linear.gather @!p1 [hbm4b:s2+s12], $0x80, $0x38;
	[tilespmem:$0x1F200] =	vst v63  }
0x96: {  	s2 =	simm.s32 @!p1 $0x7  }
0x97: {  	_ =	swait.ge @!p1 [sflag:s2], $0x2000  }
0x98: {  	[sflag:s2] =	ssyncset.done @!p1 $0x0  }
0x99: {  	[sflag:s2] =	ssyncadd.s32 @!p1 $0xFFFFE000;
	s2 =	simm.s32 @!p1 $0x8  }
0x9a: {  	_ =	swait.ge @!p1 [sflag:s2], $0x2000  }
0x9b: {  	[sflag:s2] =	ssyncset.done @!p1 $0x0  }
0x9c: {  	[sflag:s2] =	ssyncadd.s32 @!p1 $0xFFFFE000;
	s2 =	simm.s32 @!p1 $0x1  }
0x9d: {  	_ =	swait.ge @!p1 [sflag:s2], $0x80  }
0x9e: {  	[sflag:s2] =	ssyncset.done @!p1 $0x0  }
0x9f: {  	[sflag:s2] =	ssyncadd.s32 @!p1 $0xFFFFFF80;
	s2 =	simm.s32 @!p1 $0x3  }
0xa0: {  	_ =	swait.ge @!p1 [sflag:s2], $0x80  }
0xa1: {  	[sflag:s2] =	ssyncset.done @!p1 $0x0  }
0xa2: {  	s11 =	simm.s32 @!p1 $0x200;
	[sflag:s2] =	ssyncadd.s32 @!p1 $0xFFFFFF80;
	s2 =	simm.s32 @!p1 $0x40  }
0xa3: {  	[tilespmem:s11], [sflag:$0x5] =	stream.indirect.gather @!p1 [hbm4b:s1+s2], $0x80, s12, s2, $0xb8;
	[tilespmem:$0x1F200] =	vst v63  }
0xa4: {  	s11 =	simm.s32 @!p1 $0x2200;
	s12 =	simm.s32 @p0 $0x4200  }
0xa5: {  	[tilespmem:s11], [sflag:$0x6] =	stream.indirect.gather @!p1 [hbm4b:s1+s2], $0x80, s2, s2, $0xb8;
	[tilespmem:$0x1F200] =	vst v63  }
0xa6: {  	s2 =	simm.s32 @p0 $0x80;
	s11 =	simm.s32 @p0 $0x180;
	p1 =	seq.s32 @!p0 s0, $0x0  }
0xa7: {  	[spmem:s3] =	stream.indirect.scatter.add.f32 @p0 [tilespmem:s12], [sflag:$0xA], $0x80, s11, s2, $0xb8;
	[tilespmem:$0x1F200] =	vst v63  }
0xa8: {  	p1 =	por p1, p0;
	s12 =	simm.s32 @p0 $0x1EA00  }
0xa9: {  	[spmem:s4] =	stream.indirect.scatter.add.f32 @p0 [tilespmem:s12], [sflag:$0xC], $0x10, s11, s2, $0xb8;
	[tilespmem:$0x1F200] =	vst v63  }
0xaa: {  	s2 =	simm.s32 @!p1 $0xA  }
0xab: {  	_ =	swait.ge @!p1 [sflag:s2], $0x4000  }
0xac: {  	[sflag:s2] =	ssyncset.done @!p1 $0x0  }
0xad: {  	s0 =	sor.u32 @!p0 $0x1, s0;
	[sflag:s2] =	ssyncadd.s32 @!p1 $0xFFFFC000;
	s2 =	simm.s32 @!p1 $0xC  }
0xae: {  	p2 =	sge.u32 @!p0 s0, s8;
	_ =	swait.ge @!p1 [sflag:s2], $0x800  }
0xaf: {  	p3 =	por !p2, p0;
	[sflag:s2] =	ssyncset.done @!p1 $0x0  }
0xb0: {  	[sflag:s2] =	ssyncadd.s32 @!p1 $0xFFFFF800;
	s2 =	simm.s32 @!p3 $0x5  }
0xb1: {  	_ =	swait.ge @!p3 [sflag:s2], $0x2000  }
0xb2: {  	[sflag:s2] =	ssyncset.done @!p3 $0x0  }
0xb3: {  	p1 =	por p2, p0;
	[sflag:s2] =	ssyncadd.s32 @!p3 $0xFFFFE000;
	s2 =	simm.s32 @!p3 $0x6  }
0xb4: {  	s11 =	sadd.s32 @!p1 s9, s0;
	_ =	swait.ge @!p3 [sflag:s2], $0x2000  }
0xb5: {  	s11 =	sshll.u32 @!p1 s11, $0x4;
	[sflag:s2] =	ssyncset.done @!p3 $0x0  }
0xb6: {  	[sflag:s2] =	ssyncadd.s32 @!p3 $0xFFFFE000;
	s2 =	sand.u32 @!p1 $0x1FFFFFF0, s11  }
0xb7: {  	s12 =	simm.s32 @!p1 $0x0;
	s13 =	simm.s32 @!p1 $0x80;
	s11 =	sadd.s32 @!p1 s6, s2  }
0xb8: {  	[tilespmem:s13], [sflag:$0x2] =	stream.linear.gather @!p1 [hbm4b:s11+s12], $0x80, $0x38;
	[tilespmem:$0x1F200] =	vst v63  }
0xb9: {  	s2 =	sadd.s32 @!p1 s7, s2;
	s11 =	simm.s32 @!p1 $0x180  }
0xba: {  	[tilespmem:s11], [sflag:$0x4] =	stream.linear.gather @!p1 [hbm4b:s2+s12], $0x80, $0x38;
	[tilespmem:$0x1F200] =	vst v63  }
0xbb: {  	s2 =	simm.s32 @!p1 $0x5  }
0xbc: {  	_ =	swait.ge @!p1 [sflag:s2], $0x2000  }
0xbd: {  	[sflag:s2] =	ssyncset.done @!p1 $0x0  }
0xbe: {  	[sflag:s2] =	ssyncadd.s32 @!p1 $0xFFFFE000;
	s2 =	simm.s32 @!p1 $0x6  }
0xbf: {  	_ =	swait.ge @!p1 [sflag:s2], $0x2000  }
0xc0: {  	[sflag:s2] =	ssyncset.done @!p1 $0x0  }
0xc1: {  	[sflag:s2] =	ssyncadd.s32 @!p1 $0xFFFFE000;
	s2 =	simm.s32 @!p1 $0x2  }
0xc2: {  	_ =	swait.ge @!p1 [sflag:s2], $0x80  }
0xc3: {  	[sflag:s2] =	ssyncset.done @!p1 $0x0  }
0xc4: {  	[sflag:s2] =	ssyncadd.s32 @!p1 $0xFFFFFF80;
	s2 =	simm.s32 @!p1 $0x4  }
0xc5: {  	_ =	swait.ge @!p1 [sflag:s2], $0x80  }
0xc6: {  	[sflag:s2] =	ssyncset.done @!p1 $0x0  }
0xc7: {  	s11 =	simm.s32 @!p1 $0x4200;
	[sflag:s2] =	ssyncadd.s32 @!p1 $0xFFFFFF80;
	s2 =	simm.s32 @!p1 $0x40  }
0xc8: {  	[tilespmem:s11], [sflag:$0x7] =	stream.indirect.gather @!p1 [hbm4b:s1+s2], $0x80, s13, s2, $0xb8;
	[tilespmem:$0x1F200] =	vst v63  }
0xc9: {  	s12 =	simm.s32 @!p1 $0x6200;
	s11 =	simm.s32 @!p1 $0xC0  }
0xca: {  	[tilespmem:s12], [sflag:$0x8] =	stream.indirect.gather @!p1 [hbm4b:s1+s2], $0x80, s11, s2, $0xb8;
	[tilespmem:$0x1F200] =	vst v63  }
0xcb: {  	s2 =	simm.s32 @!p0 $0x80;
	s11 =	simm.s32 @!p0 $0x100;
	s12 =	simm.s32 @!p0 $0x200  }
0xcc: {  	[spmem:s3] =	stream.indirect.scatter.add.f32 @!p0 [tilespmem:s12], [sflag:$0x9], $0x80, s11, s2, $0xb8;
	[tilespmem:$0x1F200] =	vst v63  }
0xcd: {  	s0 =	smov.u32 @p0 s30;
	s12 =	simm.s32 @!p0 $0x1EA00  }
0xce: {  	[spmem:s4] =	stream.indirect.scatter.add.f32 @!p0 [tilespmem:s12], [sflag:$0xB], $0x10, s11, s2, $0xb8;
	[tilespmem:$0x1F200] =	vst v63  }
0xcf: {  	p0 =	sne.s32 s0, s8  }
.Ltmp7:
0xd0: {  	_ = 	snop;
	(pc) =	sbr.rel @p0 .LBB2_15-.Ltmp7, $1  }
0xd1: {  	_ =	sdelay $0x3  }
0xd2: {  	_ =	swait.ge [sflag:s25], $0x4000  }
0xd3: {  	[sflag:s25] =	ssyncset.done $0x0  }
0xd4: {  	[sflag:s25] =	ssyncadd.s32 $0xFFFFC000  }
0xd5: {  	_ =	swait.ge [sflag:s26], $0x800  }
0xd6: {  	s0 =	stileid.u32;
	[sflag:s26] =	ssyncset.done $0x0  }
0xd7: {  	s2 =	sshrl.u32 s10, $0x3;
	s0 =	sshll.u32 s0, $0x6;
	[sflag:s26] =	ssyncadd.s32 $0xFFFFF800  }
0xd8: {  	s30 =	sshrl.u32 s15, $0x3;
	s0 =	sor.u32 $0x1C0E, s0;
	[bflag:$0x0] =	sbarrier.arrive $0xFFFF  }
0xd9: {  	[hbm:s22], [sflag:s0] =	dma.local [spmem:s2], $0x2800  }
0xda: {  	s11 =	simm.s32 $0x1;
	s5 =	sadd.s32 $0x1, s5;
	_ =	swait.ge [sflag:s29], $0x2800  }
0xdb: {  	s12 =	simm.s32 $0x10;
	p0 =	sne.s32 s5, s24;
	[sflag:s29] =	ssyncset.done $0x0  }
.Ltmp8:
0xdc: {  	s13 =	simm.s32 $0x2;
	[sflag:s29] =	ssyncadd.s32 $0xFFFFD800;
	(pc) =	sbr.rel @p0 .LBB2_1-.Ltmp8, $4  }
0xdd: {  	[hbm:s23@s12], [sflag:s0] =	dma.strided [spmem:s30@s13], $0x500, s11, $0x2   }
0xde: {  	_ =	swait.ge [sflag:s29], $0x500  }
0xdf: {  	[sflag:s29] =	ssyncset.done $0x0  }
0xe0: {  	[sflag:s29] =	ssyncadd.s32 $0xFFFFFB00  }
0xe1: {  	_ =	sfence.sel $0x180000  }
0xe2: {  	[bflag:$0x0] =	sbarrier.arrive $0xFFFF  }
0xe3: {  	_ =	strace $0x90000047  }
0xe4: {  	s0 =	stileid.u32;
	[bflag:$0x2] =	sbarrier.arrive $0xFFFF  }
0xe5: {  	p0 =	sne.s32 s0, $0x0;
	s0 =	rddreg [dreg:$0x4]  }
0xe6: {  	s0 =	sadd.s32 @!p0 $0x100000, s0  }
0xe7: {  	[sflag:s0] =	ssyncadd.tile.s32 @!p0 $0x1;
	_ =	shalt  }
.Lfunc_end2:
_tile_overlayer_lowered:
.L_overlay_start_2:
0xe8: {  	(tag) =	ssettag $0x2  }
0xe9: {  	s0 =	rddreg [dreg:$0x0];
	s2 =	stileid.u32  }
0xea: {  	s1 =	rddreg [dreg:$0x1];
	p0 =	sne.s32 s2, $0x0  }
0xeb: {  	s3 =	rddreg [dreg:$0x2];
	[bflag:$0x3] =	sbarrier.arrive $0xFFFF;
	s2 =	simm.s32 @!p0 $0x1C0E  }
0xec: {  	[timem:s3], [sflag:s2] =	dma.local @!p0 [hbm:s0], s1  }
0xed: {  	s0 =	simm.s32 @!p0 $0xE  }
0xee: {  	_ =	swait.ge @!p0 [sflag:s0], s1  }
0xef: {  	s1 =	ssub.s32 @!p0 $0x0, s1;
	[sflag:s0] =	ssyncset.done @!p0 $0x0  }
0xf0: {  	[sflag:s0] =	ssyncadd.s32 @!p0 s1  }
0xf1: {  	[bflag:$0x3] =	sbarrier.arrive $0xFFFF  }
0xf2: {  	_ =	shalt  }

</sc_bundles>
